<compile_context>
chip_gen: v7x
topology: tpu7x:2x2x1
jax: 0.10.2.dev20260603
libtpu: 0.0.44.dev20260713+nightly
codegen_flags: <defaults>
</compile_context>

<pallas_src>
import functools

import jax
import jax.numpy as jnp
from jax import lax
from jax.experimental import pallas as pl
from jax.experimental.pallas import tpu as pltpu
from jax.experimental.pallas import tpu_sc as plsc

N = 10000
E = 320000
F = 128
MAXDEG = 10
NG = 500
NGP = 512

NC = 2
NS = 16
NW = NC * NS
EPW = E // NW
CHUNK = 80
NCHUNK = EPW // CHUNK
NBUF = 4
NFULL = NCHUNK // NBUF
NPAD = 10240
RPS = NPAD // NS



def _sc_segsum_body(h_hbm, src_hbm, dst_hbm, zeros_hbm, out_hbm,
                    sb0, sb1, sb2, sb3, db0, db1, db2, db3,
                    r0, r1, r2, r3, agg_sh, isem, gsem):
    c = lax.axis_index("c")
    s = lax.axis_index("s")
    sbufs = [sb0, sb1, sb2, sb3]
    dbufs = [db0, db1, db2, db3]
    rbufs = [r0, r1, r2, r3]
    pltpu.sync_copy(zeros_hbm.at[pl.ds(s * RPS, RPS)],
                    agg_sh.at[pl.ds(s * RPS, RPS)])
    plsc.subcore_barrier()

    ebase = (s * NC + c) * EPW

    def iload(i, b):
        off = ebase + i * CHUNK
        pltpu.async_copy(src_hbm.at[pl.ds(off, CHUNK)], sbufs[b], isem)
        pltpu.async_copy(dst_hbm.at[pl.ds(off, CHUNK)], dbufs[b], isem)

    def iwait(b):
        pltpu.make_async_copy(src_hbm.at[pl.ds(0, CHUNK)], sbufs[b],
                              isem).wait()
        pltpu.make_async_copy(dst_hbm.at[pl.ds(0, CHUNK)], dbufs[b],
                              isem).wait()

    def gstart(b):
        pltpu.async_copy(h_hbm.at[sbufs[b]], rbufs[b], gsem)

    def gwait(b):
        pltpu.make_async_copy(h_hbm.at[sbufs[b]], rbufs[b], gsem).wait()

    for b in range(NBUF):
        iload(b, b)

    def body(g, carry):
        base = g * NBUF
        for b in range(NBUF):
            iwait(b)
            gstart(b)
        for b in range(NBUF):
            gwait(b)
            pltpu.sync_copy(rbufs[b], agg_sh.at[dbufs[b]], add=True)
            nxt = base + NBUF + b

            @pl.when(nxt < NCHUNK)
            def _():
                iload(nxt, b)

        return carry

    lax.fori_loop(0, NFULL, body, 0)
    iwait(0)
    gstart(0)
    gwait(0)
    pltpu.sync_copy(rbufs[0], agg_sh.at[dbufs[0]], add=True)

    plsc.subcore_barrier()
    pltpu.sync_copy(agg_sh.at[pl.ds(s * RPS, RPS)],
                    out_hbm.at[c, pl.ds(s * RPS, RPS)])


def _sc_degcount_body(dst_hbm, zeros_hbm, ones_hbm, out_hbm,
                      db0, db1, db2, db3, ones_v, deg_sh, isem, ssem):
    c = lax.axis_index("c")
    s = lax.axis_index("s")
    dbufs = [db0, db1, db2, db3]
    pltpu.sync_copy(zeros_hbm.at[pl.ds(s * RPS, RPS)],
                    deg_sh.at[pl.ds(s * RPS, RPS)])
    pltpu.sync_copy(ones_hbm, ones_v)
    plsc.subcore_barrier()

    ebase = (s * NC + c) * EPW

    def iload(i, b):
        off = ebase + i * CHUNK
        pltpu.async_copy(dst_hbm.at[pl.ds(off, CHUNK)], dbufs[b], isem)

    def iwait(b):
        pltpu.make_async_copy(dst_hbm.at[pl.ds(0, CHUNK)], dbufs[b],
                              isem).wait()

    def sstart(b):
        return pltpu.async_copy(ones_v, deg_sh.at[dbufs[b]], ssem,
                                add=True)

    for b in range(NBUF):
        iload(b, b)

    def body(g, carry):
        base = g * NBUF
        descs = []
        for b in range(NBUF):
            iwait(b)
            descs.append(sstart(b))
        for b in range(NBUF):
            descs[b].wait()
            nxt = base + NBUF + b

            @pl.when(nxt < NCHUNK)
            def _():
                iload(nxt, b)

        return carry

    lax.fori_loop(0, NFULL, body, 0)
    iwait(0)
    sstart(0).wait()

    plsc.subcore_barrier()
    pltpu.sync_copy(deg_sh.at[pl.ds(s * RPS, RPS)],
                    out_hbm.at[c, pl.ds(s * RPS, RPS)])


@functools.lru_cache(maxsize=None)
def _sc_kernels():
    mesh = plsc.VectorSubcoreMesh(core_axis_name="c", subcore_axis_name="s",
                                  num_cores=NC, num_subcores=NS)
    idx = pltpu.VMEM((CHUNK,), jnp.int32)
    rows = pltpu.VMEM((CHUNK, F), jnp.float32)
    segsum = pl.kernel(
        _sc_segsum_body,
        out_type=jax.ShapeDtypeStruct((NC, NPAD, F), jnp.float32),
        mesh=mesh,
        scratch_types=[idx] * 8 + [rows] * 4 + [
            pltpu.VMEM_SHARED((NPAD, F), jnp.float32),
            pltpu.SemaphoreType.DMA,
            pltpu.SemaphoreType.DMA,
        ],
    )
    degcount = pl.kernel(
        _sc_degcount_body,
        out_type=jax.ShapeDtypeStruct((NC, NPAD, F), jnp.float32),
        mesh=mesh,
        scratch_types=[idx] * 4 + [
            pltpu.VMEM((CHUNK, F), jnp.float32),
            pltpu.VMEM_SHARED((NPAD, F), jnp.float32),
            pltpu.SemaphoreType.DMA,
            pltpu.SemaphoreType.DMA,
        ],
    )
    return segsum, degcount


def _sc_segsum(h, src, dst, zeros):
    return _sc_kernels()[0](h, src, dst, zeros)


def _sc_degcount(dst, zeros):
    ones = jnp.ones((CHUNK, F), jnp.float32)
    return _sc_kernels()[1](dst, zeros, ones)



BLK = 1000
NBLK = N // BLK


def _leaky(v):
    return jnp.where(v >= 0, v, 0.01 * v)


def _tc_layer_body(agg_ref, h_ref, degp_ref, Wl_ref, bl_ref, Wr_ref, out_ref):
    agg = agg_ref[0] + agg_ref[1]
    deg = degp_ref[0, :, 0:1] + degp_ref[1, :, 0:1]
    deg = jnp.clip(deg, 0.0, float(MAXDEG))
    h = h_ref[...]
    acc = jnp.zeros((BLK, F), jnp.float32)
    for d in range(MAXDEG + 1):
        r = (jnp.dot(agg, Wl_ref[d], preferred_element_type=jnp.float32)
             + bl_ref[d][None, :]
             + jnp.dot(h, Wr_ref[d], preferred_element_type=jnp.float32))
        acc = jnp.where(deg == float(d), r, acc)
    out_ref[...] = _leaky(acc)


_tc_layer = pl.pallas_call(
    _tc_layer_body,
    grid=(NBLK,),
    in_specs=[
        pl.BlockSpec((NC, BLK, F), lambda i: (0, i, 0)),
        pl.BlockSpec((BLK, F), lambda i: (i, 0)),
        pl.BlockSpec((NC, BLK, 16), lambda i: (0, i, 0)),
        pl.BlockSpec((MAXDEG + 1, F, F), lambda i: (0, 0, 0)),
        pl.BlockSpec((MAXDEG + 1, F), lambda i: (0, 0)),
        pl.BlockSpec((MAXDEG + 1, F, F), lambda i: (0, 0, 0)),
    ],
    out_specs=pl.BlockSpec((BLK, F), lambda i: (i, 0)),
    out_shape=jax.ShapeDtypeStruct((N, F), jnp.float32),
)


def _tc_pool_body(h_ref, batch_ref, out_ref):
    @pl.when(pl.program_id(0) == 0)
    def _():
        out_ref[...] = jnp.zeros_like(out_ref)

    gids = lax.broadcasted_iota(jnp.int32, (1, NGP), 1)
    oh = (batch_ref[...] == gids).astype(jnp.float32)
    out_ref[...] += lax.dot_general(
        oh, h_ref[...], (((0,), (0,)), ((), ())),
        preferred_element_type=jnp.float32)


_tc_pool = pl.pallas_call(
    _tc_pool_body,
    grid=(NBLK,),
    in_specs=[
        pl.BlockSpec((BLK, F), lambda i: (i, 0)),
        pl.BlockSpec((BLK, 1), lambda i: (i, 0)),
    ],
    out_specs=pl.BlockSpec((NGP, F), lambda i: (0, 0)),
    out_shape=jax.ShapeDtypeStruct((NGP, F), jnp.float32),
)


def _tc_mlp_body(h1_ref, h2_ref, h3_ref, batch_ref, pool_ref,
                 Wc1_ref, bc1_ref, Wcls_ref, bcls_ref, wf_ref, bf_ref,
                 out_ref):
    gids = lax.broadcasted_iota(jnp.int32, (1, NGP), 1)
    oh = (batch_ref[...] == gids).astype(jnp.float32)
    hp = jnp.dot(oh, pool_ref[...], preferred_element_type=jnp.float32)
    cat = jnp.concatenate([h1_ref[...], h2_ref[...], h3_ref[...], hp], axis=1)
    z = (jnp.dot(cat, Wc1_ref[...], preferred_element_type=jnp.float32)
         + bc1_ref[0][None, :])
    for i in range(2):
        z = _leaky(jnp.dot(z, Wcls_ref[i], preferred_element_type=jnp.float32)
                   + bcls_ref[i][None, :])
    o = (jnp.dot(z, wf_ref[...].reshape(F, 1),
                 preferred_element_type=jnp.float32)
         + bf_ref[0, 0])
    o = jax.nn.sigmoid(o)
    out_ref[...] = jnp.broadcast_to(o, (BLK, F))


def _make_mlp():
    return pl.pallas_call(
        _tc_mlp_body,
        grid=(NBLK,),
        in_specs=[
            pl.BlockSpec((BLK, F), lambda i: (i, 0)),
            pl.BlockSpec((BLK, F), lambda i: (i, 0)),
            pl.BlockSpec((BLK, F), lambda i: (i, 0)),
            pl.BlockSpec((BLK, 1), lambda i: (i, 0)),
            pl.BlockSpec((NGP, F), lambda i: (0, 0)),
            pl.BlockSpec((4 * F, F), lambda i: (0, 0)),
            pl.BlockSpec((1, F), lambda i: (0, 0)),
            pl.BlockSpec((2, F, F), lambda i: (0, 0, 0)),
            pl.BlockSpec((2, F), lambda i: (0, 0)),
            pl.BlockSpec((1, F), lambda i: (0, 0)),
            pl.BlockSpec((1, 1), lambda i: (0, 0)),
        ],
        out_specs=pl.BlockSpec((BLK, F), lambda i: (i, 0)),
        out_shape=jax.ShapeDtypeStruct((N, F), jnp.float32),
    )


_tc_mlp = _make_mlp()



def kernel(x, edge_index, edge_attr, batch, conv_Wl, conv_bl, conv_Wr,
           Wc1, bc1, Wcls, bcls, Wf, bf):
    src = edge_index[0]
    dst = edge_index[1]
    zeros_f = jnp.zeros((NPAD, F), jnp.float32)

    degp = _sc_degcount(dst, zeros_f)[:, :, :16]
    batch2 = batch.reshape(N, 1)

    hs = []
    h = x
    for layer in range(3):
        aggp = _sc_segsum(h, src, dst, zeros_f)
        h = _tc_layer(aggp, h, degp, conv_Wl[layer], conv_bl[layer],
                      conv_Wr[layer])
        hs.append(h)

    pool = _tc_pool(hs[2], batch2)

    out = _tc_mlp(hs[0], hs[1], hs[2], batch2, pool, Wc1,
                  bc1.reshape(1, F), Wcls, bcls.reshape(2, F),
                  Wf.reshape(1, F), bf.reshape(1, 1))
    return out[:, :1]

# --- scband reference (transcript-rebuilt; emitter-appended) ---
"""Pipeline reference for scband-mf-33578054320566 (READ-ONLY COPY).

The authoritative reference and input builder live on the scoring server;
editing this copy changes nothing except your own understanding.
"""

import jax, jax.numpy as jnp
import numpy as np

IN = 128
OUT = 128
MAXDEG = 10
NCONV = 2
NCLS = 2
SZ = 128
N = 10000
E = 320000
NG = 500
D_EDGE = 16


def setup_inputs(seed: int = 0) -> dict:
    key = jax.random.key(seed)
    ks = jax.random.split(key, 16)
    x = jax.random.normal(ks[0], (N, IN), dtype=jnp.float32)
    edge_index = jax.random.randint(ks[1], (2, E), 0, N, dtype=jnp.int32)
    edge_attr = jax.random.normal(ks[2], (E, D_EDGE), dtype=jnp.float32)
    batch = jnp.sort(jax.random.randint(ks[3], (N,), 0, NG, dtype=jnp.int32))
    s_in = 1.0 / np.sqrt(IN)
    s_cat = 1.0 / np.sqrt(OUT * (NCONV + 2))
    s_sz = 1.0 / np.sqrt(SZ)
    conv_Wl = jax.random.uniform(ks[4], (NCONV + 1, MAXDEG + 1, IN, OUT), jnp.float32, -s_in, s_in)
    conv_bl = jax.random.uniform(ks[5], (NCONV + 1, MAXDEG + 1, OUT), jnp.float32, -s_in, s_in)
    conv_Wr = jax.random.uniform(ks[6], (NCONV + 1, MAXDEG + 1, IN, OUT), jnp.float32, -s_in, s_in)
    Wc1 = jax.random.uniform(ks[7], (OUT * (NCONV + 2), SZ), jnp.float32, -s_cat, s_cat)
    bc1 = jax.random.uniform(ks[8], (SZ,), jnp.float32, -s_cat, s_cat)
    Wcls = jax.random.uniform(ks[9], (NCLS, SZ, SZ), jnp.float32, -s_sz, s_sz)
    bcls = jax.random.uniform(ks[10], (NCLS, SZ), jnp.float32, -s_sz, s_sz)
    Wf = jax.random.uniform(ks[11], (SZ, 1), jnp.float32, -s_sz, s_sz)
    bf = jax.random.uniform(ks[12], (1,), jnp.float32, -s_sz, s_sz)
    return {"x": x, "edge_index": edge_index, "edge_attr": edge_attr, "batch": batch,
            "conv_Wl": conv_Wl, "conv_bl": conv_bl, "conv_Wr": conv_Wr,
            "Wc1": Wc1, "bc1": bc1, "Wcls": Wcls, "bcls": bcls, "Wf": Wf, "bf": bf}


def _leaky(v):
    return jnp.where(v >= 0, v, 0.01 * v)


def _mfconv(x, edge_index, Wl, bl, Wr):
    src = edge_index[0]
    dst = edge_index[1]
    deg = jnp.clip(jnp.bincount(dst, length=N), 0, MAXDEG)
    agg = jax.ops.segment_sum(x[src], dst, num_segments=N)
    out = jnp.zeros((x.shape[0], OUT), x.dtype)
    for d in range(MAXDEG + 1):
        r = agg @ Wl[d] + bl[d] + x @ Wr[d]
        out = jnp.where((deg == d)[:, None], r, out)
    return out


def reference(x, edge_index, edge_attr, batch, conv_Wl, conv_bl, conv_Wr, Wc1, bc1, Wcls, bcls, Wf, bf):
    hs = []
    h = _leaky(_mfconv(x, edge_index, conv_Wl[0], conv_bl[0], conv_Wr[0]))
    hs.append(h)
    for i in range(NCONV):
        h = _leaky(_mfconv(h, edge_index, conv_Wl[i + 1], conv_bl[i + 1], conv_Wr[i + 1]))
        hs.append(h)
    h_pool = jax.ops.segment_sum(h, batch, num_segments=NG)
    counts = jnp.bincount(batch, length=NG)
    h_pool_ = jnp.repeat(h_pool, counts, axis=0, total_repeat_length=N)
    h = jnp.concatenate(hs + [h_pool_], axis=1)
    h = h @ Wc1 + bc1
    for i in range(NCLS):
        h = _leaky(h @ Wcls[i] + bcls[i])
    h = h @ Wf + bf
    return jax.nn.sigmoid(h)

if __name__ == "__main__":
    import jax
    _d = setup_inputs()
    print(jax.jit(kernel)(*tuple(_d.values())))

</pallas_src>

<mosaic_0001>
#map = affine_map<(d0, d1) -> (0, 0)>
#map1 = affine_map<(d0, d1) -> (0)>
#map2 = affine_map<(d0, d1) -> (0, 0, 0)>
module attributes {stable_mosaic.version = 14 : i64} {
  func.func @_sc_segsum_body(%arg0: i32, %arg1: i32, %arg2: memref<10000x128xf32, #tpu.memory_space<hbm>>, %arg3: memref<320000xi32, #tpu.memory_space<hbm>>, %arg4: memref<320000xi32, #tpu.memory_space<hbm>>, %arg5: memref<10240x128xf32, #tpu.memory_space<hbm>>, %arg6: memref<2x10240x128xf32, #tpu.memory_space<hbm>>, %arg7: memref<80xi32, #tpu.memory_space<vmem>>, %arg8: memref<80xi32, #tpu.memory_space<vmem>>, %arg9: memref<80xi32, #tpu.memory_space<vmem>>, %arg10: memref<80xi32, #tpu.memory_space<vmem>>, %arg11: memref<80xi32, #tpu.memory_space<vmem>>, %arg12: memref<80xi32, #tpu.memory_space<vmem>>, %arg13: memref<80xi32, #tpu.memory_space<vmem>>, %arg14: memref<80xi32, #tpu.memory_space<vmem>>, %arg15: memref<80x128xf32, #tpu.memory_space<vmem>>, %arg16: memref<80x128xf32, #tpu.memory_space<vmem>>, %arg17: memref<80x128xf32, #tpu.memory_space<vmem>>, %arg18: memref<80x128xf32, #tpu.memory_space<vmem>>, %arg19: memref<10240x128xf32, #tpu.memory_space<vmem_shared>>, %arg20: memref<!tpu.dma_semaphore, #tpu.memory_space<semaphore_mem>>, %arg21: memref<!tpu.dma_semaphore, #tpu.memory_space<semaphore_mem>>) attributes {dimension_semantics = [#tpu.dimension_semantics<core_parallel>, #tpu.dimension_semantics<subcore_parallel>], iteration_bounds = array<i64: 2, 16>, scalar_prefetch = 0 : i64, scratch_operands = 15 : i64, tpu.core_type = #tpu.core_type<sc_vector_subcore>, window_params = [{transform_indices = #map}, {transform_indices = #map1}, {transform_indices = #map1}, {transform_indices = #map}, {transform_indices = #map2}]} {
    %mul3A = arith.constant 640 : i32
    %mul3A_0 = arith.muli %arg1, %mul3A : i32
    %mul3A_1 = arith.constant 640 : i32
    %mul3A_2 = arith.muli %arg1, %mul3A_1 : i32
    "tpu.region"() ({
      %run_scoped3A = tpu.sem_alloc : memref<!tpu.dma_semaphore, #tpu.memory_space<semaphore_mem>>
      %dma_start3A_53 = arith.constant 0 : i32
      %dma_start3A_54 = tpu.memref_slice %arg19[%mul3A_2, %dma_start3A_53] : memref<10240x128xf32, #tpu.memory_space<vmem_shared>> -> memref<640x128xf32, #tpu.memory_space<vmem_shared>>
      %dma_start3A_55 = arith.constant 0 : i32
      %dma_start3A_56 = tpu.memref_slice %arg5[%mul3A_0, %dma_start3A_55] : memref<10240x128xf32, #tpu.memory_space<hbm>> -> memref<640x128xf32, #tpu.memory_space<hbm>>
      tpu.enqueue_dma source(%dma_start3A_56 : memref<640x128xf32, #tpu.memory_space<hbm>>) target(%dma_start3A_54 : memref<640x128xf32, #tpu.memory_space<vmem_shared>>) target_semaphore(%run_scoped3A : memref<!tpu.dma_semaphore, #tpu.memory_space<semaphore_mem>>)
      %dma_wait3A_57 = arith.constant 0 : i32
      %dma_wait3A_58 = tpu.memref_slice %arg19[%mul3A_2, %dma_wait3A_57] : memref<10240x128xf32, #tpu.memory_space<vmem_shared>> -> memref<640x128xf32, #tpu.memory_space<vmem_shared>>
      %dma_wait3A_59 = arith.constant 0 : i32
      %dma_wait3A_60 = tpu.memref_slice %arg5[%mul3A_0, %dma_wait3A_59] : memref<10240x128xf32, #tpu.memory_space<hbm>> -> memref<640x128xf32, #tpu.memory_space<hbm>>
      tpu.wait_dma2 semaphore(%run_scoped3A : memref<!tpu.dma_semaphore, #tpu.memory_space<semaphore_mem>>) src(%dma_wait3A_60 : memref<640x128xf32, #tpu.memory_space<hbm>>) dst(%dma_wait3A_58 : memref<640x128xf32, #tpu.memory_space<vmem_shared>>)
      tpu.yield
    }) : () -> ()
    %barrier3A = arith.constant 0 : index
    tpu.barrier barrier_id(%barrier3A)
    %mul3A_3 = arith.constant 2 : i32
    %mul3A_4 = arith.muli %arg1, %mul3A_3 : i32
    %add3A = arith.addi %mul3A_4, %arg0 : i32
    %mul3A_5 = arith.constant 10000 : i32
    %mul3A_6 = arith.muli %add3A, %mul3A_5 : i32
    %add3A_7 = arith.constant 0 : i32
    %add3A_8 = arith.addi %mul3A_6, %add3A_7 : i32
    %dma_start3A = tpu.memref_slice %arg3[%add3A_8] : memref<320000xi32, #tpu.memory_space<hbm>> -> memref<80xi32, #tpu.memory_space<hbm>>
    %dma_start3A_9 = tpu.memref_slice %arg3[%add3A_8] : memref<320000xi32, #tpu.memory_space<hbm>> -> memref<80xi32, #tpu.memory_space<hbm>>
    tpu.enqueue_dma source(%dma_start3A_9 : memref<80xi32, #tpu.memory_space<hbm>>) target(%arg7 : memref<80xi32, #tpu.memory_space<vmem>>) target_semaphore(%arg20 : memref<!tpu.dma_semaphore, #tpu.memory_space<semaphore_mem>>)
    %dma_start3A_10 = tpu.memref_slice %arg4[%add3A_8] : memref<320000xi32, #tpu.memory_space<hbm>> -> memref<80xi32, #tpu.memory_space<hbm>>
    %dma_start3A_11 = tpu.memref_slice %arg4[%add3A_8] : memref<320000xi32, #tpu.memory_space<hbm>> -> memref<80xi32, #tpu.memory_space<hbm>>
    tpu.enqueue_dma source(%dma_start3A_11 : memref<80xi32, #tpu.memory_space<hbm>>) target(%arg11 : memref<80xi32, #tpu.memory_space<vmem>>) target_semaphore(%arg20 : memref<!tpu.dma_semaphore, #tpu.memory_space<semaphore_mem>>)
    %add3A_12 = arith.constant 80 : i32
    %add3A_13 = arith.addi %mul3A_6, %add3A_12 : i32
    %dma_start3A_14 = tpu.memref_slice %arg3[%add3A_13] : memref<320000xi32, #tpu.memory_space<hbm>> -> memref<80xi32, #tpu.memory_space<hbm>>
    %dma_start3A_15 = tpu.memref_slice %arg3[%add3A_13] : memref<320000xi32, #tpu.memory_space<hbm>> -> memref<80xi32, #tpu.memory_space<hbm>>
    tpu.enqueue_dma source(%dma_start3A_15 : memref<80xi32, #tpu.memory_space<hbm>>) target(%arg8 : memref<80xi32, #tpu.memory_space<vmem>>) target_semaphore(%arg20 : memref<!tpu.dma_semaphore, #tpu.memory_space<semaphore_mem>>)
    %dma_start3A_16 = tpu.memref_slice %arg4[%add3A_13] : memref<320000xi32, #tpu.memory_space<hbm>> -> memref<80xi32, #tpu.memory_space<hbm>>
    %dma_start3A_17 = tpu.memref_slice %arg4[%add3A_13] : memref<320000xi32, #tpu.memory_space<hbm>> -> memref<80xi32, #tpu.memory_space<hbm>>
    tpu.enqueue_dma source(%dma_start3A_17 : memref<80xi32, #tpu.memory_space<hbm>>) target(%arg12 : memref<80xi32, #tpu.memory_space<vmem>>) target_semaphore(%arg20 : memref<!tpu.dma_semaphore, #tpu.memory_space<semaphore_mem>>)
    %add3A_18 = arith.constant 160 : i32
    %add3A_19 = arith.addi %mul3A_6, %add3A_18 : i32
    %dma_start3A_20 = tpu.memref_slice %arg3[%add3A_19] : memref<320000xi32, #tpu.memory_space<hbm>> -> memref<80xi32, #tpu.memory_space<hbm>>
    %dma_start3A_21 = tpu.memref_slice %arg3[%add3A_19] : memref<320000xi32, #tpu.memory_space<hbm>> -> memref<80xi32, #tpu.memory_space<hbm>>
    tpu.enqueue_dma source(%dma_start3A_21 : memref<80xi32, #tpu.memory_space<hbm>>) target(%arg9 : memref<80xi32, #tpu.memory_space<vmem>>) target_semaphore(%arg20 : memref<!tpu.dma_semaphore, #tpu.memory_space<semaphore_mem>>)
    %dma_start3A_22 = tpu.memref_slice %arg4[%add3A_19] : memref<320000xi32, #tpu.memory_space<hbm>> -> memref<80xi32, #tpu.memory_space<hbm>>
    %dma_start3A_23 = tpu.memref_slice %arg4[%add3A_19] : memref<320000xi32, #tpu.memory_space<hbm>> -> memref<80xi32, #tpu.memory_space<hbm>>
    tpu.enqueue_dma source(%dma_start3A_23 : memref<80xi32, #tpu.memory_space<hbm>>) target(%arg13 : memref<80xi32, #tpu.memory_space<vmem>>) target_semaphore(%arg20 : memref<!tpu.dma_semaphore, #tpu.memory_space<semaphore_mem>>)
    %add3A_24 = arith.constant 240 : i32
    %add3A_25 = arith.addi %mul3A_6, %add3A_24 : i32
    %dma_start3A_26 = tpu.memref_slice %arg3[%add3A_25] : memref<320000xi32, #tpu.memory_space<hbm>> -> memref<80xi32, #tpu.memory_space<hbm>>
    %dma_start3A_27 = tpu.memref_slice %arg3[%add3A_25] : memref<320000xi32, #tpu.memory_space<hbm>> -> memref<80xi32, #tpu.memory_space<hbm>>
    tpu.enqueue_dma source(%dma_start3A_27 : memref<80xi32, #tpu.memory_space<hbm>>) target(%arg10 : memref<80xi32, #tpu.memory_space<vmem>>) target_semaphore(%arg20 : memref<!tpu.dma_semaphore, #tpu.memory_space<semaphore_mem>>)
    %dma_start3A_28 = tpu.memref_slice %arg4[%add3A_25] : memref<320000xi32, #tpu.memory_space<hbm>> -> memref<80xi32, #tpu.memory_space<hbm>>
    %dma_start3A_29 = tpu.memref_slice %arg4[%add3A_25] : memref<320000xi32, #tpu.memory_space<hbm>> -> memref<80xi32, #tpu.memory_space<hbm>>
    tpu.enqueue_dma source(%dma_start3A_29 : memref<80xi32, #tpu.memory_space<hbm>>) target(%arg14 : memref<80xi32, #tpu.memory_space<vmem>>) target_semaphore(%arg20 : memref<!tpu.dma_semaphore, #tpu.memory_space<semaphore_mem>>)
    %scan3A = arith.constant 0 : i32
    %scan3A_30 = arith.constant 0 : i32
    %scan3A_31 = arith.constant 31 : i32
    %scan3A_32 = arith.addi %scan3A_30, %scan3A_31 : i32
    %scan3A_33 = arith.constant 1 : i32
    scf.for %scan3A_53 = %scan3A_30 to %scan3A_32 step %scan3A_33  : i32 {
      %mul3A_54 = arith.constant 4 : i32
      %mul3A_55 = arith.muli %scan3A_53, %mul3A_54 : i32
      %dma_wait3A_56 = arith.constant 0 : i32
      %dma_wait3A_57 = tpu.memref_slice %arg3[%dma_wait3A_56] : memref<320000xi32, #tpu.memory_space<hbm>> -> memref<80xi32, #tpu.memory_space<hbm>>
      %dma_wait3A_58 = arith.constant 0 : i32
      %dma_wait3A_59 = tpu.memref_slice %arg3[%dma_wait3A_58] : memref<320000xi32, #tpu.memory_space<hbm>> -> memref<80xi32, #tpu.memory_space<hbm>>
      tpu.wait_dma2 semaphore(%arg20 : memref<!tpu.dma_semaphore, #tpu.memory_space<semaphore_mem>>) src(%dma_wait3A_59 : memref<80xi32, #tpu.memory_space<hbm>>) dst(%arg7 : memref<80xi32, #tpu.memory_space<vmem>>)
      %dma_wait3A_60 = arith.constant 0 : i32
      %dma_wait3A_61 = tpu.memref_slice %arg4[%dma_wait3A_60] : memref<320000xi32, #tpu.memory_space<hbm>> -> memref<80xi32, #tpu.memory_space<hbm>>
      %dma_wait3A_62 = arith.constant 0 : i32
      %dma_wait3A_63 = tpu.memref_slice %arg4[%dma_wait3A_62] : memref<320000xi32, #tpu.memory_space<hbm>> -> memref<80xi32, #tpu.memory_space<hbm>>
      tpu.wait_dma2 semaphore(%arg20 : memref<!tpu.dma_semaphore, #tpu.memory_space<semaphore_mem>>) src(%dma_wait3A_63 : memref<80xi32, #tpu.memory_space<hbm>>) dst(%arg11 : memref<80xi32, #tpu.memory_space<vmem>>)
      %dma_start3A_64 = arith.constant 0 : i32
      %dma_start3A_65 = arith.constant 0 : i32
      %dma_start3A_66 = tpu.memref_slice %arg2[%dma_start3A_64, %dma_start3A_65] : memref<10000x128xf32, #tpu.memory_space<hbm>> -> memref<10000x128xf32, #tpu.memory_space<hbm>>
      tpu.enqueue_indirect_dma source(%dma_start3A_66 : memref<10000x128xf32, #tpu.memory_space<hbm>>) target(%arg15 : memref<80x128xf32, #tpu.memory_space<vmem>>) offsets(%arg7 : memref<80xi32, #tpu.memory_space<vmem>>) semaphore(%arg21 : memref<!tpu.dma_semaphore, #tpu.memory_space<semaphore_mem>>)
      %dma_wait3A_67 = arith.constant 0 : i32
      %dma_wait3A_68 = tpu.memref_slice %arg3[%dma_wait3A_67] : memref<320000xi32, #tpu.memory_space<hbm>> -> memref<80xi32, #tpu.memory_space<hbm>>
      %dma_wait3A_69 = arith.constant 0 : i32
      %dma_wait3A_70 = tpu.memref_slice %arg3[%dma_wait3A_69] : memref<320000xi32, #tpu.memory_space<hbm>> -> memref<80xi32, #tpu.memory_space<hbm>>
      tpu.wait_dma2 semaphore(%arg20 : memref<!tpu.dma_semaphore, #tpu.memory_space<semaphore_mem>>) src(%dma_wait3A_70 : memref<80xi32, #tpu.memory_space<hbm>>) dst(%arg8 : memref<80xi32, #tpu.memory_space<vmem>>)
      %dma_wait3A_71 = arith.constant 0 : i32
      %dma_wait3A_72 = tpu.memref_slice %arg4[%dma_wait3A_71] : memref<320000xi32, #tpu.memory_space<hbm>> -> memref<80xi32, #tpu.memory_space<hbm>>
      %dma_wait3A_73 = arith.constant 0 : i32
      %dma_wait3A_74 = tpu.memref_slice %arg4[%dma_wait3A_73] : memref<320000xi32, #tpu.memory_space<hbm>> -> memref<80xi32, #tpu.memory_space<hbm>>
      tpu.wait_dma2 semaphore(%arg20 : memref<!tpu.dma_semaphore, #tpu.memory_space<semaphore_mem>>) src(%dma_wait3A_74 : memref<80xi32, #tpu.memory_space<hbm>>) dst(%arg12 : memref<80xi32, #tpu.memory_space<vmem>>)
      %dma_start3A_75 = arith.constant 0 : i32
      %dma_start3A_76 = arith.constant 0 : i32
      %dma_start3A_77 = tpu.memref_slice %arg2[%dma_start3A_75, %dma_start3A_76] : memref<10000x128xf32, #tpu.memory_space<hbm>> -> memref<10000x128xf32, #tpu.memory_space<hbm>>
      tpu.enqueue_indirect_dma source(%dma_start3A_77 : memref<10000x128xf32, #tpu.memory_space<hbm>>) target(%arg16 : memref<80x128xf32, #tpu.memory_space<vmem>>) offsets(%arg8 : memref<80xi32, #tpu.memory_space<vmem>>) semaphore(%arg21 : memref<!tpu.dma_semaphore, #tpu.memory_space<semaphore_mem>>)
      %dma_wait3A_78 = arith.constant 0 : i32
      %dma_wait3A_79 = tpu.memref_slice %arg3[%dma_wait3A_78] : memref<320000xi32, #tpu.memory_space<hbm>> -> memref<80xi32, #tpu.memory_space<hbm>>
      %dma_wait3A_80 = arith.constant 0 : i32
      %dma_wait3A_81 = tpu.memref_slice %arg3[%dma_wait3A_80] : memref<320000xi32, #tpu.memory_space<hbm>> -> memref<80xi32, #tpu.memory_space<hbm>>
      tpu.wait_dma2 semaphore(%arg20 : memref<!tpu.dma_semaphore, #tpu.memory_space<semaphore_mem>>) src(%dma_wait3A_81 : memref<80xi32, #tpu.memory_space<hbm>>) dst(%arg9 : memref<80xi32, #tpu.memory_space<vmem>>)
      %dma_wait3A_82 = arith.constant 0 : i32
      %dma_wait3A_83 = tpu.memref_slice %arg4[%dma_wait3A_82] : memref<320000xi32, #tpu.memory_space<hbm>> -> memref<80xi32, #tpu.memory_space<hbm>>
      %dma_wait3A_84 = arith.constant 0 : i32
      %dma_wait3A_85 = tpu.memref_slice %arg4[%dma_wait3A_84] : memref<320000xi32, #tpu.memory_space<hbm>> -> memref<80xi32, #tpu.memory_space<hbm>>
      tpu.wait_dma2 semaphore(%arg20 : memref<!tpu.dma_semaphore, #tpu.memory_space<semaphore_mem>>) src(%dma_wait3A_85 : memref<80xi32, #tpu.memory_space<hbm>>) dst(%arg13 : memref<80xi32, #tpu.memory_space<vmem>>)
      %dma_start3A_86 = arith.constant 0 : i32
      %dma_start3A_87 = arith.constant 0 : i32
      %dma_start3A_88 = tpu.memref_slice %arg2[%dma_start3A_86, %dma_start3A_87] : memref<10000x128xf32, #tpu.memory_space<hbm>> -> memref<10000x128xf32, #tpu.memory_space<hbm>>
      tpu.enqueue_indirect_dma source(%dma_start3A_88 : memref<10000x128xf32, #tpu.memory_space<hbm>>) target(%arg17 : memref<80x128xf32, #tpu.memory_space<vmem>>) offsets(%arg9 : memref<80xi32, #tpu.memory_space<vmem>>) semaphore(%arg21 : memref<!tpu.dma_semaphore, #tpu.memory_space<semaphore_mem>>)
      %dma_wait3A_89 = arith.constant 0 : i32
      %dma_wait3A_90 = tpu.memref_slice %arg3[%dma_wait3A_89] : memref<320000xi32, #tpu.memory_space<hbm>> -> memref<80xi32, #tpu.memory_space<hbm>>
      %dma_wait3A_91 = arith.constant 0 : i32
      %dma_wait3A_92 = tpu.memref_slice %arg3[%dma_wait3A_91] : memref<320000xi32, #tpu.memory_space<hbm>> -> memref<80xi32, #tpu.memory_space<hbm>>
      tpu.wait_dma2 semaphore(%arg20 : memref<!tpu.dma_semaphore, #tpu.memory_space<semaphore_mem>>) src(%dma_wait3A_92 : memref<80xi32, #tpu.memory_space<hbm>>) dst(%arg10 : memref<80xi32, #tpu.memory_space<vmem>>)
      %dma_wait3A_93 = arith.constant 0 : i32
      %dma_wait3A_94 = tpu.memref_slice %arg4[%dma_wait3A_93] : memref<320000xi32, #tpu.memory_space<hbm>> -> memref<80xi32, #tpu.memory_space<hbm>>
      %dma_wait3A_95 = arith.constant 0 : i32
      %dma_wait3A_96 = tpu.memref_slice %arg4[%dma_wait3A_95] : memref<320000xi32, #tpu.memory_space<hbm>> -> memref<80xi32, #tpu.memory_space<hbm>>
      tpu.wait_dma2 semaphore(%arg20 : memref<!tpu.dma_semaphore, #tpu.memory_space<semaphore_mem>>) src(%dma_wait3A_96 : memref<80xi32, #tpu.memory_space<hbm>>) dst(%arg14 : memref<80xi32, #tpu.memory_space<vmem>>)
      %dma_start3A_97 = arith.constant 0 : i32
      %dma_start3A_98 = arith.constant 0 : i32
      %dma_start3A_99 = tpu.memref_slice %arg2[%dma_start3A_97, %dma_start3A_98] : memref<10000x128xf32, #tpu.memory_space<hbm>> -> memref<10000x128xf32, #tpu.memory_space<hbm>>
      tpu.enqueue_indirect_dma source(%dma_start3A_99 : memref<10000x128xf32, #tpu.memory_space<hbm>>) target(%arg18 : memref<80x128xf32, #tpu.memory_space<vmem>>) offsets(%arg10 : memref<80xi32, #tpu.memory_space<vmem>>) semaphore(%arg21 : memref<!tpu.dma_semaphore, #tpu.memory_space<semaphore_mem>>)
      %dma_wait3A_100 = arith.constant 0 : i32
      %dma_wait3A_101 = arith.constant 0 : i32
      %dma_wait3A_102 = tpu.memref_slice %arg2[%dma_wait3A_100, %dma_wait3A_101] : memref<10000x128xf32, #tpu.memory_space<hbm>> -> memref<10000x128xf32, #tpu.memory_space<hbm>>
      tpu.wait_indirect_dma semaphore(%arg21 : memref<!tpu.dma_semaphore, #tpu.memory_space<semaphore_mem>>) src(%dma_wait3A_102 : memref<10000x128xf32, #tpu.memory_space<hbm>>) dst(%arg15 : memref<80x128xf32, #tpu.memory_space<vmem>>)
      "tpu.region"() ({
        %run_scoped3A = tpu.sem_alloc : memref<!tpu.dma_semaphore, #tpu.memory_space<semaphore_mem>>
        %dma_start3A_145 = arith.constant 0 : i32
        %dma_start3A_146 = arith.constant 0 : i32
        %dma_start3A_147 = tpu.memref_slice %arg19[%dma_start3A_145, %dma_start3A_146] : memref<10240x128xf32, #tpu.memory_space<vmem_shared>> -> memref<10240x128xf32, #tpu.memory_space<vmem_shared>>
        tpu.enqueue_indirect_dma source(%arg15 : memref<80x128xf32, #tpu.memory_space<vmem>>) target(%dma_start3A_147 : memref<10240x128xf32, #tpu.memory_space<vmem_shared>>) offsets(%arg11 : memref<80xi32, #tpu.memory_space<vmem>>) semaphore(%run_scoped3A : memref<!tpu.dma_semaphore, #tpu.memory_space<semaphore_mem>>) {add = true}
        %dma_wait3A_148 = arith.constant 0 : i32
        %dma_wait3A_149 = arith.constant 0 : i32
        %dma_wait3A_150 = tpu.memref_slice %arg19[%dma_wait3A_148, %dma_wait3A_149] : memref<10240x128xf32, #tpu.memory_space<vmem_shared>> -> memref<10240x128xf32, #tpu.memory_space<vmem_shared>>
        tpu.wait_indirect_dma semaphore(%run_scoped3A : memref<!tpu.dma_semaphore, #tpu.memory_space<semaphore_mem>>) src(%arg15 : memref<80x128xf32, #tpu.memory_space<vmem>>) dst(%dma_wait3A_150 : memref<10240x128xf32, #tpu.memory_space<vmem_shared>>)
        tpu.yield
      }) : () -> ()
      %add3A_103 = arith.constant 4 : i32
      %add3A_104 = arith.addi %mul3A_55, %add3A_103 : i32
      %add3A_105 = arith.constant 0 : i32
      %add3A_106 = arith.addi %add3A_104, %add3A_105 : i32
      %lt3A = arith.constant 125 : i32
      %lt3A_107 = arith.cmpi slt, %add3A_106, %lt3A : i32
      %convert_element_type3A = arith.extui %lt3A_107 : i1 to i32
      %cond3A = arith.constant 0 : i32
      %cond3A_108 = arith.cmpi ne, %convert_element_type3A, %cond3A : i32
      scf.if %cond3A_108 {
        %mul3A_145 = arith.constant 80 : i32
        %mul3A_146 = arith.muli %add3A_106, %mul3A_145 : i32
        %add3A_147 = arith.addi %mul3A_6, %mul3A_146 : i32
        %dma_start3A_148 = tpu.memref_slice %arg3[%add3A_147] : memref<320000xi32, #tpu.memory_space<hbm>> -> memref<80xi32, #tpu.memory_space<hbm>>
        %dma_start3A_149 = tpu.memref_slice %arg3[%add3A_147] : memref<320000xi32, #tpu.memory_space<hbm>> -> memref<80xi32, #tpu.memory_space<hbm>>
        tpu.enqueue_dma source(%dma_start3A_149 : memref<80xi32, #tpu.memory_space<hbm>>) target(%arg7 : memref<80xi32, #tpu.memory_space<vmem>>) target_semaphore(%arg20 : memref<!tpu.dma_semaphore, #tpu.memory_space<semaphore_mem>>)
        %dma_start3A_150 = tpu.memref_slice %arg4[%add3A_147] : memref<320000xi32, #tpu.memory_space<hbm>> -> memref<80xi32, #tpu.memory_space<hbm>>
        %dma_start3A_151 = tpu.memref_slice %arg4[%add3A_147] : memref<320000xi32, #tpu.memory_space<hbm>> -> memref<80xi32, #tpu.memory_space<hbm>>
        tpu.enqueue_dma source(%dma_start3A_151 : memref<80xi32, #tpu.memory_space<hbm>>) target(%arg11 : memref<80xi32, #tpu.memory_space<vmem>>) target_semaphore(%arg20 : memref<!tpu.dma_semaphore, #tpu.memory_space<semaphore_mem>>)
      } else {
      }
      %dma_wait3A_109 = arith.constant 0 : i32
      %dma_wait3A_110 = arith.constant 0 : i32
      %dma_wait3A_111 = tpu.memref_slice %arg2[%dma_wait3A_109, %dma_wait3A_110] : memref<10000x128xf32, #tpu.memory_space<hbm>> -> memref<10000x128xf32, #tpu.memory_space<hbm>>
      tpu.wait_indirect_dma semaphore(%arg21 : memref<!tpu.dma_semaphore, #tpu.memory_space<semaphore_mem>>) src(%dma_wait3A_111 : memref<10000x128xf32, #tpu.memory_space<hbm>>) dst(%arg16 : memref<80x128xf32, #tpu.memory_space<vmem>>)
      "tpu.region"() ({
        %run_scoped3A = tpu.sem_alloc : memref<!tpu.dma_semaphore, #tpu.memory_space<semaphore_mem>>
        %dma_start3A_145 = arith.constant 0 : i32
        %dma_start3A_146 = arith.constant 0 : i32
        %dma_start3A_147 = tpu.memref_slice %arg19[%dma_start3A_145, %dma_start3A_146] : memref<10240x128xf32, #tpu.memory_space<vmem_shared>> -> memref<10240x128xf32, #tpu.memory_space<vmem_shared>>
        tpu.enqueue_indirect_dma source(%arg16 : memref<80x128xf32, #tpu.memory_space<vmem>>) target(%dma_start3A_147 : memref<10240x128xf32, #tpu.memory_space<vmem_shared>>) offsets(%arg12 : memref<80xi32, #tpu.memory_space<vmem>>) semaphore(%run_scoped3A : memref<!tpu.dma_semaphore, #tpu.memory_space<semaphore_mem>>) {add = true}
        %dma_wait3A_148 = arith.constant 0 : i32
        %dma_wait3A_149 = arith.constant 0 : i32
        %dma_wait3A_150 = tpu.memref_slice %arg19[%dma_wait3A_148, %dma_wait3A_149] : memref<10240x128xf32, #tpu.memory_space<vmem_shared>> -> memref<10240x128xf32, #tpu.memory_space<vmem_shared>>
        tpu.wait_indirect_dma semaphore(%run_scoped3A : memref<!tpu.dma_semaphore, #tpu.memory_space<semaphore_mem>>) src(%arg16 : memref<80x128xf32, #tpu.memory_space<vmem>>) dst(%dma_wait3A_150 : memref<10240x128xf32, #tpu.memory_space<vmem_shared>>)
        tpu.yield
      }) : () -> ()
      %add3A_112 = arith.constant 4 : i32
      %add3A_113 = arith.addi %mul3A_55, %add3A_112 : i32
      %add3A_114 = arith.constant 1 : i32
      %add3A_115 = arith.addi %add3A_113, %add3A_114 : i32
      %lt3A_116 = arith.constant 125 : i32
      %lt3A_117 = arith.cmpi slt, %add3A_115, %lt3A_116 : i32
      %convert_element_type3A_118 = arith.extui %lt3A_117 : i1 to i32
      %cond3A_119 = arith.constant 0 : i32
      %cond3A_120 = arith.cmpi ne, %convert_element_type3A_118, %cond3A_119 : i32
      scf.if %cond3A_120 {
        %mul3A_145 = arith.constant 80 : i32
        %mul3A_146 = arith.muli %add3A_115, %mul3A_145 : i32
        %add3A_147 = arith.addi %mul3A_6, %mul3A_146 : i32
        %dma_start3A_148 = tpu.memref_slice %arg3[%add3A_147] : memref<320000xi32, #tpu.memory_space<hbm>> -> memref<80xi32, #tpu.memory_space<hbm>>
        %dma_start3A_149 = tpu.memref_slice %arg3[%add3A_147] : memref<320000xi32, #tpu.memory_space<hbm>> -> memref<80xi32, #tpu.memory_space<hbm>>
        tpu.enqueue_dma source(%dma_start3A_149 : memref<80xi32, #tpu.memory_space<hbm>>) target(%arg8 : memref<80xi32, #tpu.memory_space<vmem>>) target_semaphore(%arg20 : memref<!tpu.dma_semaphore, #tpu.memory_space<semaphore_mem>>)
        %dma_start3A_150 = tpu.memref_slice %arg4[%add3A_147] : memref<320000xi32, #tpu.memory_space<hbm>> -> memref<80xi32, #tpu.memory_space<hbm>>
        %dma_start3A_151 = tpu.memref_slice %arg4[%add3A_147] : memref<320000xi32, #tpu.memory_space<hbm>> -> memref<80xi32, #tpu.memory_space<hbm>>
        tpu.enqueue_dma source(%dma_start3A_151 : memref<80xi32, #tpu.memory_space<hbm>>) target(%arg12 : memref<80xi32, #tpu.memory_space<vmem>>) target_semaphore(%arg20 : memref<!tpu.dma_semaphore, #tpu.memory_space<semaphore_mem>>)
      } else {
      }
      %dma_wait3A_121 = arith.constant 0 : i32
      %dma_wait3A_122 = arith.constant 0 : i32
      %dma_wait3A_123 = tpu.memref_slice %arg2[%dma_wait3A_121, %dma_wait3A_122] : memref<10000x128xf32, #tpu.memory_space<hbm>> -> memref<10000x128xf32, #tpu.memory_space<hbm>>
      tpu.wait_indirect_dma semaphore(%arg21 : memref<!tpu.dma_semaphore, #tpu.memory_space<semaphore_mem>>) src(%dma_wait3A_123 : memref<10000x128xf32, #tpu.memory_space<hbm>>) dst(%arg17 : memref<80x128xf32, #tpu.memory_space<vmem>>)
      "tpu.region"() ({
        %run_scoped3A = tpu.sem_alloc : memref<!tpu.dma_semaphore, #tpu.memory_space<semaphore_mem>>
        %dma_start3A_145 = arith.constant 0 : i32
        %dma_start3A_146 = arith.constant 0 : i32
        %dma_start3A_147 = tpu.memref_slice %arg19[%dma_start3A_145, %dma_start3A_146] : memref<10240x128xf32, #tpu.memory_space<vmem_shared>> -> memref<10240x128xf32, #tpu.memory_space<vmem_shared>>
        tpu.enqueue_indirect_dma source(%arg17 : memref<80x128xf32, #tpu.memory_space<vmem>>) target(%dma_start3A_147 : memref<10240x128xf32, #tpu.memory_space<vmem_shared>>) offsets(%arg13 : memref<80xi32, #tpu.memory_space<vmem>>) semaphore(%run_scoped3A : memref<!tpu.dma_semaphore, #tpu.memory_space<semaphore_mem>>) {add = true}
        %dma_wait3A_148 = arith.constant 0 : i32
        %dma_wait3A_149 = arith.constant 0 : i32
        %dma_wait3A_150 = tpu.memref_slice %arg19[%dma_wait3A_148, %dma_wait3A_149] : memref<10240x128xf32, #tpu.memory_space<vmem_shared>> -> memref<10240x128xf32, #tpu.memory_space<vmem_shared>>
        tpu.wait_indirect_dma semaphore(%run_scoped3A : memref<!tpu.dma_semaphore, #tpu.memory_space<semaphore_mem>>) src(%arg17 : memref<80x128xf32, #tpu.memory_space<vmem>>) dst(%dma_wait3A_150 : memref<10240x128xf32, #tpu.memory_space<vmem_shared>>)
        tpu.yield
      }) : () -> ()
      %add3A_124 = arith.constant 4 : i32
      %add3A_125 = arith.addi %mul3A_55, %add3A_124 : i32
      %add3A_126 = arith.constant 2 : i32
      %add3A_127 = arith.addi %add3A_125, %add3A_126 : i32
      %lt3A_128 = arith.constant 125 : i32
      %lt3A_129 = arith.cmpi slt, %add3A_127, %lt3A_128 : i32
      %convert_element_type3A_130 = arith.extui %lt3A_129 : i1 to i32
      %cond3A_131 = arith.constant 0 : i32
      %cond3A_132 = arith.cmpi ne, %convert_element_type3A_130, %cond3A_131 : i32
      scf.if %cond3A_132 {
        %mul3A_145 = arith.constant 80 : i32
        %mul3A_146 = arith.muli %add3A_127, %mul3A_145 : i32
        %add3A_147 = arith.addi %mul3A_6, %mul3A_146 : i32
        %dma_start3A_148 = tpu.memref_slice %arg3[%add3A_147] : memref<320000xi32, #tpu.memory_space<hbm>> -> memref<80xi32, #tpu.memory_space<hbm>>
        %dma_start3A_149 = tpu.memref_slice %arg3[%add3A_147] : memref<320000xi32, #tpu.memory_space<hbm>> -> memref<80xi32, #tpu.memory_space<hbm>>
        tpu.enqueue_dma source(%dma_start3A_149 : memref<80xi32, #tpu.memory_space<hbm>>) target(%arg9 : memref<80xi32, #tpu.memory_space<vmem>>) target_semaphore(%arg20 : memref<!tpu.dma_semaphore, #tpu.memory_space<semaphore_mem>>)
        %dma_start3A_150 = tpu.memref_slice %arg4[%add3A_147] : memref<320000xi32, #tpu.memory_space<hbm>> -> memref<80xi32, #tpu.memory_space<hbm>>
        %dma_start3A_151 = tpu.memref_slice %arg4[%add3A_147] : memref<320000xi32, #tpu.memory_space<hbm>> -> memref<80xi32, #tpu.memory_space<hbm>>
        tpu.enqueue_dma source(%dma_start3A_151 : memref<80xi32, #tpu.memory_space<hbm>>) target(%arg13 : memref<80xi32, #tpu.memory_space<vmem>>) target_semaphore(%arg20 : memref<!tpu.dma_semaphore, #tpu.memory_space<semaphore_mem>>)
      } else {
      }
      %dma_wait3A_133 = arith.constant 0 : i32
      %dma_wait3A_134 = arith.constant 0 : i32
      %dma_wait3A_135 = tpu.memref_slice %arg2[%dma_wait3A_133, %dma_wait3A_134] : memref<10000x128xf32, #tpu.memory_space<hbm>> -> memref<10000x128xf32, #tpu.memory_space<hbm>>
      tpu.wait_indirect_dma semaphore(%arg21 : memref<!tpu.dma_semaphore, #tpu.memory_space<semaphore_mem>>) src(%dma_wait3A_135 : memref<10000x128xf32, #tpu.memory_space<hbm>>) dst(%arg18 : memref<80x128xf32, #tpu.memory_space<vmem>>)
      "tpu.region"() ({
        %run_scoped3A = tpu.sem_alloc : memref<!tpu.dma_semaphore, #tpu.memory_space<semaphore_mem>>
        %dma_start3A_145 = arith.constant 0 : i32
        %dma_start3A_146 = arith.constant 0 : i32
        %dma_start3A_147 = tpu.memref_slice %arg19[%dma_start3A_145, %dma_start3A_146] : memref<10240x128xf32, #tpu.memory_space<vmem_shared>> -> memref<10240x128xf32, #tpu.memory_space<vmem_shared>>
        tpu.enqueue_indirect_dma source(%arg18 : memref<80x128xf32, #tpu.memory_space<vmem>>) target(%dma_start3A_147 : memref<10240x128xf32, #tpu.memory_space<vmem_shared>>) offsets(%arg14 : memref<80xi32, #tpu.memory_space<vmem>>) semaphore(%run_scoped3A : memref<!tpu.dma_semaphore, #tpu.memory_space<semaphore_mem>>) {add = true}
        %dma_wait3A_148 = arith.constant 0 : i32
        %dma_wait3A_149 = arith.constant 0 : i32
        %dma_wait3A_150 = tpu.memref_slice %arg19[%dma_wait3A_148, %dma_wait3A_149] : memref<10240x128xf32, #tpu.memory_space<vmem_shared>> -> memref<10240x128xf32, #tpu.memory_space<vmem_shared>>
        tpu.wait_indirect_dma semaphore(%run_scoped3A : memref<!tpu.dma_semaphore, #tpu.memory_space<semaphore_mem>>) src(%arg18 : memref<80x128xf32, #tpu.memory_space<vmem>>) dst(%dma_wait3A_150 : memref<10240x128xf32, #tpu.memory_space<vmem_shared>>)
        tpu.yield
      }) : () -> ()
      %add3A_136 = arith.constant 4 : i32
      %add3A_137 = arith.addi %mul3A_55, %add3A_136 : i32
      %add3A_138 = arith.constant 3 : i32
      %add3A_139 = arith.addi %add3A_137, %add3A_138 : i32
      %lt3A_140 = arith.constant 125 : i32
      %lt3A_141 = arith.cmpi slt, %add3A_139, %lt3A_140 : i32
      %convert_element_type3A_142 = arith.extui %lt3A_141 : i1 to i32
      %cond3A_143 = arith.constant 0 : i32
      %cond3A_144 = arith.cmpi ne, %convert_element_type3A_142, %cond3A_143 : i32
      scf.if %cond3A_144 {
        %mul3A_145 = arith.constant 80 : i32
        %mul3A_146 = arith.muli %add3A_139, %mul3A_145 : i32
        %add3A_147 = arith.addi %mul3A_6, %mul3A_146 : i32
        %dma_start3A_148 = tpu.memref_slice %arg3[%add3A_147] : memref<320000xi32, #tpu.memory_space<hbm>> -> memref<80xi32, #tpu.memory_space<hbm>>
        %dma_start3A_149 = tpu.memref_slice %arg3[%add3A_147] : memref<320000xi32, #tpu.memory_space<hbm>> -> memref<80xi32, #tpu.memory_space<hbm>>
        tpu.enqueue_dma source(%dma_start3A_149 : memref<80xi32, #tpu.memory_space<hbm>>) target(%arg10 : memref<80xi32, #tpu.memory_space<vmem>>) target_semaphore(%arg20 : memref<!tpu.dma_semaphore, #tpu.memory_space<semaphore_mem>>)
        %dma_start3A_150 = tpu.memref_slice %arg4[%add3A_147] : memref<320000xi32, #tpu.memory_space<hbm>> -> memref<80xi32, #tpu.memory_space<hbm>>
        %dma_start3A_151 = tpu.memref_slice %arg4[%add3A_147] : memref<320000xi32, #tpu.memory_space<hbm>> -> memref<80xi32, #tpu.memory_space<hbm>>
        tpu.enqueue_dma source(%dma_start3A_151 : memref<80xi32, #tpu.memory_space<hbm>>) target(%arg14 : memref<80xi32, #tpu.memory_space<vmem>>) target_semaphore(%arg20 : memref<!tpu.dma_semaphore, #tpu.memory_space<semaphore_mem>>)
      } else {
      }
    }
    %scan3A_34 = arith.constant 31 : i32
    %dma_wait3A = arith.constant 0 : i32
    %dma_wait3A_35 = tpu.memref_slice %arg3[%dma_wait3A] : memref<320000xi32, #tpu.memory_space<hbm>> -> memref<80xi32, #tpu.memory_space<hbm>>
    %dma_wait3A_36 = arith.constant 0 : i32
    %dma_wait3A_37 = tpu.memref_slice %arg3[%dma_wait3A_36] : memref<320000xi32, #tpu.memory_space<hbm>> -> memref<80xi32, #tpu.memory_space<hbm>>
    tpu.wait_dma2 semaphore(%arg20 : memref<!tpu.dma_semaphore, #tpu.memory_space<semaphore_mem>>) src(%dma_wait3A_37 : memref<80xi32, #tpu.memory_space<hbm>>) dst(%arg7 : memref<80xi32, #tpu.memory_space<vmem>>)
    %dma_wait3A_38 = arith.constant 0 : i32
    %dma_wait3A_39 = tpu.memref_slice %arg4[%dma_wait3A_38] : memref<320000xi32, #tpu.memory_space<hbm>> -> memref<80xi32, #tpu.memory_space<hbm>>
    %dma_wait3A_40 = arith.constant 0 : i32
    %dma_wait3A_41 = tpu.memref_slice %arg4[%dma_wait3A_40] : memref<320000xi32, #tpu.memory_space<hbm>> -> memref<80xi32, #tpu.memory_space<hbm>>
    tpu.wait_dma2 semaphore(%arg20 : memref<!tpu.dma_semaphore, #tpu.memory_space<semaphore_mem>>) src(%dma_wait3A_41 : memref<80xi32, #tpu.memory_space<hbm>>) dst(%arg11 : memref<80xi32, #tpu.memory_space<vmem>>)
    %dma_start3A_42 = arith.constant 0 : i32
    %dma_start3A_43 = arith.constant 0 : i32
    %dma_start3A_44 = tpu.memref_slice %arg2[%dma_start3A_42, %dma_start3A_43] : memref<10000x128xf32, #tpu.memory_space<hbm>> -> memref<10000x128xf32, #tpu.memory_space<hbm>>
    tpu.enqueue_indirect_dma source(%dma_start3A_44 : memref<10000x128xf32, #tpu.memory_space<hbm>>) target(%arg15 : memref<80x128xf32, #tpu.memory_space<vmem>>) offsets(%arg7 : memref<80xi32, #tpu.memory_space<vmem>>) semaphore(%arg21 : memref<!tpu.dma_semaphore, #tpu.memory_space<semaphore_mem>>)
    %dma_wait3A_45 = arith.constant 0 : i32
    %dma_wait3A_46 = arith.constant 0 : i32
    %dma_wait3A_47 = tpu.memref_slice %arg2[%dma_wait3A_45, %dma_wait3A_46] : memref<10000x128xf32, #tpu.memory_space<hbm>> -> memref<10000x128xf32, #tpu.memory_space<hbm>>
    tpu.wait_indirect_dma semaphore(%arg21 : memref<!tpu.dma_semaphore, #tpu.memory_space<semaphore_mem>>) src(%dma_wait3A_47 : memref<10000x128xf32, #tpu.memory_space<hbm>>) dst(%arg15 : memref<80x128xf32, #tpu.memory_space<vmem>>)
    "tpu.region"() ({
      %run_scoped3A = tpu.sem_alloc : memref<!tpu.dma_semaphore, #tpu.memory_space<semaphore_mem>>
      %dma_start3A_53 = arith.constant 0 : i32
      %dma_start3A_54 = arith.constant 0 : i32
      %dma_start3A_55 = tpu.memref_slice %arg19[%dma_start3A_53, %dma_start3A_54] : memref<10240x128xf32, #tpu.memory_space<vmem_shared>> -> memref<10240x128xf32, #tpu.memory_space<vmem_shared>>
      tpu.enqueue_indirect_dma source(%arg15 : memref<80x128xf32, #tpu.memory_space<vmem>>) target(%dma_start3A_55 : memref<10240x128xf32, #tpu.memory_space<vmem_shared>>) offsets(%arg11 : memref<80xi32, #tpu.memory_space<vmem>>) semaphore(%run_scoped3A : memref<!tpu.dma_semaphore, #tpu.memory_space<semaphore_mem>>) {add = true}
      %dma_wait3A_56 = arith.constant 0 : i32
      %dma_wait3A_57 = arith.constant 0 : i32
      %dma_wait3A_58 = tpu.memref_slice %arg19[%dma_wait3A_56, %dma_wait3A_57] : memref<10240x128xf32, #tpu.memory_space<vmem_shared>> -> memref<10240x128xf32, #tpu.memory_space<vmem_shared>>
      tpu.wait_indirect_dma semaphore(%run_scoped3A : memref<!tpu.dma_semaphore, #tpu.memory_space<semaphore_mem>>) src(%arg15 : memref<80x128xf32, #tpu.memory_space<vmem>>) dst(%dma_wait3A_58 : memref<10240x128xf32, #tpu.memory_space<vmem_shared>>)
      tpu.yield
    }) : () -> ()
    %barrier3A_48 = arith.constant 0 : index
    tpu.barrier barrier_id(%barrier3A_48)
    %mul3A_49 = arith.constant 640 : i32
    %mul3A_50 = arith.muli %arg1, %mul3A_49 : i32
    %mul3A_51 = arith.constant 640 : i32
    %mul3A_52 = arith.muli %arg1, %mul3A_51 : i32
    "tpu.region"() ({
      %run_scoped3A = tpu.sem_alloc : memref<!tpu.dma_semaphore, #tpu.memory_space<semaphore_mem>>
      %dma_start3A_53 = arith.constant 0 : i32
      %dma_start3A_54 = tpu.memref_slice %arg6[%arg0, %mul3A_52, %dma_start3A_53] : memref<2x10240x128xf32, #tpu.memory_space<hbm>> -> memref<1x640x128xf32, #tpu.memory_space<hbm>>
      %dma_start3A_55 = tpu.memref_squeeze %dma_start3A_54 : memref<1x640x128xf32, #tpu.memory_space<hbm>> -> memref<640x128xf32, #tpu.memory_space<hbm>>
      %dma_start3A_56 = arith.constant 0 : i32
      %dma_start3A_57 = tpu.memref_slice %arg19[%mul3A_50, %dma_start3A_56] : memref<10240x128xf32, #tpu.memory_space<vmem_shared>> -> memref<640x128xf32, #tpu.memory_space<vmem_shared>>
      tpu.enqueue_dma source(%dma_start3A_57 : memref<640x128xf32, #tpu.memory_space<vmem_shared>>) target(%dma_start3A_55 : memref<640x128xf32, #tpu.memory_space<hbm>>) target_semaphore(%run_scoped3A : memref<!tpu.dma_semaphore, #tpu.memory_space<semaphore_mem>>)
      %dma_wait3A_58 = arith.constant 0 : i32
      %dma_wait3A_59 = tpu.memref_slice %arg6[%arg0, %mul3A_52, %dma_wait3A_58] : memref<2x10240x128xf32, #tpu.memory_space<hbm>> -> memref<1x640x128xf32, #tpu.memory_space<hbm>>
      %dma_wait3A_60 = tpu.memref_squeeze %dma_wait3A_59 : memref<1x640x128xf32, #tpu.memory_space<hbm>> -> memref<640x128xf32, #tpu.memory_space<hbm>>
      %dma_wait3A_61 = arith.constant 0 : i32
      %dma_wait3A_62 = tpu.memref_slice %arg19[%mul3A_50, %dma_wait3A_61] : memref<10240x128xf32, #tpu.memory_space<vmem_shared>> -> memref<640x128xf32, #tpu.memory_space<vmem_shared>>
      tpu.wait_dma2 semaphore(%run_scoped3A : memref<!tpu.dma_semaphore, #tpu.memory_space<semaphore_mem>>) src(%dma_wait3A_62 : memref<640x128xf32, #tpu.memory_space<vmem_shared>>) dst(%dma_wait3A_60 : memref<640x128xf32, #tpu.memory_space<hbm>>)
      tpu.yield
    }) : () -> ()
    return
  }
}

#map = affine_map<(d0, d1) -> (0, 0)>
#map1 = affine_map<(d0, d1) -> (0)>
#map2 = affine_map<(d0, d1) -> (0, 0, 0)>
module attributes {stable_mosaic.version = 14 : i64} {
  func.func @_sc_segsum_body(%arg0: i32, %arg1: i32, %arg2: memref<10000x128xf32, #tpu.memory_space<hbm>>, %arg3: memref<320000xi32, #tpu.memory_space<hbm>>, %arg4: memref<320000xi32, #tpu.memory_space<hbm>>, %arg5: memref<10240x128xf32, #tpu.memory_space<hbm>>, %arg6: memref<2x10240x128xf32, #tpu.memory_space<hbm>>, %arg7: memref<80xi32, #tpu.memory_space<vmem>>, %arg8: memref<80xi32, #tpu.memory_space<vmem>>, %arg9: memref<80xi32, #tpu.memory_space<vmem>>, %arg10: memref<80xi32, #tpu.memory_space<vmem>>, %arg11: memref<80xi32, #tpu.memory_space<vmem>>, %arg12: memref<80xi32, #tpu.memory_space<vmem>>, %arg13: memref<80xi32, #tpu.memory_space<vmem>>, %arg14: memref<80xi32, #tpu.memory_space<vmem>>, %arg15: memref<80x128xf32, #tpu.memory_space<vmem>>, %arg16: memref<80x128xf32, #tpu.memory_space<vmem>>, %arg17: memref<80x128xf32, #tpu.memory_space<vmem>>, %arg18: memref<80x128xf32, #tpu.memory_space<vmem>>, %arg19: memref<10240x128xf32, #tpu.memory_space<vmem_shared>>, %arg20: memref<!tpu.dma_semaphore, #tpu.memory_space<semaphore_mem>>, %arg21: memref<!tpu.dma_semaphore, #tpu.memory_space<semaphore_mem>>) attributes {dimension_semantics = [#tpu.dimension_semantics<core_parallel>, #tpu.dimension_semantics<subcore_parallel>], iteration_bounds = array<i64: 2, 16>, scalar_prefetch = 0 : i64, scratch_operands = 15 : i64, tpu.core_type = #tpu.core_type<sc_vector_subcore>, window_params = [{transform_indices = #map}, {transform_indices = #map1}, {transform_indices = #map1}, {transform_indices = #map}, {transform_indices = #map2}]} {
    %mul3A = arith.constant 640 : i32
    %mul3A_0 = arith.muli %arg1, %mul3A : i32
    %mul3A_1 = arith.constant 640 : i32
    %mul3A_2 = arith.muli %arg1, %mul3A_1 : i32
    "tpu.region"() ({
      %run_scoped3A = tpu.sem_alloc : memref<!tpu.dma_semaphore, #tpu.memory_space<semaphore_mem>>
      %dma_start3A_53 = arith.constant 0 : i32
      %dma_start3A_54 = tpu.memref_slice %arg19[%mul3A_2, %dma_start3A_53] : memref<10240x128xf32, #tpu.memory_space<vmem_shared>> -> memref<640x128xf32, #tpu.memory_space<vmem_shared>>
      %dma_start3A_55 = arith.constant 0 : i32
      %dma_start3A_56 = tpu.memref_slice %arg5[%mul3A_0, %dma_start3A_55] : memref<10240x128xf32, #tpu.memory_space<hbm>> -> memref<640x128xf32, #tpu.memory_space<hbm>>
      tpu.enqueue_dma source(%dma_start3A_56 : memref<640x128xf32, #tpu.memory_space<hbm>>) target(%dma_start3A_54 : memref<640x128xf32, #tpu.memory_space<vmem_shared>>) target_semaphore(%run_scoped3A : memref<!tpu.dma_semaphore, #tpu.memory_space<semaphore_mem>>)
      %dma_wait3A_57 = arith.constant 0 : i32
      %dma_wait3A_58 = tpu.memref_slice %arg19[%mul3A_2, %dma_wait3A_57] : memref<10240x128xf32, #tpu.memory_space<vmem_shared>> -> memref<640x128xf32, #tpu.memory_space<vmem_shared>>
      %dma_wait3A_59 = arith.constant 0 : i32
      %dma_wait3A_60 = tpu.memref_slice %arg5[%mul3A_0, %dma_wait3A_59] : memref<10240x128xf32, #tpu.memory_space<hbm>> -> memref<640x128xf32, #tpu.memory_space<hbm>>
      tpu.wait_dma2 semaphore(%run_scoped3A : memref<!tpu.dma_semaphore, #tpu.memory_space<semaphore_mem>>) src(%dma_wait3A_60 : memref<640x128xf32, #tpu.memory_space<hbm>>) dst(%dma_wait3A_58 : memref<640x128xf32, #tpu.memory_space<vmem_shared>>)
      tpu.yield
    }) : () -> ()
    %barrier3A = arith.constant 0 : index
    tpu.barrier barrier_id(%barrier3A)
    %mul3A_3 = arith.constant 2 : i32
    %mul3A_4 = arith.muli %arg1, %mul3A_3 : i32
    %add3A = arith.addi %mul3A_4, %arg0 : i32
    %mul3A_5 = arith.constant 10000 : i32
    %mul3A_6 = arith.muli %add3A, %mul3A_5 : i32
    %add3A_7 = arith.constant 0 : i32
    %add3A_8 = arith.addi %mul3A_6, %add3A_7 : i32
    %dma_start3A = tpu.memref_slice %arg3[%add3A_8] : memref<320000xi32, #tpu.memory_space<hbm>> -> memref<80xi32, #tpu.memory_space<hbm>>
    %dma_start3A_9 = tpu.memref_slice %arg3[%add3A_8] : memref<320000xi32, #tpu.memory_space<hbm>> -> memref<80xi32, #tpu.memory_space<hbm>>
    tpu.enqueue_dma source(%dma_start3A_9 : memref<80xi32, #tpu.memory_space<hbm>>) target(%arg7 : memref<80xi32, #tpu.memory_space<vmem>>) target_semaphore(%arg20 : memref<!tpu.dma_semaphore, #tpu.memory_space<semaphore_mem>>)
    %dma_start3A_10 = tpu.memref_slice %arg4[%add3A_8] : memref<320000xi32, #tpu.memory_space<hbm>> -> memref<80xi32, #tpu.memory_space<hbm>>
    %dma_start3A_11 = tpu.memref_slice %arg4[%add3A_8] : memref<320000xi32, #tpu.memory_space<hbm>> -> memref<80xi32, #tpu.memory_space<hbm>>
    tpu.enqueue_dma source(%dma_start3A_11 : memref<80xi32, #tpu.memory_space<hbm>>) target(%arg11 : memref<80xi32, #tpu.memory_space<vmem>>) target_semaphore(%arg20 : memref<!tpu.dma_semaphore, #tpu.memory_space<semaphore_mem>>)
    %add3A_12 = arith.constant 80 : i32
    %add3A_13 = arith.addi %mul3A_6, %add3A_12 : i32
    %dma_start3A_14 = tpu.memref_slice %arg3[%add3A_13] : memref<320000xi32, #tpu.memory_space<hbm>> -> memref<80xi32, #tpu.memory_space<hbm>>
    %dma_start3A_15 = tpu.memref_slice %arg3[%add3A_13] : memref<320000xi32, #tpu.memory_space<hbm>> -> memref<80xi32, #tpu.memory_space<hbm>>
    tpu.enqueue_dma source(%dma_start3A_15 : memref<80xi32, #tpu.memory_space<hbm>>) target(%arg8 : memref<80xi32, #tpu.memory_space<vmem>>) target_semaphore(%arg20 : memref<!tpu.dma_semaphore, #tpu.memory_space<semaphore_mem>>)
    %dma_start3A_16 = tpu.memref_slice %arg4[%add3A_13] : memref<320000xi32, #tpu.memory_space<hbm>> -> memref<80xi32, #tpu.memory_space<hbm>>
    %dma_start3A_17 = tpu.memref_slice %arg4[%add3A_13] : memref<320000xi32, #tpu.memory_space<hbm>> -> memref<80xi32, #tpu.memory_space<hbm>>
    tpu.enqueue_dma source(%dma_start3A_17 : memref<80xi32, #tpu.memory_space<hbm>>) target(%arg12 : memref<80xi32, #tpu.memory_space<vmem>>) target_semaphore(%arg20 : memref<!tpu.dma_semaphore, #tpu.memory_space<semaphore_mem>>)
    %add3A_18 = arith.constant 160 : i32
    %add3A_19 = arith.addi %mul3A_6, %add3A_18 : i32
    %dma_start3A_20 = tpu.memref_slice %arg3[%add3A_19] : memref<320000xi32, #tpu.memory_space<hbm>> -> memref<80xi32, #tpu.memory_space<hbm>>
    %dma_start3A_21 = tpu.memref_slice %arg3[%add3A_19] : memref<320000xi32, #tpu.memory_space<hbm>> -> memref<80xi32, #tpu.memory_space<hbm>>
    tpu.enqueue_dma source(%dma_start3A_21 : memref<80xi32, #tpu.memory_space<hbm>>) target(%arg9 : memref<80xi32, #tpu.memory_space<vmem>>) target_semaphore(%arg20 : memref<!tpu.dma_semaphore, #tpu.memory_space<semaphore_mem>>)
    %dma_start3A_22 = tpu.memref_slice %arg4[%add3A_19] : memref<320000xi32, #tpu.memory_space<hbm>> -> memref<80xi32, #tpu.memory_space<hbm>>
    %dma_start3A_23 = tpu.memref_slice %arg4[%add3A_19] : memref<320000xi32, #tpu.memory_space<hbm>> -> memref<80xi32, #tpu.memory_space<hbm>>
    tpu.enqueue_dma source(%dma_start3A_23 : memref<80xi32, #tpu.memory_space<hbm>>) target(%arg13 : memref<80xi32, #tpu.memory_space<vmem>>) target_semaphore(%arg20 : memref<!tpu.dma_semaphore, #tpu.memory_space<semaphore_mem>>)
    %add3A_24 = arith.constant 240 : i32
    %add3A_25 = arith.addi %mul3A_6, %add3A_24 : i32
    %dma_start3A_26 = tpu.memref_slice %arg3[%add3A_25] : memref<320000xi32, #tpu.memory_space<hbm>> -> memref<80xi32, #tpu.memory_space<hbm>>
    %dma_start3A_27 = tpu.memref_slice %arg3[%add3A_25] : memref<320000xi32, #tpu.memory_space<hbm>> -> memref<80xi32, #tpu.memory_space<hbm>>
    tpu.enqueue_dma source(%dma_start3A_27 : memref<80xi32, #tpu.memory_space<hbm>>) target(%arg10 : memref<80xi32, #tpu.memory_space<vmem>>) target_semaphore(%arg20 : memref<!tpu.dma_semaphore, #tpu.memory_space<semaphore_mem>>)
    %dma_start3A_28 = tpu.memref_slice %arg4[%add3A_25] : memref<320000xi32, #tpu.memory_space<hbm>> -> memref<80xi32, #tpu.memory_space<hbm>>
    %dma_start3A_29 = tpu.memref_slice %arg4[%add3A_25] : memref<320000xi32, #tpu.memory_space<hbm>> -> memref<80xi32, #tpu.memory_space<hbm>>
    tpu.enqueue_dma source(%dma_start3A_29 : memref<80xi32, #tpu.memory_space<hbm>>) target(%arg14 : memref<80xi32, #tpu.memory_space<vmem>>) target_semaphore(%arg20 : memref<!tpu.dma_semaphore, #tpu.memory_space<semaphore_mem>>)
    %scan3A = arith.constant 0 : i32
    %scan3A_30 = arith.constant 0 : i32
    %scan3A_31 = arith.constant 31 : i32
    %scan3A_32 = arith.addi %scan3A_30, %scan3A_31 : i32
    %scan3A_33 = arith.constant 1 : i32
    scf.for %scan3A_53 = %scan3A_30 to %scan3A_32 step %scan3A_33  : i32 {
      %mul3A_54 = arith.constant 4 : i32
      %mul3A_55 = arith.muli %scan3A_53, %mul3A_54 : i32
      %dma_wait3A_56 = arith.constant 0 : i32
      %dma_wait3A_57 = tpu.memref_slice %arg3[%dma_wait3A_56] : memref<320000xi32, #tpu.memory_space<hbm>> -> memref<80xi32, #tpu.memory_space<hbm>>
      %dma_wait3A_58 = arith.constant 0 : i32
      %dma_wait3A_59 = tpu.memref_slice %arg3[%dma_wait3A_58] : memref<320000xi32, #tpu.memory_space<hbm>> -> memref<80xi32, #tpu.memory_space<hbm>>
      tpu.wait_dma2 semaphore(%arg20 : memref<!tpu.dma_semaphore, #tpu.memory_space<semaphore_mem>>) src(%dma_wait3A_59 : memref<80xi32, #tpu.memory_space<hbm>>) dst(%arg7 : memref<80xi32, #tpu.memory_space<vmem>>)
      %dma_wait3A_60 = arith.constant 0 : i32
      %dma_wait3A_61 = tpu.memref_slice %arg4[%dma_wait3A_60] : memref<320000xi32, #tpu.memory_space<hbm>> -> memref<80xi32, #tpu.memory_space<hbm>>
      %dma_wait3A_62 = arith.constant 0 : i32
      %dma_wait3A_63 = tpu.memref_slice %arg4[%dma_wait3A_62] : memref<320000xi32, #tpu.memory_space<hbm>> -> memref<80xi32, #tpu.memory_space<hbm>>
      tpu.wait_dma2 semaphore(%arg20 : memref<!tpu.dma_semaphore, #tpu.memory_space<semaphore_mem>>) src(%dma_wait3A_63 : memref<80xi32, #tpu.memory_space<hbm>>) dst(%arg11 : memref<80xi32, #tpu.memory_space<vmem>>)
      %dma_start3A_64 = arith.constant 0 : i32
      %dma_start3A_65 = arith.constant 0 : i32
      %dma_start3A_66 = tpu.memref_slice %arg2[%dma_start3A_64, %dma_start3A_65] : memref<10000x128xf32, #tpu.memory_space<hbm>> -> memref<10000x128xf32, #tpu.memory_space<hbm>>
      tpu.enqueue_indirect_dma source(%dma_start3A_66 : memref<10000x128xf32, #tpu.memory_space<hbm>>) target(%arg15 : memref<80x128xf32, #tpu.memory_space<vmem>>) offsets(%arg7 : memref<80xi32, #tpu.memory_space<vmem>>) semaphore(%arg21 : memref<!tpu.dma_semaphore, #tpu.memory_space<semaphore_mem>>)
      %dma_wait3A_67 = arith.constant 0 : i32
      %dma_wait3A_68 = tpu.memref_slice %arg3[%dma_wait3A_67] : memref<320000xi32, #tpu.memory_space<hbm>> -> memref<80xi32, #tpu.memory_space<hbm>>
      %dma_wait3A_69 = arith.constant 0 : i32
      %dma_wait3A_70 = tpu.memref_slice %arg3[%dma_wait3A_69] : memref<320000xi32, #tpu.memory_space<hbm>> -> memref<80xi32, #tpu.memory_space<hbm>>
      tpu.wait_dma2 semaphore(%arg20 : memref<!tpu.dma_semaphore, #tpu.memory_space<semaphore_mem>>) src(%dma_wait3A_70 : memref<80xi32, #tpu.memory_space<hbm>>) dst(%arg8 : memref<80xi32, #tpu.memory_space<vmem>>)
      %dma_wait3A_71 = arith.constant 0 : i32
      %dma_wait3A_72 = tpu.memref_slice %arg4[%dma_wait3A_71] : memref<320000xi32, #tpu.memory_space<hbm>> -> memref<80xi32, #tpu.memory_space<hbm>>
      %dma_wait3A_73 = arith.constant 0 : i32
      %dma_wait3A_74 = tpu.memref_slice %arg4[%dma_wait3A_73] : memref<320000xi32, #tpu.memory_space<hbm>> -> memref<80xi32, #tpu.memory_space<hbm>>
      tpu.wait_dma2 semaphore(%arg20 : memref<!tpu.dma_semaphore, #tpu.memory_space<semaphore_mem>>) src(%dma_wait3A_74 : memref<80xi32, #tpu.memory_space<hbm>>) dst(%arg12 : memref<80xi32, #tpu.memory_space<vmem>>)
      %dma_start3A_75 = arith.constant 0 : i32
      %dma_start3A_76 = arith.constant 0 : i32
      %dma_start3A_77 = tpu.memref_slice %arg2[%dma_start3A_75, %dma_start3A_76] : memref<10000x128xf32, #tpu.memory_space<hbm>> -> memref<10000x128xf32, #tpu.memory_space<hbm>>
      tpu.enqueue_indirect_dma source(%dma_start3A_77 : memref<10000x128xf32, #tpu.memory_space<hbm>>) target(%arg16 : memref<80x128xf32, #tpu.memory_space<vmem>>) offsets(%arg8 : memref<80xi32, #tpu.memory_space<vmem>>) semaphore(%arg21 : memref<!tpu.dma_semaphore, #tpu.memory_space<semaphore_mem>>)
      %dma_wait3A_78 = arith.constant 0 : i32
      %dma_wait3A_79 = tpu.memref_slice %arg3[%dma_wait3A_78] : memref<320000xi32, #tpu.memory_space<hbm>> -> memref<80xi32, #tpu.memory_space<hbm>>
      %dma_wait3A_80 = arith.constant 0 : i32
      %dma_wait3A_81 = tpu.memref_slice %arg3[%dma_wait3A_80] : memref<320000xi32, #tpu.memory_space<hbm>> -> memref<80xi32, #tpu.memory_space<hbm>>
      tpu.wait_dma2 semaphore(%arg20 : memref<!tpu.dma_semaphore, #tpu.memory_space<semaphore_mem>>) src(%dma_wait3A_81 : memref<80xi32, #tpu.memory_space<hbm>>) dst(%arg9 : memref<80xi32, #tpu.memory_space<vmem>>)
      %dma_wait3A_82 = arith.constant 0 : i32
      %dma_wait3A_83 = tpu.memref_slice %arg4[%dma_wait3A_82] : memref<320000xi32, #tpu.memory_space<hbm>> -> memref<80xi32, #tpu.memory_space<hbm>>
      %dma_wait3A_84 = arith.constant 0 : i32
      %dma_wait3A_85 = tpu.memref_slice %arg4[%dma_wait3A_84] : memref<320000xi32, #tpu.memory_space<hbm>> -> memref<80xi32, #tpu.memory_space<hbm>>
      tpu.wait_dma2 semaphore(%arg20 : memref<!tpu.dma_semaphore, #tpu.memory_space<semaphore_mem>>) src(%dma_wait3A_85 : memref<80xi32, #tpu.memory_space<hbm>>) dst(%arg13 : memref<80xi32, #tpu.memory_space<vmem>>)
      %dma_start3A_86 = arith.constant 0 : i32
      %dma_start3A_87 = arith.constant 0 : i32
      %dma_start3A_88 = tpu.memref_slice %arg2[%dma_start3A_86, %dma_start3A_87] : memref<10000x128xf32, #tpu.memory_space<hbm>> -> memref<10000x128xf32, #tpu.memory_space<hbm>>
      tpu.enqueue_indirect_dma source(%dma_start3A_88 : memref<10000x128xf32, #tpu.memory_space<hbm>>) target(%arg17 : memref<80x128xf32, #tpu.memory_space<vmem>>) offsets(%arg9 : memref<80xi32, #tpu.memory_space<vmem>>) semaphore(%arg21 : memref<!tpu.dma_semaphore, #tpu.memory_space<semaphore_mem>>)
      %dma_wait3A_89 = arith.constant 0 : i32
      %dma_wait3A_90 = tpu.memref_slice %arg3[%dma_wait3A_89] : memref<320000xi32, #tpu.memory_space<hbm>> -> memref<80xi32, #tpu.memory_space<hbm>>
      %dma_wait3A_91 = arith.constant 0 : i32
      %dma_wait3A_92 = tpu.memref_slice %arg3[%dma_wait3A_91] : memref<320000xi32, #tpu.memory_space<hbm>> -> memref<80xi32, #tpu.memory_space<hbm>>
      tpu.wait_dma2 semaphore(%arg20 : memref<!tpu.dma_semaphore, #tpu.memory_space<semaphore_mem>>) src(%dma_wait3A_92 : memref<80xi32, #tpu.memory_space<hbm>>) dst(%arg10 : memref<80xi32, #tpu.memory_space<vmem>>)
      %dma_wait3A_93 = arith.constant 0 : i32
      %dma_wait3A_94 = tpu.memref_slice %arg4[%dma_wait3A_93] : memref<320000xi32, #tpu.memory_space<hbm>> -> memref<80xi32, #tpu.memory_space<hbm>>
      %dma_wait3A_95 = arith.constant 0 : i32
      %dma_wait3A_96 = tpu.memref_slice %arg4[%dma_wait3A_95] : memref<320000xi32, #tpu.memory_space<hbm>> -> memref<80xi32, #tpu.memory_space<hbm>>
      tpu.wait_dma2 semaphore(%arg20 : memref<!tpu.dma_semaphore, #tpu.memory_space<semaphore_mem>>) src(%dma_wait3A_96 : memref<80xi32, #tpu.memory_space<hbm>>) dst(%arg14 : memref<80xi32, #tpu.memory_space<vmem>>)
      %dma_start3A_97 = arith.constant 0 : i32
      %dma_start3A_98 = arith.constant 0 : i32
      %dma_start3A_99 = tpu.memref_slice %arg2[%dma_start3A_97, %dma_start3A_98] : memref<10000x128xf32, #tpu.memory_space<hbm>> -> memref<10000x128xf32, #tpu.memory_space<hbm>>
      tpu.enqueue_indirect_dma source(%dma_start3A_99 : memref<10000x128xf32, #tpu.memory_space<hbm>>) target(%arg18 : memref<80x128xf32, #tpu.memory_space<vmem>>) offsets(%arg10 : memref<80xi32, #tpu.memory_space<vmem>>) semaphore(%arg21 : memref<!tpu.dma_semaphore, #tpu.memory_space<semaphore_mem>>)
      %dma_wait3A_100 = arith.constant 0 : i32
      %dma_wait3A_101 = arith.constant 0 : i32
      %dma_wait3A_102 = tpu.memref_slice %arg2[%dma_wait3A_100, %dma_wait3A_101] : memref<10000x128xf32, #tpu.memory_space<hbm>> -> memref<10000x128xf32, #tpu.memory_space<hbm>>
      tpu.wait_indirect_dma semaphore(%arg21 : memref<!tpu.dma_semaphore, #tpu.memory_space<semaphore_mem>>) src(%dma_wait3A_102 : memref<10000x128xf32, #tpu.memory_space<hbm>>) dst(%arg15 : memref<80x128xf32, #tpu.memory_space<vmem>>)
      "tpu.region"() ({
        %run_scoped3A = tpu.sem_alloc : memref<!tpu.dma_semaphore, #tpu.memory_space<semaphore_mem>>
        %dma_start3A_145 = arith.constant 0 : i32
        %dma_start3A_146 = arith.constant 0 : i32
        %dma_start3A_147 = tpu.memref_slice %arg19[%dma_start3A_145, %dma_start3A_146] : memref<10240x128xf32, #tpu.memory_space<vmem_shared>> -> memref<10240x128xf32, #tpu.memory_space<vmem_shared>>
        tpu.enqueue_indirect_dma source(%arg15 : memref<80x128xf32, #tpu.memory_space<vmem>>) target(%dma_start3A_147 : memref<10240x128xf32, #tpu.memory_space<vmem_shared>>) offsets(%arg11 : memref<80xi32, #tpu.memory_space<vmem>>) semaphore(%run_scoped3A : memref<!tpu.dma_semaphore, #tpu.memory_space<semaphore_mem>>) {add = true}
        %dma_wait3A_148 = arith.constant 0 : i32
        %dma_wait3A_149 = arith.constant 0 : i32
        %dma_wait3A_150 = tpu.memref_slice %arg19[%dma_wait3A_148, %dma_wait3A_149] : memref<10240x128xf32, #tpu.memory_space<vmem_shared>> -> memref<10240x128xf32, #tpu.memory_space<vmem_shared>>
        tpu.wait_indirect_dma semaphore(%run_scoped3A : memref<!tpu.dma_semaphore, #tpu.memory_space<semaphore_mem>>) src(%arg15 : memref<80x128xf32, #tpu.memory_space<vmem>>) dst(%dma_wait3A_150 : memref<10240x128xf32, #tpu.memory_space<vmem_shared>>)
        tpu.yield
      }) : () -> ()
      %add3A_103 = arith.constant 4 : i32
      %add3A_104 = arith.addi %mul3A_55, %add3A_103 : i32
      %add3A_105 = arith.constant 0 : i32
      %add3A_106 = arith.addi %add3A_104, %add3A_105 : i32
      %lt3A = arith.constant 125 : i32
      %lt3A_107 = arith.cmpi slt, %add3A_106, %lt3A : i32
      %convert_element_type3A = arith.extui %lt3A_107 : i1 to i32
      %cond3A = arith.constant 0 : i32
      %cond3A_108 = arith.cmpi ne, %convert_element_type3A, %cond3A : i32
      scf.if %cond3A_108 {
        %mul3A_145 = arith.constant 80 : i32
        %mul3A_146 = arith.muli %add3A_106, %mul3A_145 : i32
        %add3A_147 = arith.addi %mul3A_6, %mul3A_146 : i32
        %dma_start3A_148 = tpu.memref_slice %arg3[%add3A_147] : memref<320000xi32, #tpu.memory_space<hbm>> -> memref<80xi32, #tpu.memory_space<hbm>>
        %dma_start3A_149 = tpu.memref_slice %arg3[%add3A_147] : memref<320000xi32, #tpu.memory_space<hbm>> -> memref<80xi32, #tpu.memory_space<hbm>>
        tpu.enqueue_dma source(%dma_start3A_149 : memref<80xi32, #tpu.memory_space<hbm>>) target(%arg7 : memref<80xi32, #tpu.memory_space<vmem>>) target_semaphore(%arg20 : memref<!tpu.dma_semaphore, #tpu.memory_space<semaphore_mem>>)
        %dma_start3A_150 = tpu.memref_slice %arg4[%add3A_147] : memref<320000xi32, #tpu.memory_space<hbm>> -> memref<80xi32, #tpu.memory_space<hbm>>
        %dma_start3A_151 = tpu.memref_slice %arg4[%add3A_147] : memref<320000xi32, #tpu.memory_space<hbm>> -> memref<80xi32, #tpu.memory_space<hbm>>
        tpu.enqueue_dma source(%dma_start3A_151 : memref<80xi32, #tpu.memory_space<hbm>>) target(%arg11 : memref<80xi32, #tpu.memory_space<vmem>>) target_semaphore(%arg20 : memref<!tpu.dma_semaphore, #tpu.memory_space<semaphore_mem>>)
      } else {
      }
      %dma_wait3A_109 = arith.constant 0 : i32
      %dma_wait3A_110 = arith.constant 0 : i32
      %dma_wait3A_111 = tpu.memref_slice %arg2[%dma_wait3A_109, %dma_wait3A_110] : memref<10000x128xf32, #tpu.memory_space<hbm>> -> memref<10000x128xf32, #tpu.memory_space<hbm>>
      tpu.wait_indirect_dma semaphore(%arg21 : memref<!tpu.dma_semaphore, #tpu.memory_space<semaphore_mem>>) src(%dma_wait3A_111 : memref<10000x128xf32, #tpu.memory_space<hbm>>) dst(%arg16 : memref<80x128xf32, #tpu.memory_space<vmem>>)
      "tpu.region"() ({
        %run_scoped3A = tpu.sem_alloc : memref<!tpu.dma_semaphore, #tpu.memory_space<semaphore_mem>>
        %dma_start3A_145 = arith.constant 0 : i32
        %dma_start3A_146 = arith.constant 0 : i32
        %dma_start3A_147 = tpu.memref_slice %arg19[%dma_start3A_145, %dma_start3A_146] : memref<10240x128xf32, #tpu.memory_space<vmem_shared>> -> memref<10240x128xf32, #tpu.memory_space<vmem_shared>>
        tpu.enqueue_indirect_dma source(%arg16 : memref<80x128xf32, #tpu.memory_space<vmem>>) target(%dma_start3A_147 : memref<10240x128xf32, #tpu.memory_space<vmem_shared>>) offsets(%arg12 : memref<80xi32, #tpu.memory_space<vmem>>) semaphore(%run_scoped3A : memref<!tpu.dma_semaphore, #tpu.memory_space<semaphore_mem>>) {add = true}
        %dma_wait3A_148 = arith.constant 0 : i32
        %dma_wait3A_149 = arith.constant 0 : i32
        %dma_wait3A_150 = tpu.memref_slice %arg19[%dma_wait3A_148, %dma_wait3A_149] : memref<10240x128xf32, #tpu.memory_space<vmem_shared>> -> memref<10240x128xf32, #tpu.memory_space<vmem_shared>>
        tpu.wait_indirect_dma semaphore(%run_scoped3A : memref<!tpu.dma_semaphore, #tpu.memory_space<semaphore_mem>>) src(%arg16 : memref<80x128xf32, #tpu.memory_space<vmem>>) dst(%dma_wait3A_150 : memref<10240x128xf32, #tpu.memory_space<vmem_shared>>)
        tpu.yield
      }) : () -> ()
      %add3A_112 = arith.constant 4 : i32
      %add3A_113 = arith.addi %mul3A_55, %add3A_112 : i32
      %add3A_114 = arith.constant 1 : i32
      %add3A_115 = arith.addi %add3A_113, %add3A_114 : i32
      %lt3A_116 = arith.constant 125 : i32
      %lt3A_117 = arith.cmpi slt, %add3A_115, %lt3A_116 : i32
      %convert_element_type3A_118 = arith.extui %lt3A_117 : i1 to i32
      %cond3A_119 = arith.constant 0 : i32
      %cond3A_120 = arith.cmpi ne, %convert_element_type3A_118, %cond3A_119 : i32
      scf.if %cond3A_120 {
        %mul3A_145 = arith.constant 80 : i32
        %mul3A_146 = arith.muli %add3A_115, %mul3A_145 : i32
        %add3A_147 = arith.addi %mul3A_6, %mul3A_146 : i32
        %dma_start3A_148 = tpu.memref_slice %arg3[%add3A_147] : memref<320000xi32, #tpu.memory_space<hbm>> -> memref<80xi32, #tpu.memory_space<hbm>>
        %dma_start3A_149 = tpu.memref_slice %arg3[%add3A_147] : memref<320000xi32, #tpu.memory_space<hbm>> -> memref<80xi32, #tpu.memory_space<hbm>>
        tpu.enqueue_dma source(%dma_start3A_149 : memref<80xi32, #tpu.memory_space<hbm>>) target(%arg8 : memref<80xi32, #tpu.memory_space<vmem>>) target_semaphore(%arg20 : memref<!tpu.dma_semaphore, #tpu.memory_space<semaphore_mem>>)
        %dma_start3A_150 = tpu.memref_slice %arg4[%add3A_147] : memref<320000xi32, #tpu.memory_space<hbm>> -> memref<80xi32, #tpu.memory_space<hbm>>
        %dma_start3A_151 = tpu.memref_slice %arg4[%add3A_147] : memref<320000xi32, #tpu.memory_space<hbm>> -> memref<80xi32, #tpu.memory_space<hbm>>
        tpu.enqueue_dma source(%dma_start3A_151 : memref<80xi32, #tpu.memory_space<hbm>>) target(%arg12 : memref<80xi32, #tpu.memory_space<vmem>>) target_semaphore(%arg20 : memref<!tpu.dma_semaphore, #tpu.memory_space<semaphore_mem>>)
      } else {
      }
      %dma_wait3A_121 = arith.constant 0 : i32
      %dma_wait3A_122 = arith.constant 0 : i32
      %dma_wait3A_123 = tpu.memref_slice %arg2[%dma_wait3A_121, %dma_wait3A_122] : memref<10000x128xf32, #tpu.memory_space<hbm>> -> memref<10000x128xf32, #tpu.memory_space<hbm>>
      tpu.wait_indirect_dma semaphore(%arg21 : memref<!tpu.dma_semaphore, #tpu.memory_space<semaphore_mem>>) src(%dma_wait3A_123 : memref<10000x128xf32, #tpu.memory_space<hbm>>) dst(%arg17 : memref<80x128xf32, #tpu.memory_space<vmem>>)
      "tpu.region"() ({
        %run_scoped3A = tpu.sem_alloc : memref<!tpu.dma_semaphore, #tpu.memory_space<semaphore_mem>>
        %dma_start3A_145 = arith.constant 0 : i32
        %dma_start3A_146 = arith.constant 0 : i32
        %dma_start3A_147 = tpu.memref_slice %arg19[%dma_start3A_145, %dma_start3A_146] : memref<10240x128xf32, #tpu.memory_space<vmem_shared>> -> memref<10240x128xf32, #tpu.memory_space<vmem_shared>>
        tpu.enqueue_indirect_dma source(%arg17 : memref<80x128xf32, #tpu.memory_space<vmem>>) target(%dma_start3A_147 : memref<10240x128xf32, #tpu.memory_space<vmem_shared>>) offsets(%arg13 : memref<80xi32, #tpu.memory_space<vmem>>) semaphore(%run_scoped3A : memref<!tpu.dma_semaphore, #tpu.memory_space<semaphore_mem>>) {add = true}
        %dma_wait3A_148 = arith.constant 0 : i32
        %dma_wait3A_149 = arith.constant 0 : i32
        %dma_wait3A_150 = tpu.memref_slice %arg19[%dma_wait3A_148, %dma_wait3A_149] : memref<10240x128xf32, #tpu.memory_space<vmem_shared>> -> memref<10240x128xf32, #tpu.memory_space<vmem_shared>>
        tpu.wait_indirect_dma semaphore(%run_scoped3A : memref<!tpu.dma_semaphore, #tpu.memory_space<semaphore_mem>>) src(%arg17 : memref<80x128xf32, #tpu.memory_space<vmem>>) dst(%dma_wait3A_150 : memref<10240x128xf32, #tpu.memory_space<vmem_shared>>)
        tpu.yield
      }) : () -> ()
      %add3A_124 = arith.constant 4 : i32
      %add3A_125 = arith.addi %mul3A_55, %add3A_124 : i32
      %add3A_126 = arith.constant 2 : i32
      %add3A_127 = arith.addi %add3A_125, %add3A_126 : i32
      %lt3A_128 = arith.constant 125 : i32
      %lt3A_129 = arith.cmpi slt, %add3A_127, %lt3A_128 : i32
      %convert_element_type3A_130 = arith.extui %lt3A_129 : i1 to i32
      %cond3A_131 = arith.constant 0 : i32
      %cond3A_132 = arith.cmpi ne, %convert_element_type3A_130, %cond3A_131 : i32
      scf.if %cond3A_132 {
        %mul3A_145 = arith.constant 80 : i32
        %mul3A_146 = arith.muli %add3A_127, %mul3A_145 : i32
        %add3A_147 = arith.addi %mul3A_6, %mul3A_146 : i32
        %dma_start3A_148 = tpu.memref_slice %arg3[%add3A_147] : memref<320000xi32, #tpu.memory_space<hbm>> -> memref<80xi32, #tpu.memory_space<hbm>>
        %dma_start3A_149 = tpu.memref_slice %arg3[%add3A_147] : memref<320000xi32, #tpu.memory_space<hbm>> -> memref<80xi32, #tpu.memory_space<hbm>>
        tpu.enqueue_dma source(%dma_start3A_149 : memref<80xi32, #tpu.memory_space<hbm>>) target(%arg9 : memref<80xi32, #tpu.memory_space<vmem>>) target_semaphore(%arg20 : memref<!tpu.dma_semaphore, #tpu.memory_space<semaphore_mem>>)
        %dma_start3A_150 = tpu.memref_slice %arg4[%add3A_147] : memref<320000xi32, #tpu.memory_space<hbm>> -> memref<80xi32, #tpu.memory_space<hbm>>
        %dma_start3A_151 = tpu.memref_slice %arg4[%add3A_147] : memref<320000xi32, #tpu.memory_space<hbm>> -> memref<80xi32, #tpu.memory_space<hbm>>
        tpu.enqueue_dma source(%dma_start3A_151 : memref<80xi32, #tpu.memory_space<hbm>>) target(%arg13 : memref<80xi32, #tpu.memory_space<vmem>>) target_semaphore(%arg20 : memref<!tpu.dma_semaphore, #tpu.memory_space<semaphore_mem>>)
      } else {
      }
      %dma_wait3A_133 = arith.constant 0 : i32
      %dma_wait3A_134 = arith.constant 0 : i32
      %dma_wait3A_135 = tpu.memref_slice %arg2[%dma_wait3A_133, %dma_wait3A_134] : memref<10000x128xf32, #tpu.memory_space<hbm>> -> memref<10000x128xf32, #tpu.memory_space<hbm>>
      tpu.wait_indirect_dma semaphore(%arg21 : memref<!tpu.dma_semaphore, #tpu.memory_space<semaphore_mem>>) src(%dma_wait3A_135 : memref<10000x128xf32, #tpu.memory_space<hbm>>) dst(%arg18 : memref<80x128xf32, #tpu.memory_space<vmem>>)
      "tpu.region"() ({
        %run_scoped3A = tpu.sem_alloc : memref<!tpu.dma_semaphore, #tpu.memory_space<semaphore_mem>>
        %dma_start3A_145 = arith.constant 0 : i32
        %dma_start3A_146 = arith.constant 0 : i32
        %dma_start3A_147 = tpu.memref_slice %arg19[%dma_start3A_145, %dma_start3A_146] : memref<10240x128xf32, #tpu.memory_space<vmem_shared>> -> memref<10240x128xf32, #tpu.memory_space<vmem_shared>>
        tpu.enqueue_indirect_dma source(%arg18 : memref<80x128xf32, #tpu.memory_space<vmem>>) target(%dma_start3A_147 : memref<10240x128xf32, #tpu.memory_space<vmem_shared>>) offsets(%arg14 : memref<80xi32, #tpu.memory_space<vmem>>) semaphore(%run_scoped3A : memref<!tpu.dma_semaphore, #tpu.memory_space<semaphore_mem>>) {add = true}
        %dma_wait3A_148 = arith.constant 0 : i32
        %dma_wait3A_149 = arith.constant 0 : i32
        %dma_wait3A_150 = tpu.memref_slice %arg19[%dma_wait3A_148, %dma_wait3A_149] : memref<10240x128xf32, #tpu.memory_space<vmem_shared>> -> memref<10240x128xf32, #tpu.memory_space<vmem_shared>>
        tpu.wait_indirect_dma semaphore(%run_scoped3A : memref<!tpu.dma_semaphore, #tpu.memory_space<semaphore_mem>>) src(%arg18 : memref<80x128xf32, #tpu.memory_space<vmem>>) dst(%dma_wait3A_150 : memref<10240x128xf32, #tpu.memory_space<vmem_shared>>)
        tpu.yield
      }) : () -> ()
      %add3A_136 = arith.constant 4 : i32
      %add3A_137 = arith.addi %mul3A_55, %add3A_136 : i32
      %add3A_138 = arith.constant 3 : i32
      %add3A_139 = arith.addi %add3A_137, %add3A_138 : i32
      %lt3A_140 = arith.constant 125 : i32
      %lt3A_141 = arith.cmpi slt, %add3A_139, %lt3A_140 : i32
      %convert_element_type3A_142 = arith.extui %lt3A_141 : i1 to i32
      %cond3A_143 = arith.constant 0 : i32
      %cond3A_144 = arith.cmpi ne, %convert_element_type3A_142, %cond3A_143 : i32
      scf.if %cond3A_144 {
        %mul3A_145 = arith.constant 80 : i32
        %mul3A_146 = arith.muli %add3A_139, %mul3A_145 : i32
        %add3A_147 = arith.addi %mul3A_6, %mul3A_146 : i32
        %dma_start3A_148 = tpu.memref_slice %arg3[%add3A_147] : memref<320000xi32, #tpu.memory_space<hbm>> -> memref<80xi32, #tpu.memory_space<hbm>>
        %dma_start3A_149 = tpu.memref_slice %arg3[%add3A_147] : memref<320000xi32, #tpu.memory_space<hbm>> -> memref<80xi32, #tpu.memory_space<hbm>>
        tpu.enqueue_dma source(%dma_start3A_149 : memref<80xi32, #tpu.memory_space<hbm>>) target(%arg10 : memref<80xi32, #tpu.memory_space<vmem>>) target_semaphore(%arg20 : memref<!tpu.dma_semaphore, #tpu.memory_space<semaphore_mem>>)
        %dma_start3A_150 = tpu.memref_slice %arg4[%add3A_147] : memref<320000xi32, #tpu.memory_space<hbm>> -> memref<80xi32, #tpu.memory_space<hbm>>
        %dma_start3A_151 = tpu.memref_slice %arg4[%add3A_147] : memref<320000xi32, #tpu.memory_space<hbm>> -> memref<80xi32, #tpu.memory_space<hbm>>
        tpu.enqueue_dma source(%dma_start3A_151 : memref<80xi32, #tpu.memory_space<hbm>>) target(%arg14 : memref<80xi32, #tpu.memory_space<vmem>>) target_semaphore(%arg20 : memref<!tpu.dma_semaphore, #tpu.memory_space<semaphore_mem>>)
      } else {
      }
    }
    %scan3A_34 = arith.constant 31 : i32
    %dma_wait3A = arith.constant 0 : i32
    %dma_wait3A_35 = tpu.memref_slice %arg3[%dma_wait3A] : memref<320000xi32, #tpu.memory_space<hbm>> -> memref<80xi32, #tpu.memory_space<hbm>>
    %dma_wait3A_36 = arith.constant 0 : i32
    %dma_wait3A_37 = tpu.memref_slice %arg3[%dma_wait3A_36] : memref<320000xi32, #tpu.memory_space<hbm>> -> memref<80xi32, #tpu.memory_space<hbm>>
    tpu.wait_dma2 semaphore(%arg20 : memref<!tpu.dma_semaphore, #tpu.memory_space<semaphore_mem>>) src(%dma_wait3A_37 : memref<80xi32, #tpu.memory_space<hbm>>) dst(%arg7 : memref<80xi32, #tpu.memory_space<vmem>>)
    %dma_wait3A_38 = arith.constant 0 : i32
    %dma_wait3A_39 = tpu.memref_slice %arg4[%dma_wait3A_38] : memref<320000xi32, #tpu.memory_space<hbm>> -> memref<80xi32, #tpu.memory_space<hbm>>
    %dma_wait3A_40 = arith.constant 0 : i32
    %dma_wait3A_41 = tpu.memref_slice %arg4[%dma_wait3A_40] : memref<320000xi32, #tpu.memory_space<hbm>> -> memref<80xi32, #tpu.memory_space<hbm>>
    tpu.wait_dma2 semaphore(%arg20 : memref<!tpu.dma_semaphore, #tpu.memory_space<semaphore_mem>>) src(%dma_wait3A_41 : memref<80xi32, #tpu.memory_space<hbm>>) dst(%arg11 : memref<80xi32, #tpu.memory_space<vmem>>)
    %dma_start3A_42 = arith.constant 0 : i32
    %dma_start3A_43 = arith.constant 0 : i32
    %dma_start3A_44 = tpu.memref_slice %arg2[%dma_start3A_42, %dma_start3A_43] : memref<10000x128xf32, #tpu.memory_space<hbm>> -> memref<10000x128xf32, #tpu.memory_space<hbm>>
    tpu.enqueue_indirect_dma source(%dma_start3A_44 : memref<10000x128xf32, #tpu.memory_space<hbm>>) target(%arg15 : memref<80x128xf32, #tpu.memory_space<vmem>>) offsets(%arg7 : memref<80xi32, #tpu.memory_space<vmem>>) semaphore(%arg21 : memref<!tpu.dma_semaphore, #tpu.memory_space<semaphore_mem>>)
    %dma_wait3A_45 = arith.constant 0 : i32
    %dma_wait3A_46 = arith.constant 0 : i32
    %dma_wait3A_47 = tpu.memref_slice %arg2[%dma_wait3A_45, %dma_wait3A_46] : memref<10000x128xf32, #tpu.memory_space<hbm>> -> memref<10000x128xf32, #tpu.memory_space<hbm>>
    tpu.wait_indirect_dma semaphore(%arg21 : memref<!tpu.dma_semaphore, #tpu.memory_space<semaphore_mem>>) src(%dma_wait3A_47 : memref<10000x128xf32, #tpu.memory_space<hbm>>) dst(%arg15 : memref<80x128xf32, #tpu.memory_space<vmem>>)
    "tpu.region"() ({
      %run_scoped3A = tpu.sem_alloc : memref<!tpu.dma_semaphore, #tpu.memory_space<semaphore_mem>>
      %dma_start3A_53 = arith.constant 0 : i32
      %dma_start3A_54 = arith.constant 0 : i32
      %dma_start3A_55 = tpu.memref_slice %arg19[%dma_start3A_53, %dma_start3A_54] : memref<10240x128xf32, #tpu.memory_space<vmem_shared>> -> memref<10240x128xf32, #tpu.memory_space<vmem_shared>>
      tpu.enqueue_indirect_dma source(%arg15 : memref<80x128xf32, #tpu.memory_space<vmem>>) target(%dma_start3A_55 : memref<10240x128xf32, #tpu.memory_space<vmem_shared>>) offsets(%arg11 : memref<80xi32, #tpu.memory_space<vmem>>) semaphore(%run_scoped3A : memref<!tpu.dma_semaphore, #tpu.memory_space<semaphore_mem>>) {add = true}
      %dma_wait3A_56 = arith.constant 0 : i32
      %dma_wait3A_57 = arith.constant 0 : i32
      %dma_wait3A_58 = tpu.memref_slice %arg19[%dma_wait3A_56, %dma_wait3A_57] : memref<10240x128xf32, #tpu.memory_space<vmem_shared>> -> memref<10240x128xf32, #tpu.memory_space<vmem_shared>>
      tpu.wait_indirect_dma semaphore(%run_scoped3A : memref<!tpu.dma_semaphore, #tpu.memory_space<semaphore_mem>>) src(%arg15 : memref<80x128xf32, #tpu.memory_space<vmem>>) dst(%dma_wait3A_58 : memref<10240x128xf32, #tpu.memory_space<vmem_shared>>)
      tpu.yield
    }) : () -> ()
    %barrier3A_48 = arith.constant 0 : index
    tpu.barrier barrier_id(%barrier3A_48)
    %mul3A_49 = arith.constant 640 : i32
    %mul3A_50 = arith.muli %arg1, %mul3A_49 : i32
    %mul3A_51 = arith.constant 640 : i32
    %mul3A_52 = arith.muli %arg1, %mul3A_51 : i32
    "tpu.region"() ({
      %run_scoped3A = tpu.sem_alloc : memref<!tpu.dma_semaphore, #tpu.memory_space<semaphore_mem>>
      %dma_start3A_53 = arith.constant 0 : i32
      %dma_start3A_54 = tpu.memref_slice %arg6[%arg0, %mul3A_52, %dma_start3A_53] : memref<2x10240x128xf32, #tpu.memory_space<hbm>> -> memref<1x640x128xf32, #tpu.memory_space<hbm>>
      %dma_start3A_55 = tpu.memref_squeeze %dma_start3A_54 : memref<1x640x128xf32, #tpu.memory_space<hbm>> -> memref<640x128xf32, #tpu.memory_space<hbm>>
      %dma_start3A_56 = arith.constant 0 : i32
      %dma_start3A_57 = tpu.memref_slice %arg19[%mul3A_50, %dma_start3A_56] : memref<10240x128xf32, #tpu.memory_space<vmem_shared>> -> memref<640x128xf32, #tpu.memory_space<vmem_shared>>
      tpu.enqueue_dma source(%dma_start3A_57 : memref<640x128xf32, #tpu.memory_space<vmem_shared>>) target(%dma_start3A_55 : memref<640x128xf32, #tpu.memory_space<hbm>>) target_semaphore(%run_scoped3A : memref<!tpu.dma_semaphore, #tpu.memory_space<semaphore_mem>>)
      %dma_wait3A_58 = arith.constant 0 : i32
      %dma_wait3A_59 = tpu.memref_slice %arg6[%arg0, %mul3A_52, %dma_wait3A_58] : memref<2x10240x128xf32, #tpu.memory_space<hbm>> -> memref<1x640x128xf32, #tpu.memory_space<hbm>>
      %dma_wait3A_60 = tpu.memref_squeeze %dma_wait3A_59 : memref<1x640x128xf32, #tpu.memory_space<hbm>> -> memref<640x128xf32, #tpu.memory_space<hbm>>
      %dma_wait3A_61 = arith.constant 0 : i32
      %dma_wait3A_62 = tpu.memref_slice %arg19[%mul3A_50, %dma_wait3A_61] : memref<10240x128xf32, #tpu.memory_space<vmem_shared>> -> memref<640x128xf32, #tpu.memory_space<vmem_shared>>
      tpu.wait_dma2 semaphore(%run_scoped3A : memref<!tpu.dma_semaphore, #tpu.memory_space<semaphore_mem>>) src(%dma_wait3A_62 : memref<640x128xf32, #tpu.memory_space<vmem_shared>>) dst(%dma_wait3A_60 : memref<640x128xf32, #tpu.memory_space<hbm>>)
      tpu.yield
    }) : () -> ()
    return
  }
}

#map = affine_map<(d0, d1) -> (0)>
#map1 = affine_map<(d0, d1) -> (0, 0)>
#map2 = affine_map<(d0, d1) -> (0, 0, 0)>
module attributes {stable_mosaic.version = 14 : i64} {
  func.func @_sc_degcount_body(%arg0: i32, %arg1: i32, %arg2: memref<320000xi32, #tpu.memory_space<hbm>>, %arg3: memref<10240x128xf32, #tpu.memory_space<hbm>>, %arg4: memref<80x128xf32, #tpu.memory_space<hbm>>, %arg5: memref<2x10240x128xf32, #tpu.memory_space<hbm>>, %arg6: memref<80xi32, #tpu.memory_space<vmem>>, %arg7: memref<80xi32, #tpu.memory_space<vmem>>, %arg8: memref<80xi32, #tpu.memory_space<vmem>>, %arg9: memref<80xi32, #tpu.memory_space<vmem>>, %arg10: memref<80x128xf32, #tpu.memory_space<vmem>>, %arg11: memref<10240x128xf32, #tpu.memory_space<vmem_shared>>, %arg12: memref<!tpu.dma_semaphore, #tpu.memory_space<semaphore_mem>>, %arg13: memref<!tpu.dma_semaphore, #tpu.memory_space<semaphore_mem>>) attributes {dimension_semantics = [#tpu.dimension_semantics<core_parallel>, #tpu.dimension_semantics<subcore_parallel>], iteration_bounds = array<i64: 2, 16>, scalar_prefetch = 0 : i64, scratch_operands = 8 : i64, tpu.core_type = #tpu.core_type<sc_vector_subcore>, window_params = [{transform_indices = #map}, {transform_indices = #map1}, {transform_indices = #map1}, {transform_indices = #map2}]} {
    %mul3A = arith.constant 640 : i32
    %mul3A_0 = arith.muli %arg1, %mul3A : i32
    %mul3A_1 = arith.constant 640 : i32
    %mul3A_2 = arith.muli %arg1, %mul3A_1 : i32
    "tpu.region"() ({
      %run_scoped3A = tpu.sem_alloc : memref<!tpu.dma_semaphore, #tpu.memory_space<semaphore_mem>>
      %dma_start3A_41 = arith.constant 0 : i32
      %dma_start3A_42 = tpu.memref_slice %arg11[%mul3A_2, %dma_start3A_41] : memref<10240x128xf32, #tpu.memory_space<vmem_shared>> -> memref<640x128xf32, #tpu.memory_space<vmem_shared>>
      %dma_start3A_43 = arith.constant 0 : i32
      %dma_start3A_44 = tpu.memref_slice %arg3[%mul3A_0, %dma_start3A_43] : memref<10240x128xf32, #tpu.memory_space<hbm>> -> memref<640x128xf32, #tpu.memory_space<hbm>>
      tpu.enqueue_dma source(%dma_start3A_44 : memref<640x128xf32, #tpu.memory_space<hbm>>) target(%dma_start3A_42 : memref<640x128xf32, #tpu.memory_space<vmem_shared>>) target_semaphore(%run_scoped3A : memref<!tpu.dma_semaphore, #tpu.memory_space<semaphore_mem>>)
      %dma_wait3A_45 = arith.constant 0 : i32
      %dma_wait3A_46 = tpu.memref_slice %arg11[%mul3A_2, %dma_wait3A_45] : memref<10240x128xf32, #tpu.memory_space<vmem_shared>> -> memref<640x128xf32, #tpu.memory_space<vmem_shared>>
      %dma_wait3A_47 = arith.constant 0 : i32
      %dma_wait3A_48 = tpu.memref_slice %arg3[%mul3A_0, %dma_wait3A_47] : memref<10240x128xf32, #tpu.memory_space<hbm>> -> memref<640x128xf32, #tpu.memory_space<hbm>>
      tpu.wait_dma2 semaphore(%run_scoped3A : memref<!tpu.dma_semaphore, #tpu.memory_space<semaphore_mem>>) src(%dma_wait3A_48 : memref<640x128xf32, #tpu.memory_space<hbm>>) dst(%dma_wait3A_46 : memref<640x128xf32, #tpu.memory_space<vmem_shared>>)
      tpu.yield
    }) : () -> ()
    "tpu.region"() ({
      %run_scoped3A = tpu.sem_alloc : memref<!tpu.dma_semaphore, #tpu.memory_space<semaphore_mem>>
      tpu.enqueue_dma source(%arg4 : memref<80x128xf32, #tpu.memory_space<hbm>>) target(%arg10 : memref<80x128xf32, #tpu.memory_space<vmem>>) target_semaphore(%run_scoped3A : memref<!tpu.dma_semaphore, #tpu.memory_space<semaphore_mem>>)
      tpu.wait_dma2 semaphore(%run_scoped3A : memref<!tpu.dma_semaphore, #tpu.memory_space<semaphore_mem>>) src(%arg4 : memref<80x128xf32, #tpu.memory_space<hbm>>) dst(%arg10 : memref<80x128xf32, #tpu.memory_space<vmem>>)
      tpu.yield
    }) : () -> ()
    %barrier3A = arith.constant 0 : index
    tpu.barrier barrier_id(%barrier3A)
    %mul3A_3 = arith.constant 2 : i32
    %mul3A_4 = arith.muli %arg1, %mul3A_3 : i32
    %add3A = arith.addi %mul3A_4, %arg0 : i32
    %mul3A_5 = arith.constant 10000 : i32
    %mul3A_6 = arith.muli %add3A, %mul3A_5 : i32
    %add3A_7 = arith.constant 0 : i32
    %add3A_8 = arith.addi %mul3A_6, %add3A_7 : i32
    %dma_start3A = tpu.memref_slice %arg2[%add3A_8] : memref<320000xi32, #tpu.memory_space<hbm>> -> memref<80xi32, #tpu.memory_space<hbm>>
    %dma_start3A_9 = tpu.memref_slice %arg2[%add3A_8] : memref<320000xi32, #tpu.memory_space<hbm>> -> memref<80xi32, #tpu.memory_space<hbm>>
    tpu.enqueue_dma source(%dma_start3A_9 : memref<80xi32, #tpu.memory_space<hbm>>) target(%arg6 : memref<80xi32, #tpu.memory_space<vmem>>) target_semaphore(%arg12 : memref<!tpu.dma_semaphore, #tpu.memory_space<semaphore_mem>>)
    %add3A_10 = arith.constant 80 : i32
    %add3A_11 = arith.addi %mul3A_6, %add3A_10 : i32
    %dma_start3A_12 = tpu.memref_slice %arg2[%add3A_11] : memref<320000xi32, #tpu.memory_space<hbm>> -> memref<80xi32, #tpu.memory_space<hbm>>
    %dma_start3A_13 = tpu.memref_slice %arg2[%add3A_11] : memref<320000xi32, #tpu.memory_space<hbm>> -> memref<80xi32, #tpu.memory_space<hbm>>
    tpu.enqueue_dma source(%dma_start3A_13 : memref<80xi32, #tpu.memory_space<hbm>>) target(%arg7 : memref<80xi32, #tpu.memory_space<vmem>>) target_semaphore(%arg12 : memref<!tpu.dma_semaphore, #tpu.memory_space<semaphore_mem>>)
    %add3A_14 = arith.constant 160 : i32
    %add3A_15 = arith.addi %mul3A_6, %add3A_14 : i32
    %dma_start3A_16 = tpu.memref_slice %arg2[%add3A_15] : memref<320000xi32, #tpu.memory_space<hbm>> -> memref<80xi32, #tpu.memory_space<hbm>>
    %dma_start3A_17 = tpu.memref_slice %arg2[%add3A_15] : memref<320000xi32, #tpu.memory_space<hbm>> -> memref<80xi32, #tpu.memory_space<hbm>>
    tpu.enqueue_dma source(%dma_start3A_17 : memref<80xi32, #tpu.memory_space<hbm>>) target(%arg8 : memref<80xi32, #tpu.memory_space<vmem>>) target_semaphore(%arg12 : memref<!tpu.dma_semaphore, #tpu.memory_space<semaphore_mem>>)
    %add3A_18 = arith.constant 240 : i32
    %add3A_19 = arith.addi %mul3A_6, %add3A_18 : i32
    %dma_start3A_20 = tpu.memref_slice %arg2[%add3A_19] : memref<320000xi32, #tpu.memory_space<hbm>> -> memref<80xi32, #tpu.memory_space<hbm>>
    %dma_start3A_21 = tpu.memref_slice %arg2[%add3A_19] : memref<320000xi32, #tpu.memory_space<hbm>> -> memref<80xi32, #tpu.memory_space<hbm>>
    tpu.enqueue_dma source(%dma_start3A_21 : memref<80xi32, #tpu.memory_space<hbm>>) target(%arg9 : memref<80xi32, #tpu.memory_space<vmem>>) target_semaphore(%arg12 : memref<!tpu.dma_semaphore, #tpu.memory_space<semaphore_mem>>)
    %scan3A = arith.constant 0 : i32
    %scan3A_22 = arith.constant 0 : i32
    %scan3A_23 = arith.constant 31 : i32
    %scan3A_24 = arith.addi %scan3A_22, %scan3A_23 : i32
    %scan3A_25 = arith.constant 1 : i32
    scf.for %scan3A_41 = %scan3A_22 to %scan3A_24 step %scan3A_25  : i32 {
      %mul3A_42 = arith.constant 4 : i32
      %mul3A_43 = arith.muli %scan3A_41, %mul3A_42 : i32
      %dma_wait3A_44 = arith.constant 0 : i32
      %dma_wait3A_45 = tpu.memref_slice %arg2[%dma_wait3A_44] : memref<320000xi32, #tpu.memory_space<hbm>> -> memref<80xi32, #tpu.memory_space<hbm>>
      %dma_wait3A_46 = arith.constant 0 : i32
      %dma_wait3A_47 = tpu.memref_slice %arg2[%dma_wait3A_46] : memref<320000xi32, #tpu.memory_space<hbm>> -> memref<80xi32, #tpu.memory_space<hbm>>
      tpu.wait_dma2 semaphore(%arg12 : memref<!tpu.dma_semaphore, #tpu.memory_space<semaphore_mem>>) src(%dma_wait3A_47 : memref<80xi32, #tpu.memory_space<hbm>>) dst(%arg6 : memref<80xi32, #tpu.memory_space<vmem>>)
      %dma_start3A_48 = arith.constant 0 : i32
      %dma_start3A_49 = arith.constant 0 : i32
      %dma_start3A_50 = tpu.memref_slice %arg11[%dma_start3A_48, %dma_start3A_49] : memref<10240x128xf32, #tpu.memory_space<vmem_shared>> -> memref<10240x128xf32, #tpu.memory_space<vmem_shared>>
      tpu.enqueue_indirect_dma source(%arg10 : memref<80x128xf32, #tpu.memory_space<vmem>>) target(%dma_start3A_50 : memref<10240x128xf32, #tpu.memory_space<vmem_shared>>) offsets(%arg6 : memref<80xi32, #tpu.memory_space<vmem>>) semaphore(%arg13 : memref<!tpu.dma_semaphore, #tpu.memory_space<semaphore_mem>>) {add = true}
      %dma_wait3A_51 = arith.constant 0 : i32
      %dma_wait3A_52 = tpu.memref_slice %arg2[%dma_wait3A_51] : memref<320000xi32, #tpu.memory_space<hbm>> -> memref<80xi32, #tpu.memory_space<hbm>>
      %dma_wait3A_53 = arith.constant 0 : i32
      %dma_wait3A_54 = tpu.memref_slice %arg2[%dma_wait3A_53] : memref<320000xi32, #tpu.memory_space<hbm>> -> memref<80xi32, #tpu.memory_space<hbm>>
      tpu.wait_dma2 semaphore(%arg12 : memref<!tpu.dma_semaphore, #tpu.memory_space<semaphore_mem>>) src(%dma_wait3A_54 : memref<80xi32, #tpu.memory_space<hbm>>) dst(%arg7 : memref<80xi32, #tpu.memory_space<vmem>>)
      %dma_start3A_55 = arith.constant 0 : i32
      %dma_start3A_56 = arith.constant 0 : i32
      %dma_start3A_57 = tpu.memref_slice %arg11[%dma_start3A_55, %dma_start3A_56] : memref<10240x128xf32, #tpu.memory_space<vmem_shared>> -> memref<10240x128xf32, #tpu.memory_space<vmem_shared>>
      tpu.enqueue_indirect_dma source(%arg10 : memref<80x128xf32, #tpu.memory_space<vmem>>) target(%dma_start3A_57 : memref<10240x128xf32, #tpu.memory_space<vmem_shared>>) offsets(%arg7 : memref<80xi32, #tpu.memory_space<vmem>>) semaphore(%arg13 : memref<!tpu.dma_semaphore, #tpu.memory_space<semaphore_mem>>) {add = true}
      %dma_wait3A_58 = arith.constant 0 : i32
      %dma_wait3A_59 = tpu.memref_slice %arg2[%dma_wait3A_58] : memref<320000xi32, #tpu.memory_space<hbm>> -> memref<80xi32, #tpu.memory_space<hbm>>
      %dma_wait3A_60 = arith.constant 0 : i32
      %dma_wait3A_61 = tpu.memref_slice %arg2[%dma_wait3A_60] : memref<320000xi32, #tpu.memory_space<hbm>> -> memref<80xi32, #tpu.memory_space<hbm>>
      tpu.wait_dma2 semaphore(%arg12 : memref<!tpu.dma_semaphore, #tpu.memory_space<semaphore_mem>>) src(%dma_wait3A_61 : memref<80xi32, #tpu.memory_space<hbm>>) dst(%arg8 : memref<80xi32, #tpu.memory_space<vmem>>)
      %dma_start3A_62 = arith.constant 0 : i32
      %dma_start3A_63 = arith.constant 0 : i32
      %dma_start3A_64 = tpu.memref_slice %arg11[%dma_start3A_62, %dma_start3A_63] : memref<10240x128xf32, #tpu.memory_space<vmem_shared>> -> memref<10240x128xf32, #tpu.memory_space<vmem_shared>>
      tpu.enqueue_indirect_dma source(%arg10 : memref<80x128xf32, #tpu.memory_space<vmem>>) target(%dma_start3A_64 : memref<10240x128xf32, #tpu.memory_space<vmem_shared>>) offsets(%arg8 : memref<80xi32, #tpu.memory_space<vmem>>) semaphore(%arg13 : memref<!tpu.dma_semaphore, #tpu.memory_space<semaphore_mem>>) {add = true}
      %dma_wait3A_65 = arith.constant 0 : i32
      %dma_wait3A_66 = tpu.memref_slice %arg2[%dma_wait3A_65] : memref<320000xi32, #tpu.memory_space<hbm>> -> memref<80xi32, #tpu.memory_space<hbm>>
      %dma_wait3A_67 = arith.constant 0 : i32
      %dma_wait3A_68 = tpu.memref_slice %arg2[%dma_wait3A_67] : memref<320000xi32, #tpu.memory_space<hbm>> -> memref<80xi32, #tpu.memory_space<hbm>>
      tpu.wait_dma2 semaphore(%arg12 : memref<!tpu.dma_semaphore, #tpu.memory_space<semaphore_mem>>) src(%dma_wait3A_68 : memref<80xi32, #tpu.memory_space<hbm>>) dst(%arg9 : memref<80xi32, #tpu.memory_space<vmem>>)
      %dma_start3A_69 = arith.constant 0 : i32
      %dma_start3A_70 = arith.constant 0 : i32
      %dma_start3A_71 = tpu.memref_slice %arg11[%dma_start3A_69, %dma_start3A_70] : memref<10240x128xf32, #tpu.memory_space<vmem_shared>> -> memref<10240x128xf32, #tpu.memory_space<vmem_shared>>
      tpu.enqueue_indirect_dma source(%arg10 : memref<80x128xf32, #tpu.memory_space<vmem>>) target(%dma_start3A_71 : memref<10240x128xf32, #tpu.memory_space<vmem_shared>>) offsets(%arg9 : memref<80xi32, #tpu.memory_space<vmem>>) semaphore(%arg13 : memref<!tpu.dma_semaphore, #tpu.memory_space<semaphore_mem>>) {add = true}
      %dma_wait3A_72 = arith.constant 0 : i32
      %dma_wait3A_73 = arith.constant 0 : i32
      %dma_wait3A_74 = tpu.memref_slice %arg11[%dma_wait3A_72, %dma_wait3A_73] : memref<10240x128xf32, #tpu.memory_space<vmem_shared>> -> memref<10240x128xf32, #tpu.memory_space<vmem_shared>>
      tpu.wait_indirect_dma semaphore(%arg13 : memref<!tpu.dma_semaphore, #tpu.memory_space<semaphore_mem>>) src(%arg10 : memref<80x128xf32, #tpu.memory_space<vmem>>) dst(%dma_wait3A_74 : memref<10240x128xf32, #tpu.memory_space<vmem_shared>>)
      %add3A_75 = arith.constant 4 : i32
      %add3A_76 = arith.addi %mul3A_43, %add3A_75 : i32
      %add3A_77 = arith.constant 0 : i32
      %add3A_78 = arith.addi %add3A_76, %add3A_77 : i32
      %lt3A = arith.constant 125 : i32
      %lt3A_79 = arith.cmpi slt, %add3A_78, %lt3A : i32
      %convert_element_type3A = arith.extui %lt3A_79 : i1 to i32
      %cond3A = arith.constant 0 : i32
      %cond3A_80 = arith.cmpi ne, %convert_element_type3A, %cond3A : i32
      scf.if %cond3A_80 {
        %mul3A_117 = arith.constant 80 : i32
        %mul3A_118 = arith.muli %add3A_78, %mul3A_117 : i32
        %add3A_119 = arith.addi %mul3A_6, %mul3A_118 : i32
        %dma_start3A_120 = tpu.memref_slice %arg2[%add3A_119] : memref<320000xi32, #tpu.memory_space<hbm>> -> memref<80xi32, #tpu.memory_space<hbm>>
        %dma_start3A_121 = tpu.memref_slice %arg2[%add3A_119] : memref<320000xi32, #tpu.memory_space<hbm>> -> memref<80xi32, #tpu.memory_space<hbm>>
        tpu.enqueue_dma source(%dma_start3A_121 : memref<80xi32, #tpu.memory_space<hbm>>) target(%arg6 : memref<80xi32, #tpu.memory_space<vmem>>) target_semaphore(%arg12 : memref<!tpu.dma_semaphore, #tpu.memory_space<semaphore_mem>>)
      } else {
      }
      %dma_wait3A_81 = arith.constant 0 : i32
      %dma_wait3A_82 = arith.constant 0 : i32
      %dma_wait3A_83 = tpu.memref_slice %arg11[%dma_wait3A_81, %dma_wait3A_82] : memref<10240x128xf32, #tpu.memory_space<vmem_shared>> -> memref<10240x128xf32, #tpu.memory_space<vmem_shared>>
      tpu.wait_indirect_dma semaphore(%arg13 : memref<!tpu.dma_semaphore, #tpu.memory_space<semaphore_mem>>) src(%arg10 : memref<80x128xf32, #tpu.memory_space<vmem>>) dst(%dma_wait3A_83 : memref<10240x128xf32, #tpu.memory_space<vmem_shared>>)
      %add3A_84 = arith.constant 4 : i32
      %add3A_85 = arith.addi %mul3A_43, %add3A_84 : i32
      %add3A_86 = arith.constant 1 : i32
      %add3A_87 = arith.addi %add3A_85, %add3A_86 : i32
      %lt3A_88 = arith.constant 125 : i32
      %lt3A_89 = arith.cmpi slt, %add3A_87, %lt3A_88 : i32
      %convert_element_type3A_90 = arith.extui %lt3A_89 : i1 to i32
      %cond3A_91 = arith.constant 0 : i32
      %cond3A_92 = arith.cmpi ne, %convert_element_type3A_90, %cond3A_91 : i32
      scf.if %cond3A_92 {
        %mul3A_117 = arith.constant 80 : i32
        %mul3A_118 = arith.muli %add3A_87, %mul3A_117 : i32
        %add3A_119 = arith.addi %mul3A_6, %mul3A_118 : i32
        %dma_start3A_120 = tpu.memref_slice %arg2[%add3A_119] : memref<320000xi32, #tpu.memory_space<hbm>> -> memref<80xi32, #tpu.memory_space<hbm>>
        %dma_start3A_121 = tpu.memref_slice %arg2[%add3A_119] : memref<320000xi32, #tpu.memory_space<hbm>> -> memref<80xi32, #tpu.memory_space<hbm>>
        tpu.enqueue_dma source(%dma_start3A_121 : memref<80xi32, #tpu.memory_space<hbm>>) target(%arg7 : memref<80xi32, #tpu.memory_space<vmem>>) target_semaphore(%arg12 : memref<!tpu.dma_semaphore, #tpu.memory_space<semaphore_mem>>)
      } else {
      }
      %dma_wait3A_93 = arith.constant 0 : i32
      %dma_wait3A_94 = arith.constant 0 : i32
      %dma_wait3A_95 = tpu.memref_slice %arg11[%dma_wait3A_93, %dma_wait3A_94] : memref<10240x128xf32, #tpu.memory_space<vmem_shared>> -> memref<10240x128xf32, #tpu.memory_space<vmem_shared>>
      tpu.wait_indirect_dma semaphore(%arg13 : memref<!tpu.dma_semaphore, #tpu.memory_space<semaphore_mem>>) src(%arg10 : memref<80x128xf32, #tpu.memory_space<vmem>>) dst(%dma_wait3A_95 : memref<10240x128xf32, #tpu.memory_space<vmem_shared>>)
      %add3A_96 = arith.constant 4 : i32
      %add3A_97 = arith.addi %mul3A_43, %add3A_96 : i32
      %add3A_98 = arith.constant 2 : i32
      %add3A_99 = arith.addi %add3A_97, %add3A_98 : i32
      %lt3A_100 = arith.constant 125 : i32
      %lt3A_101 = arith.cmpi slt, %add3A_99, %lt3A_100 : i32
      %convert_element_type3A_102 = arith.extui %lt3A_101 : i1 to i32
      %cond3A_103 = arith.constant 0 : i32
      %cond3A_104 = arith.cmpi ne, %convert_element_type3A_102, %cond3A_103 : i32
      scf.if %cond3A_104 {
        %mul3A_117 = arith.constant 80 : i32
        %mul3A_118 = arith.muli %add3A_99, %mul3A_117 : i32
        %add3A_119 = arith.addi %mul3A_6, %mul3A_118 : i32
        %dma_start3A_120 = tpu.memref_slice %arg2[%add3A_119] : memref<320000xi32, #tpu.memory_space<hbm>> -> memref<80xi32, #tpu.memory_space<hbm>>
        %dma_start3A_121 = tpu.memref_slice %arg2[%add3A_119] : memref<320000xi32, #tpu.memory_space<hbm>> -> memref<80xi32, #tpu.memory_space<hbm>>
        tpu.enqueue_dma source(%dma_start3A_121 : memref<80xi32, #tpu.memory_space<hbm>>) target(%arg8 : memref<80xi32, #tpu.memory_space<vmem>>) target_semaphore(%arg12 : memref<!tpu.dma_semaphore, #tpu.memory_space<semaphore_mem>>)
      } else {
      }
      %dma_wait3A_105 = arith.constant 0 : i32
      %dma_wait3A_106 = arith.constant 0 : i32
      %dma_wait3A_107 = tpu.memref_slice %arg11[%dma_wait3A_105, %dma_wait3A_106] : memref<10240x128xf32, #tpu.memory_space<vmem_shared>> -> memref<10240x128xf32, #tpu.memory_space<vmem_shared>>
      tpu.wait_indirect_dma semaphore(%arg13 : memref<!tpu.dma_semaphore, #tpu.memory_space<semaphore_mem>>) src(%arg10 : memref<80x128xf32, #tpu.memory_space<vmem>>) dst(%dma_wait3A_107 : memref<10240x128xf32, #tpu.memory_space<vmem_shared>>)
      %add3A_108 = arith.constant 4 : i32
      %add3A_109 = arith.addi %mul3A_43, %add3A_108 : i32
      %add3A_110 = arith.constant 3 : i32
      %add3A_111 = arith.addi %add3A_109, %add3A_110 : i32
      %lt3A_112 = arith.constant 125 : i32
      %lt3A_113 = arith.cmpi slt, %add3A_111, %lt3A_112 : i32
      %convert_element_type3A_114 = arith.extui %lt3A_113 : i1 to i32
      %cond3A_115 = arith.constant 0 : i32
      %cond3A_116 = arith.cmpi ne, %convert_element_type3A_114, %cond3A_115 : i32
      scf.if %cond3A_116 {
        %mul3A_117 = arith.constant 80 : i32
        %mul3A_118 = arith.muli %add3A_111, %mul3A_117 : i32
        %add3A_119 = arith.addi %mul3A_6, %mul3A_118 : i32
        %dma_start3A_120 = tpu.memref_slice %arg2[%add3A_119] : memref<320000xi32, #tpu.memory_space<hbm>> -> memref<80xi32, #tpu.memory_space<hbm>>
        %dma_start3A_121 = tpu.memref_slice %arg2[%add3A_119] : memref<320000xi32, #tpu.memory_space<hbm>> -> memref<80xi32, #tpu.memory_space<hbm>>
        tpu.enqueue_dma source(%dma_start3A_121 : memref<80xi32, #tpu.memory_space<hbm>>) target(%arg9 : memref<80xi32, #tpu.memory_space<vmem>>) target_semaphore(%arg12 : memref<!tpu.dma_semaphore, #tpu.memory_space<semaphore_mem>>)
      } else {
      }
    }
    %scan3A_26 = arith.constant 31 : i32
    %dma_wait3A = arith.constant 0 : i32
    %dma_wait3A_27 = tpu.memref_slice %arg2[%dma_wait3A] : memref<320000xi32, #tpu.memory_space<hbm>> -> memref<80xi32, #tpu.memory_space<hbm>>
    %dma_wait3A_28 = arith.constant 0 : i32
    %dma_wait3A_29 = tpu.memref_slice %arg2[%dma_wait3A_28] : memref<320000xi32, #tpu.memory_space<hbm>> -> memref<80xi32, #tpu.memory_space<hbm>>
    tpu.wait_dma2 semaphore(%arg12 : memref<!tpu.dma_semaphore, #tpu.memory_space<semaphore_mem>>) src(%dma_wait3A_29 : memref<80xi32, #tpu.memory_space<hbm>>) dst(%arg6 : memref<80xi32, #tpu.memory_space<vmem>>)
    %dma_start3A_30 = arith.constant 0 : i32
    %dma_start3A_31 = arith.constant 0 : i32
    %dma_start3A_32 = tpu.memref_slice %arg11[%dma_start3A_30, %dma_start3A_31] : memref<10240x128xf32, #tpu.memory_space<vmem_shared>> -> memref<10240x128xf32, #tpu.memory_space<vmem_shared>>
    tpu.enqueue_indirect_dma source(%arg10 : memref<80x128xf32, #tpu.memory_space<vmem>>) target(%dma_start3A_32 : memref<10240x128xf32, #tpu.memory_space<vmem_shared>>) offsets(%arg6 : memref<80xi32, #tpu.memory_space<vmem>>) semaphore(%arg13 : memref<!tpu.dma_semaphore, #tpu.memory_space<semaphore_mem>>) {add = true}
    %dma_wait3A_33 = arith.constant 0 : i32
    %dma_wait3A_34 = arith.constant 0 : i32
    %dma_wait3A_35 = tpu.memref_slice %arg11[%dma_wait3A_33, %dma_wait3A_34] : memref<10240x128xf32, #tpu.memory_space<vmem_shared>> -> memref<10240x128xf32, #tpu.memory_space<vmem_shared>>
    tpu.wait_indirect_dma semaphore(%arg13 : memref<!tpu.dma_semaphore, #tpu.memory_space<semaphore_mem>>) src(%arg10 : memref<80x128xf32, #tpu.memory_space<vmem>>) dst(%dma_wait3A_35 : memref<10240x128xf32, #tpu.memory_space<vmem_shared>>)
    %barrier3A_36 = arith.constant 0 : index
    tpu.barrier barrier_id(%barrier3A_36)
    %mul3A_37 = arith.constant 640 : i32
    %mul3A_38 = arith.muli %arg1, %mul3A_37 : i32
    %mul3A_39 = arith.constant 640 : i32
    %mul3A_40 = arith.muli %arg1, %mul3A_39 : i32
    "tpu.region"() ({
      %run_scoped3A = tpu.sem_alloc : memref<!tpu.dma_semaphore, #tpu.memory_space<semaphore_mem>>
      %dma_start3A_41 = arith.constant 0 : i32
      %dma_start3A_42 = tpu.memref_slice %arg5[%arg0, %mul3A_40, %dma_start3A_41] : memref<2x10240x128xf32, #tpu.memory_space<hbm>> -> memref<1x640x128xf32, #tpu.memory_space<hbm>>
      %dma_start3A_43 = tpu.memref_squeeze %dma_start3A_42 : memref<1x640x128xf32, #tpu.memory_space<hbm>> -> memref<640x128xf32, #tpu.memory_space<hbm>>
      %dma_start3A_44 = arith.constant 0 : i32
      %dma_start3A_45 = tpu.memref_slice %arg11[%mul3A_38, %dma_start3A_44] : memref<10240x128xf32, #tpu.memory_space<vmem_shared>> -> memref<640x128xf32, #tpu.memory_space<vmem_shared>>
      tpu.enqueue_dma source(%dma_start3A_45 : memref<640x128xf32, #tpu.memory_space<vmem_shared>>) target(%dma_start3A_43 : memref<640x128xf32, #tpu.memory_space<hbm>>) target_semaphore(%run_scoped3A : memref<!tpu.dma_semaphore, #tpu.memory_space<semaphore_mem>>)
      %dma_wait3A_46 = arith.constant 0 : i32
      %dma_wait3A_47 = tpu.memref_slice %arg5[%arg0, %mul3A_40, %dma_wait3A_46] : memref<2x10240x128xf32, #tpu.memory_space<hbm>> -> memref<1x640x128xf32, #tpu.memory_space<hbm>>
      %dma_wait3A_48 = tpu.memref_squeeze %dma_wait3A_47 : memref<1x640x128xf32, #tpu.memory_space<hbm>> -> memref<640x128xf32, #tpu.memory_space<hbm>>
      %dma_wait3A_49 = arith.constant 0 : i32
      %dma_wait3A_50 = tpu.memref_slice %arg11[%mul3A_38, %dma_wait3A_49] : memref<10240x128xf32, #tpu.memory_space<vmem_shared>> -> memref<640x128xf32, #tpu.memory_space<vmem_shared>>
      tpu.wait_dma2 semaphore(%run_scoped3A : memref<!tpu.dma_semaphore, #tpu.memory_space<semaphore_mem>>) src(%dma_wait3A_50 : memref<640x128xf32, #tpu.memory_space<vmem_shared>>) dst(%dma_wait3A_48 : memref<640x128xf32, #tpu.memory_space<hbm>>)
      tpu.yield
    }) : () -> ()
    return
  }
}

#map = affine_map<(d0, d1) -> (0, 0)>
#map1 = affine_map<(d0, d1) -> (0)>
#map2 = affine_map<(d0, d1) -> (0, 0, 0)>
module attributes {stable_mosaic.version = 14 : i64} {
  func.func @_sc_segsum_body(%arg0: i32, %arg1: i32, %arg2: memref<10000x128xf32, #tpu.memory_space<hbm>>, %arg3: memref<320000xi32, #tpu.memory_space<hbm>>, %arg4: memref<320000xi32, #tpu.memory_space<hbm>>, %arg5: memref<10240x128xf32, #tpu.memory_space<hbm>>, %arg6: memref<2x10240x128xf32, #tpu.memory_space<hbm>>, %arg7: memref<80xi32, #tpu.memory_space<vmem>>, %arg8: memref<80xi32, #tpu.memory_space<vmem>>, %arg9: memref<80xi32, #tpu.memory_space<vmem>>, %arg10: memref<80xi32, #tpu.memory_space<vmem>>, %arg11: memref<80xi32, #tpu.memory_space<vmem>>, %arg12: memref<80xi32, #tpu.memory_space<vmem>>, %arg13: memref<80xi32, #tpu.memory_space<vmem>>, %arg14: memref<80xi32, #tpu.memory_space<vmem>>, %arg15: memref<80x128xf32, #tpu.memory_space<vmem>>, %arg16: memref<80x128xf32, #tpu.memory_space<vmem>>, %arg17: memref<80x128xf32, #tpu.memory_space<vmem>>, %arg18: memref<80x128xf32, #tpu.memory_space<vmem>>, %arg19: memref<10240x128xf32, #tpu.memory_space<vmem_shared>>, %arg20: memref<!tpu.dma_semaphore, #tpu.memory_space<semaphore_mem>>, %arg21: memref<!tpu.dma_semaphore, #tpu.memory_space<semaphore_mem>>) attributes {dimension_semantics = [#tpu.dimension_semantics<core_parallel>, #tpu.dimension_semantics<subcore_parallel>], iteration_bounds = array<i64: 2, 16>, scalar_prefetch = 0 : i64, scratch_operands = 15 : i64, tpu.core_type = #tpu.core_type<sc_vector_subcore>, window_params = [{transform_indices = #map}, {transform_indices = #map1}, {transform_indices = #map1}, {transform_indices = #map}, {transform_indices = #map2}]} {
    %mul3A = arith.constant 640 : i32
    %mul3A_0 = arith.muli %arg1, %mul3A : i32
    %mul3A_1 = arith.constant 640 : i32
    %mul3A_2 = arith.muli %arg1, %mul3A_1 : i32
    "tpu.region"() ({
      %run_scoped3A = tpu.sem_alloc : memref<!tpu.dma_semaphore, #tpu.memory_space<semaphore_mem>>
      %dma_start3A_53 = arith.constant 0 : i32
      %dma_start3A_54 = tpu.memref_slice %arg19[%mul3A_2, %dma_start3A_53] : memref<10240x128xf32, #tpu.memory_space<vmem_shared>> -> memref<640x128xf32, #tpu.memory_space<vmem_shared>>
      %dma_start3A_55 = arith.constant 0 : i32
      %dma_start3A_56 = tpu.memref_slice %arg5[%mul3A_0, %dma_start3A_55] : memref<10240x128xf32, #tpu.memory_space<hbm>> -> memref<640x128xf32, #tpu.memory_space<hbm>>
      tpu.enqueue_dma source(%dma_start3A_56 : memref<640x128xf32, #tpu.memory_space<hbm>>) target(%dma_start3A_54 : memref<640x128xf32, #tpu.memory_space<vmem_shared>>) target_semaphore(%run_scoped3A : memref<!tpu.dma_semaphore, #tpu.memory_space<semaphore_mem>>)
      %dma_wait3A_57 = arith.constant 0 : i32
      %dma_wait3A_58 = tpu.memref_slice %arg19[%mul3A_2, %dma_wait3A_57] : memref<10240x128xf32, #tpu.memory_space<vmem_shared>> -> memref<640x128xf32, #tpu.memory_space<vmem_shared>>
      %dma_wait3A_59 = arith.constant 0 : i32
      %dma_wait3A_60 = tpu.memref_slice %arg5[%mul3A_0, %dma_wait3A_59] : memref<10240x128xf32, #tpu.memory_space<hbm>> -> memref<640x128xf32, #tpu.memory_space<hbm>>
      tpu.wait_dma2 semaphore(%run_scoped3A : memref<!tpu.dma_semaphore, #tpu.memory_space<semaphore_mem>>) src(%dma_wait3A_60 : memref<640x128xf32, #tpu.memory_space<hbm>>) dst(%dma_wait3A_58 : memref<640x128xf32, #tpu.memory_space<vmem_shared>>)
      tpu.yield
    }) : () -> ()
    %barrier3A = arith.constant 0 : index
    tpu.barrier barrier_id(%barrier3A)
    %mul3A_3 = arith.constant 2 : i32
    %mul3A_4 = arith.muli %arg1, %mul3A_3 : i32
    %add3A = arith.addi %mul3A_4, %arg0 : i32
    %mul3A_5 = arith.constant 10000 : i32
    %mul3A_6 = arith.muli %add3A, %mul3A_5 : i32
    %add3A_7 = arith.constant 0 : i32
    %add3A_8 = arith.addi %mul3A_6, %add3A_7 : i32
    %dma_start3A = tpu.memref_slice %arg3[%add3A_8] : memref<320000xi32, #tpu.memory_space<hbm>> -> memref<80xi32, #tpu.memory_space<hbm>>
    %dma_start3A_9 = tpu.memref_slice %arg3[%add3A_8] : memref<320000xi32, #tpu.memory_space<hbm>> -> memref<80xi32, #tpu.memory_space<hbm>>
    tpu.enqueue_dma source(%dma_start3A_9 : memref<80xi32, #tpu.memory_space<hbm>>) target(%arg7 : memref<80xi32, #tpu.memory_space<vmem>>) target_semaphore(%arg20 : memref<!tpu.dma_semaphore, #tpu.memory_space<semaphore_mem>>)
    %dma_start3A_10 = tpu.memref_slice %arg4[%add3A_8] : memref<320000xi32, #tpu.memory_space<hbm>> -> memref<80xi32, #tpu.memory_space<hbm>>
    %dma_start3A_11 = tpu.memref_slice %arg4[%add3A_8] : memref<320000xi32, #tpu.memory_space<hbm>> -> memref<80xi32, #tpu.memory_space<hbm>>
    tpu.enqueue_dma source(%dma_start3A_11 : memref<80xi32, #tpu.memory_space<hbm>>) target(%arg11 : memref<80xi32, #tpu.memory_space<vmem>>) target_semaphore(%arg20 : memref<!tpu.dma_semaphore, #tpu.memory_space<semaphore_mem>>)
    %add3A_12 = arith.constant 80 : i32
    %add3A_13 = arith.addi %mul3A_6, %add3A_12 : i32
    %dma_start3A_14 = tpu.memref_slice %arg3[%add3A_13] : memref<320000xi32, #tpu.memory_space<hbm>> -> memref<80xi32, #tpu.memory_space<hbm>>
    %dma_start3A_15 = tpu.memref_slice %arg3[%add3A_13] : memref<320000xi32, #tpu.memory_space<hbm>> -> memref<80xi32, #tpu.memory_space<hbm>>
    tpu.enqueue_dma source(%dma_start3A_15 : memref<80xi32, #tpu.memory_space<hbm>>) target(%arg8 : memref<80xi32, #tpu.memory_space<vmem>>) target_semaphore(%arg20 : memref<!tpu.dma_semaphore, #tpu.memory_space<semaphore_mem>>)
    %dma_start3A_16 = tpu.memref_slice %arg4[%add3A_13] : memref<320000xi32, #tpu.memory_space<hbm>> -> memref<80xi32, #tpu.memory_space<hbm>>
    %dma_start3A_17 = tpu.memref_slice %arg4[%add3A_13] : memref<320000xi32, #tpu.memory_space<hbm>> -> memref<80xi32, #tpu.memory_space<hbm>>
    tpu.enqueue_dma source(%dma_start3A_17 : memref<80xi32, #tpu.memory_space<hbm>>) target(%arg12 : memref<80xi32, #tpu.memory_space<vmem>>) target_semaphore(%arg20 : memref<!tpu.dma_semaphore, #tpu.memory_space<semaphore_mem>>)
    %add3A_18 = arith.constant 160 : i32
    %add3A_19 = arith.addi %mul3A_6, %add3A_18 : i32
    %dma_start3A_20 = tpu.memref_slice %arg3[%add3A_19] : memref<320000xi32, #tpu.memory_space<hbm>> -> memref<80xi32, #tpu.memory_space<hbm>>
    %dma_start3A_21 = tpu.memref_slice %arg3[%add3A_19] : memref<320000xi32, #tpu.memory_space<hbm>> -> memref<80xi32, #tpu.memory_space<hbm>>
    tpu.enqueue_dma source(%dma_start3A_21 : memref<80xi32, #tpu.memory_space<hbm>>) target(%arg9 : memref<80xi32, #tpu.memory_space<vmem>>) target_semaphore(%arg20 : memref<!tpu.dma_semaphore, #tpu.memory_space<semaphore_mem>>)
    %dma_start3A_22 = tpu.memref_slice %arg4[%add3A_19] : memref<320000xi32, #tpu.memory_space<hbm>> -> memref<80xi32, #tpu.memory_space<hbm>>
    %dma_start3A_23 = tpu.memref_slice %arg4[%add3A_19] : memref<320000xi32, #tpu.memory_space<hbm>> -> memref<80xi32, #tpu.memory_space<hbm>>
    tpu.enqueue_dma source(%dma_start3A_23 : memref<80xi32, #tpu.memory_space<hbm>>) target(%arg13 : memref<80xi32, #tpu.memory_space<vmem>>) target_semaphore(%arg20 : memref<!tpu.dma_semaphore, #tpu.memory_space<semaphore_mem>>)
    %add3A_24 = arith.constant 240 : i32
    %add3A_25 = arith.addi %mul3A_6, %add3A_24 : i32
    %dma_start3A_26 = tpu.memref_slice %arg3[%add3A_25] : memref<320000xi32, #tpu.memory_space<hbm>> -> memref<80xi32, #tpu.memory_space<hbm>>
    %dma_start3A_27 = tpu.memref_slice %arg3[%add3A_25] : memref<320000xi32, #tpu.memory_space<hbm>> -> memref<80xi32, #tpu.memory_space<hbm>>
    tpu.enqueue_dma source(%dma_start3A_27 : memref<80xi32, #tpu.memory_space<hbm>>) target(%arg10 : memref<80xi32, #tpu.memory_space<vmem>>) target_semaphore(%arg20 : memref<!tpu.dma_semaphore, #tpu.memory_space<semaphore_mem>>)
    %dma_start3A_28 = tpu.memref_slice %arg4[%add3A_25] : memref<320000xi32, #tpu.memory_space<hbm>> -> memref<80xi32, #tpu.memory_space<hbm>>
    %dma_start3A_29 = tpu.memref_slice %arg4[%add3A_25] : memref<320000xi32, #tpu.memory_space<hbm>> -> memref<80xi32, #tpu.memory_space<hbm>>
    tpu.enqueue_dma source(%dma_start3A_29 : memref<80xi32, #tpu.memory_space<hbm>>) target(%arg14 : memref<80xi32, #tpu.memory_space<vmem>>) target_semaphore(%arg20 : memref<!tpu.dma_semaphore, #tpu.memory_space<semaphore_mem>>)
    %scan3A = arith.constant 0 : i32
    %scan3A_30 = arith.constant 0 : i32
    %scan3A_31 = arith.constant 31 : i32
    %scan3A_32 = arith.addi %scan3A_30, %scan3A_31 : i32
    %scan3A_33 = arith.constant 1 : i32
    scf.for %scan3A_53 = %scan3A_30 to %scan3A_32 step %scan3A_33  : i32 {
      %mul3A_54 = arith.constant 4 : i32
      %mul3A_55 = arith.muli %scan3A_53, %mul3A_54 : i32
      %dma_wait3A_56 = arith.constant 0 : i32
      %dma_wait3A_57 = tpu.memref_slice %arg3[%dma_wait3A_56] : memref<320000xi32, #tpu.memory_space<hbm>> -> memref<80xi32, #tpu.memory_space<hbm>>
      %dma_wait3A_58 = arith.constant 0 : i32
      %dma_wait3A_59 = tpu.memref_slice %arg3[%dma_wait3A_58] : memref<320000xi32, #tpu.memory_space<hbm>> -> memref<80xi32, #tpu.memory_space<hbm>>
      tpu.wait_dma2 semaphore(%arg20 : memref<!tpu.dma_semaphore, #tpu.memory_space<semaphore_mem>>) src(%dma_wait3A_59 : memref<80xi32, #tpu.memory_space<hbm>>) dst(%arg7 : memref<80xi32, #tpu.memory_space<vmem>>)
      %dma_wait3A_60 = arith.constant 0 : i32
      %dma_wait3A_61 = tpu.memref_slice %arg4[%dma_wait3A_60] : memref<320000xi32, #tpu.memory_space<hbm>> -> memref<80xi32, #tpu.memory_space<hbm>>
      %dma_wait3A_62 = arith.constant 0 : i32
      %dma_wait3A_63 = tpu.memref_slice %arg4[%dma_wait3A_62] : memref<320000xi32, #tpu.memory_space<hbm>> -> memref<80xi32, #tpu.memory_space<hbm>>
      tpu.wait_dma2 semaphore(%arg20 : memref<!tpu.dma_semaphore, #tpu.memory_space<semaphore_mem>>) src(%dma_wait3A_63 : memref<80xi32, #tpu.memory_space<hbm>>) dst(%arg11 : memref<80xi32, #tpu.memory_space<vmem>>)
      %dma_start3A_64 = arith.constant 0 : i32
      %dma_start3A_65 = arith.constant 0 : i32
      %dma_start3A_66 = tpu.memref_slice %arg2[%dma_start3A_64, %dma_start3A_65] : memref<10000x128xf32, #tpu.memory_space<hbm>> -> memref<10000x128xf32, #tpu.memory_space<hbm>>
      tpu.enqueue_indirect_dma source(%dma_start3A_66 : memref<10000x128xf32, #tpu.memory_space<hbm>>) target(%arg15 : memref<80x128xf32, #tpu.memory_space<vmem>>) offsets(%arg7 : memref<80xi32, #tpu.memory_space<vmem>>) semaphore(%arg21 : memref<!tpu.dma_semaphore, #tpu.memory_space<semaphore_mem>>)
      %dma_wait3A_67 = arith.constant 0 : i32
      %dma_wait3A_68 = tpu.memref_slice %arg3[%dma_wait3A_67] : memref<320000xi32, #tpu.memory_space<hbm>> -> memref<80xi32, #tpu.memory_space<hbm>>
      %dma_wait3A_69 = arith.constant 0 : i32
      %dma_wait3A_70 = tpu.memref_slice %arg3[%dma_wait3A_69] : memref<320000xi32, #tpu.memory_space<hbm>> -> memref<80xi32, #tpu.memory_space<hbm>>
      tpu.wait_dma2 semaphore(%arg20 : memref<!tpu.dma_semaphore, #tpu.memory_space<semaphore_mem>>) src(%dma_wait3A_70 : memref<80xi32, #tpu.memory_space<hbm>>) dst(%arg8 : memref<80xi32, #tpu.memory_space<vmem>>)
      %dma_wait3A_71 = arith.constant 0 : i32
      %dma_wait3A_72 = tpu.memref_slice %arg4[%dma_wait3A_71] : memref<320000xi32, #tpu.memory_space<hbm>> -> memref<80xi32, #tpu.memory_space<hbm>>
      %dma_wait3A_73 = arith.constant 0 : i32
      %dma_wait3A_74 = tpu.memref_slice %arg4[%dma_wait3A_73] : memref<320000xi32, #tpu.memory_space<hbm>> -> memref<80xi32, #tpu.memory_space<hbm>>
      tpu.wait_dma2 semaphore(%arg20 : memref<!tpu.dma_semaphore, #tpu.memory_space<semaphore_mem>>) src(%dma_wait3A_74 : memref<80xi32, #tpu.memory_space<hbm>>) dst(%arg12 : memref<80xi32, #tpu.memory_space<vmem>>)
      %dma_start3A_75 = arith.constant 0 : i32
      %dma_start3A_76 = arith.constant 0 : i32
      %dma_start3A_77 = tpu.memref_slice %arg2[%dma_start3A_75, %dma_start3A_76] : memref<10000x128xf32, #tpu.memory_space<hbm>> -> memref<10000x128xf32, #tpu.memory_space<hbm>>
      tpu.enqueue_indirect_dma source(%dma_start3A_77 : memref<10000x128xf32, #tpu.memory_space<hbm>>) target(%arg16 : memref<80x128xf32, #tpu.memory_space<vmem>>) offsets(%arg8 : memref<80xi32, #tpu.memory_space<vmem>>) semaphore(%arg21 : memref<!tpu.dma_semaphore, #tpu.memory_space<semaphore_mem>>)
      %dma_wait3A_78 = arith.constant 0 : i32
      %dma_wait3A_79 = tpu.memref_slice %arg3[%dma_wait3A_78] : memref<320000xi32, #tpu.memory_space<hbm>> -> memref<80xi32, #tpu.memory_space<hbm>>
      %dma_wait3A_80 = arith.constant 0 : i32
      %dma_wait3A_81 = tpu.memref_slice %arg3[%dma_wait3A_80] : memref<320000xi32, #tpu.memory_space<hbm>> -> memref<80xi32, #tpu.memory_space<hbm>>
      tpu.wait_dma2 semaphore(%arg20 : memref<!tpu.dma_semaphore, #tpu.memory_space<semaphore_mem>>) src(%dma_wait3A_81 : memref<80xi32, #tpu.memory_space<hbm>>) dst(%arg9 : memref<80xi32, #tpu.memory_space<vmem>>)
      %dma_wait3A_82 = arith.constant 0 : i32
      %dma_wait3A_83 = tpu.memref_slice %arg4[%dma_wait3A_82] : memref<320000xi32, #tpu.memory_space<hbm>> -> memref<80xi32, #tpu.memory_space<hbm>>
      %dma_wait3A_84 = arith.constant 0 : i32
      %dma_wait3A_85 = tpu.memref_slice %arg4[%dma_wait3A_84] : memref<320000xi32, #tpu.memory_space<hbm>> -> memref<80xi32, #tpu.memory_space<hbm>>
      tpu.wait_dma2 semaphore(%arg20 : memref<!tpu.dma_semaphore, #tpu.memory_space<semaphore_mem>>) src(%dma_wait3A_85 : memref<80xi32, #tpu.memory_space<hbm>>) dst(%arg13 : memref<80xi32, #tpu.memory_space<vmem>>)
      %dma_start3A_86 = arith.constant 0 : i32
      %dma_start3A_87 = arith.constant 0 : i32
      %dma_start3A_88 = tpu.memref_slice %arg2[%dma_start3A_86, %dma_start3A_87] : memref<10000x128xf32, #tpu.memory_space<hbm>> -> memref<10000x128xf32, #tpu.memory_space<hbm>>
      tpu.enqueue_indirect_dma source(%dma_start3A_88 : memref<10000x128xf32, #tpu.memory_space<hbm>>) target(%arg17 : memref<80x128xf32, #tpu.memory_space<vmem>>) offsets(%arg9 : memref<80xi32, #tpu.memory_space<vmem>>) semaphore(%arg21 : memref<!tpu.dma_semaphore, #tpu.memory_space<semaphore_mem>>)
      %dma_wait3A_89 = arith.constant 0 : i32
      %dma_wait3A_90 = tpu.memref_slice %arg3[%dma_wait3A_89] : memref<320000xi32, #tpu.memory_space<hbm>> -> memref<80xi32, #tpu.memory_space<hbm>>
      %dma_wait3A_91 = arith.constant 0 : i32
      %dma_wait3A_92 = tpu.memref_slice %arg3[%dma_wait3A_91] : memref<320000xi32, #tpu.memory_space<hbm>> -> memref<80xi32, #tpu.memory_space<hbm>>
      tpu.wait_dma2 semaphore(%arg20 : memref<!tpu.dma_semaphore, #tpu.memory_space<semaphore_mem>>) src(%dma_wait3A_92 : memref<80xi32, #tpu.memory_space<hbm>>) dst(%arg10 : memref<80xi32, #tpu.memory_space<vmem>>)
      %dma_wait3A_93 = arith.constant 0 : i32
      %dma_wait3A_94 = tpu.memref_slice %arg4[%dma_wait3A_93] : memref<320000xi32, #tpu.memory_space<hbm>> -> memref<80xi32, #tpu.memory_space<hbm>>
      %dma_wait3A_95 = arith.constant 0 : i32
      %dma_wait3A_96 = tpu.memref_slice %arg4[%dma_wait3A_95] : memref<320000xi32, #tpu.memory_space<hbm>> -> memref<80xi32, #tpu.memory_space<hbm>>
      tpu.wait_dma2 semaphore(%arg20 : memref<!tpu.dma_semaphore, #tpu.memory_space<semaphore_mem>>) src(%dma_wait3A_96 : memref<80xi32, #tpu.memory_space<hbm>>) dst(%arg14 : memref<80xi32, #tpu.memory_space<vmem>>)
      %dma_start3A_97 = arith.constant 0 : i32
      %dma_start3A_98 = arith.constant 0 : i32
      %dma_start3A_99 = tpu.memref_slice %arg2[%dma_start3A_97, %dma_start3A_98] : memref<10000x128xf32, #tpu.memory_space<hbm>> -> memref<10000x128xf32, #tpu.memory_space<hbm>>
      tpu.enqueue_indirect_dma source(%dma_start3A_99 : memref<10000x128xf32, #tpu.memory_space<hbm>>) target(%arg18 : memref<80x128xf32, #tpu.memory_space<vmem>>) offsets(%arg10 : memref<80xi32, #tpu.memory_space<vmem>>) semaphore(%arg21 : memref<!tpu.dma_semaphore, #tpu.memory_space<semaphore_mem>>)
      %dma_wait3A_100 = arith.constant 0 : i32
      %dma_wait3A_101 = arith.constant 0 : i32
      %dma_wait3A_102 = tpu.memref_slice %arg2[%dma_wait3A_100, %dma_wait3A_101] : memref<10000x128xf32, #tpu.memory_space<hbm>> -> memref<10000x128xf32, #tpu.memory_space<hbm>>
      tpu.wait_indirect_dma semaphore(%arg21 : memref<!tpu.dma_semaphore, #tpu.memory_space<semaphore_mem>>) src(%dma_wait3A_102 : memref<10000x128xf32, #tpu.memory_space<hbm>>) dst(%arg15 : memref<80x128xf32, #tpu.memory_space<vmem>>)
      "tpu.region"() ({
        %run_scoped3A = tpu.sem_alloc : memref<!tpu.dma_semaphore, #tpu.memory_space<semaphore_mem>>
        %dma_start3A_145 = arith.constant 0 : i32
        %dma_start3A_146 = arith.constant 0 : i32
        %dma_start3A_147 = tpu.memref_slice %arg19[%dma_start3A_145, %dma_start3A_146] : memref<10240x128xf32, #tpu.memory_space<vmem_shared>> -> memref<10240x128xf32, #tpu.memory_space<vmem_shared>>
        tpu.enqueue_indirect_dma source(%arg15 : memref<80x128xf32, #tpu.memory_space<vmem>>) target(%dma_start3A_147 : memref<10240x128xf32, #tpu.memory_space<vmem_shared>>) offsets(%arg11 : memref<80xi32, #tpu.memory_space<vmem>>) semaphore(%run_scoped3A : memref<!tpu.dma_semaphore, #tpu.memory_space<semaphore_mem>>) {add = true}
        %dma_wait3A_148 = arith.constant 0 : i32
        %dma_wait3A_149 = arith.constant 0 : i32
        %dma_wait3A_150 = tpu.memref_slice %arg19[%dma_wait3A_148, %dma_wait3A_149] : memref<10240x128xf32, #tpu.memory_space<vmem_shared>> -> memref<10240x128xf32, #tpu.memory_space<vmem_shared>>
        tpu.wait_indirect_dma semaphore(%run_scoped3A : memref<!tpu.dma_semaphore, #tpu.memory_space<semaphore_mem>>) src(%arg15 : memref<80x128xf32, #tpu.memory_space<vmem>>) dst(%dma_wait3A_150 : memref<10240x128xf32, #tpu.memory_space<vmem_shared>>)
        tpu.yield
      }) : () -> ()
      %add3A_103 = arith.constant 4 : i32
      %add3A_104 = arith.addi %mul3A_55, %add3A_103 : i32
      %add3A_105 = arith.constant 0 : i32
      %add3A_106 = arith.addi %add3A_104, %add3A_105 : i32
      %lt3A = arith.constant 125 : i32
      %lt3A_107 = arith.cmpi slt, %add3A_106, %lt3A : i32
      %convert_element_type3A = arith.extui %lt3A_107 : i1 to i32
      %cond3A = arith.constant 0 : i32
      %cond3A_108 = arith.cmpi ne, %convert_element_type3A, %cond3A : i32
      scf.if %cond3A_108 {
        %mul3A_145 = arith.constant 80 : i32
        %mul3A_146 = arith.muli %add3A_106, %mul3A_145 : i32
        %add3A_147 = arith.addi %mul3A_6, %mul3A_146 : i32
        %dma_start3A_148 = tpu.memref_slice %arg3[%add3A_147] : memref<320000xi32, #tpu.memory_space<hbm>> -> memref<80xi32, #tpu.memory_space<hbm>>
        %dma_start3A_149 = tpu.memref_slice %arg3[%add3A_147] : memref<320000xi32, #tpu.memory_space<hbm>> -> memref<80xi32, #tpu.memory_space<hbm>>
        tpu.enqueue_dma source(%dma_start3A_149 : memref<80xi32, #tpu.memory_space<hbm>>) target(%arg7 : memref<80xi32, #tpu.memory_space<vmem>>) target_semaphore(%arg20 : memref<!tpu.dma_semaphore, #tpu.memory_space<semaphore_mem>>)
        %dma_start3A_150 = tpu.memref_slice %arg4[%add3A_147] : memref<320000xi32, #tpu.memory_space<hbm>> -> memref<80xi32, #tpu.memory_space<hbm>>
        %dma_start3A_151 = tpu.memref_slice %arg4[%add3A_147] : memref<320000xi32, #tpu.memory_space<hbm>> -> memref<80xi32, #tpu.memory_space<hbm>>
        tpu.enqueue_dma source(%dma_start3A_151 : memref<80xi32, #tpu.memory_space<hbm>>) target(%arg11 : memref<80xi32, #tpu.memory_space<vmem>>) target_semaphore(%arg20 : memref<!tpu.dma_semaphore, #tpu.memory_space<semaphore_mem>>)
      } else {
      }
      %dma_wait3A_109 = arith.constant 0 : i32
      %dma_wait3A_110 = arith.constant 0 : i32
      %dma_wait3A_111 = tpu.memref_slice %arg2[%dma_wait3A_109, %dma_wait3A_110] : memref<10000x128xf32, #tpu.memory_space<hbm>> -> memref<10000x128xf32, #tpu.memory_space<hbm>>
      tpu.wait_indirect_dma semaphore(%arg21 : memref<!tpu.dma_semaphore, #tpu.memory_space<semaphore_mem>>) src(%dma_wait3A_111 : memref<10000x128xf32, #tpu.memory_space<hbm>>) dst(%arg16 : memref<80x128xf32, #tpu.memory_space<vmem>>)
      "tpu.region"() ({
        %run_scoped3A = tpu.sem_alloc : memref<!tpu.dma_semaphore, #tpu.memory_space<semaphore_mem>>
        %dma_start3A_145 = arith.constant 0 : i32
        %dma_start3A_146 = arith.constant 0 : i32
        %dma_start3A_147 = tpu.memref_slice %arg19[%dma_start3A_145, %dma_start3A_146] : memref<10240x128xf32, #tpu.memory_space<vmem_shared>> -> memref<10240x128xf32, #tpu.memory_space<vmem_shared>>
        tpu.enqueue_indirect_dma source(%arg16 : memref<80x128xf32, #tpu.memory_space<vmem>>) target(%dma_start3A_147 : memref<10240x128xf32, #tpu.memory_space<vmem_shared>>) offsets(%arg12 : memref<80xi32, #tpu.memory_space<vmem>>) semaphore(%run_scoped3A : memref<!tpu.dma_semaphore, #tpu.memory_space<semaphore_mem>>) {add = true}
        %dma_wait3A_148 = arith.constant 0 : i32
        %dma_wait3A_149 = arith.constant 0 : i32
        %dma_wait3A_150 = tpu.memref_slice %arg19[%dma_wait3A_148, %dma_wait3A_149] : memref<10240x128xf32, #tpu.memory_space<vmem_shared>> -> memref<10240x128xf32, #tpu.memory_space<vmem_shared>>
        tpu.wait_indirect_dma semaphore(%run_scoped3A : memref<!tpu.dma_semaphore, #tpu.memory_space<semaphore_mem>>) src(%arg16 : memref<80x128xf32, #tpu.memory_space<vmem>>) dst(%dma_wait3A_150 : memref<10240x128xf32, #tpu.memory_space<vmem_shared>>)
        tpu.yield
      }) : () -> ()
      %add3A_112 = arith.constant 4 : i32
      %add3A_113 = arith.addi %mul3A_55, %add3A_112 : i32
      %add3A_114 = arith.constant 1 : i32
      %add3A_115 = arith.addi %add3A_113, %add3A_114 : i32
      %lt3A_116 = arith.constant 125 : i32
      %lt3A_117 = arith.cmpi slt, %add3A_115, %lt3A_116 : i32
      %convert_element_type3A_118 = arith.extui %lt3A_117 : i1 to i32
      %cond3A_119 = arith.constant 0 : i32
      %cond3A_120 = arith.cmpi ne, %convert_element_type3A_118, %cond3A_119 : i32
      scf.if %cond3A_120 {
        %mul3A_145 = arith.constant 80 : i32
        %mul3A_146 = arith.muli %add3A_115, %mul3A_145 : i32
        %add3A_147 = arith.addi %mul3A_6, %mul3A_146 : i32
        %dma_start3A_148 = tpu.memref_slice %arg3[%add3A_147] : memref<320000xi32, #tpu.memory_space<hbm>> -> memref<80xi32, #tpu.memory_space<hbm>>
        %dma_start3A_149 = tpu.memref_slice %arg3[%add3A_147] : memref<320000xi32, #tpu.memory_space<hbm>> -> memref<80xi32, #tpu.memory_space<hbm>>
        tpu.enqueue_dma source(%dma_start3A_149 : memref<80xi32, #tpu.memory_space<hbm>>) target(%arg8 : memref<80xi32, #tpu.memory_space<vmem>>) target_semaphore(%arg20 : memref<!tpu.dma_semaphore, #tpu.memory_space<semaphore_mem>>)
        %dma_start3A_150 = tpu.memref_slice %arg4[%add3A_147] : memref<320000xi32, #tpu.memory_space<hbm>> -> memref<80xi32, #tpu.memory_space<hbm>>
        %dma_start3A_151 = tpu.memref_slice %arg4[%add3A_147] : memref<320000xi32, #tpu.memory_space<hbm>> -> memref<80xi32, #tpu.memory_space<hbm>>
        tpu.enqueue_dma source(%dma_start3A_151 : memref<80xi32, #tpu.memory_space<hbm>>) target(%arg12 : memref<80xi32, #tpu.memory_space<vmem>>) target_semaphore(%arg20 : memref<!tpu.dma_semaphore, #tpu.memory_space<semaphore_mem>>)
      } else {
      }
      %dma_wait3A_121 = arith.constant 0 : i32
      %dma_wait3A_122 = arith.constant 0 : i32
      %dma_wait3A_123 = tpu.memref_slice %arg2[%dma_wait3A_121, %dma_wait3A_122] : memref<10000x128xf32, #tpu.memory_space<hbm>> -> memref<10000x128xf32, #tpu.memory_space<hbm>>
      tpu.wait_indirect_dma semaphore(%arg21 : memref<!tpu.dma_semaphore, #tpu.memory_space<semaphore_mem>>) src(%dma_wait3A_123 : memref<10000x128xf32, #tpu.memory_space<hbm>>) dst(%arg17 : memref<80x128xf32, #tpu.memory_space<vmem>>)
      "tpu.region"() ({
        %run_scoped3A = tpu.sem_alloc : memref<!tpu.dma_semaphore, #tpu.memory_space<semaphore_mem>>
        %dma_start3A_145 = arith.constant 0 : i32
        %dma_start3A_146 = arith.constant 0 : i32
        %dma_start3A_147 = tpu.memref_slice %arg19[%dma_start3A_145, %dma_start3A_146] : memref<10240x128xf32, #tpu.memory_space<vmem_shared>> -> memref<10240x128xf32, #tpu.memory_space<vmem_shared>>
        tpu.enqueue_indirect_dma source(%arg17 : memref<80x128xf32, #tpu.memory_space<vmem>>) target(%dma_start3A_147 : memref<10240x128xf32, #tpu.memory_space<vmem_shared>>) offsets(%arg13 : memref<80xi32, #tpu.memory_space<vmem>>) semaphore(%run_scoped3A : memref<!tpu.dma_semaphore, #tpu.memory_space<semaphore_mem>>) {add = true}
        %dma_wait3A_148 = arith.constant 0 : i32
        %dma_wait3A_149 = arith.constant 0 : i32
        %dma_wait3A_150 = tpu.memref_slice %arg19[%dma_wait3A_148, %dma_wait3A_149] : memref<10240x128xf32, #tpu.memory_space<vmem_shared>> -> memref<10240x128xf32, #tpu.memory_space<vmem_shared>>
        tpu.wait_indirect_dma semaphore(%run_scoped3A : memref<!tpu.dma_semaphore, #tpu.memory_space<semaphore_mem>>) src(%arg17 : memref<80x128xf32, #tpu.memory_space<vmem>>) dst(%dma_wait3A_150 : memref<10240x128xf32, #tpu.memory_space<vmem_shared>>)
        tpu.yield
      }) : () -> ()
      %add3A_124 = arith.constant 4 : i32
      %add3A_125 = arith.addi %mul3A_55, %add3A_124 : i32
      %add3A_126 = arith.constant 2 : i32
      %add3A_127 = arith.addi %add3A_125, %add3A_126 : i32
      %lt3A_128 = arith.constant 125 : i32
      %lt3A_129 = arith.cmpi slt, %add3A_127, %lt3A_128 : i32
      %convert_element_type3A_130 = arith.extui %lt3A_129 : i1 to i32
      %cond3A_131 = arith.constant 0 : i32
      %cond3A_132 = arith.cmpi ne, %convert_element_type3A_130, %cond3A_131 : i32
      scf.if %cond3A_132 {
        %mul3A_145 = arith.constant 80 : i32
        %mul3A_146 = arith.muli %add3A_127, %mul3A_145 : i32
        %add3A_147 = arith.addi %mul3A_6, %mul3A_146 : i32
        %dma_start3A_148 = tpu.memref_slice %arg3[%add3A_147] : memref<320000xi32, #tpu.memory_space<hbm>> -> memref<80xi32, #tpu.memory_space<hbm>>
        %dma_start3A_149 = tpu.memref_slice %arg3[%add3A_147] : memref<320000xi32, #tpu.memory_space<hbm>> -> memref<80xi32, #tpu.memory_space<hbm>>
        tpu.enqueue_dma source(%dma_start3A_149 : memref<80xi32, #tpu.memory_space<hbm>>) target(%arg9 : memref<80xi32, #tpu.memory_space<vmem>>) target_semaphore(%arg20 : memref<!tpu.dma_semaphore, #tpu.memory_space<semaphore_mem>>)
        %dma_start3A_150 = tpu.memref_slice %arg4[%add3A_147] : memref<320000xi32, #tpu.memory_space<hbm>> -> memref<80xi32, #tpu.memory_space<hbm>>
        %dma_start3A_151 = tpu.memref_slice %arg4[%add3A_147] : memref<320000xi32, #tpu.memory_space<hbm>> -> memref<80xi32, #tpu.memory_space<hbm>>
        tpu.enqueue_dma source(%dma_start3A_151 : memref<80xi32, #tpu.memory_space<hbm>>) target(%arg13 : memref<80xi32, #tpu.memory_space<vmem>>) target_semaphore(%arg20 : memref<!tpu.dma_semaphore, #tpu.memory_space<semaphore_mem>>)
      } else {
      }
      %dma_wait3A_133 = arith.constant 0 : i32
      %dma_wait3A_134 = arith.constant 0 : i32
      %dma_wait3A_135 = tpu.memref_slice %arg2[%dma_wait3A_133, %dma_wait3A_134] : memref<10000x128xf32, #tpu.memory_space<hbm>> -> memref<10000x128xf32, #tpu.memory_space<hbm>>
      tpu.wait_indirect_dma semaphore(%arg21 : memref<!tpu.dma_semaphore, #tpu.memory_space<semaphore_mem>>) src(%dma_wait3A_135 : memref<10000x128xf32, #tpu.memory_space<hbm>>) dst(%arg18 : memref<80x128xf32, #tpu.memory_space<vmem>>)
      "tpu.region"() ({
        %run_scoped3A = tpu.sem_alloc : memref<!tpu.dma_semaphore, #tpu.memory_space<semaphore_mem>>
        %dma_start3A_145 = arith.constant 0 : i32
        %dma_start3A_146 = arith.constant 0 : i32
        %dma_start3A_147 = tpu.memref_slice %arg19[%dma_start3A_145, %dma_start3A_146] : memref<10240x128xf32, #tpu.memory_space<vmem_shared>> -> memref<10240x128xf32, #tpu.memory_space<vmem_shared>>
        tpu.enqueue_indirect_dma source(%arg18 : memref<80x128xf32, #tpu.memory_space<vmem>>) target(%dma_start3A_147 : memref<10240x128xf32, #tpu.memory_space<vmem_shared>>) offsets(%arg14 : memref<80xi32, #tpu.memory_space<vmem>>) semaphore(%run_scoped3A : memref<!tpu.dma_semaphore, #tpu.memory_space<semaphore_mem>>) {add = true}
        %dma_wait3A_148 = arith.constant 0 : i32
        %dma_wait3A_149 = arith.constant 0 : i32
        %dma_wait3A_150 = tpu.memref_slice %arg19[%dma_wait3A_148, %dma_wait3A_149] : memref<10240x128xf32, #tpu.memory_space<vmem_shared>> -> memref<10240x128xf32, #tpu.memory_space<vmem_shared>>
        tpu.wait_indirect_dma semaphore(%run_scoped3A : memref<!tpu.dma_semaphore, #tpu.memory_space<semaphore_mem>>) src(%arg18 : memref<80x128xf32, #tpu.memory_space<vmem>>) dst(%dma_wait3A_150 : memref<10240x128xf32, #tpu.memory_space<vmem_shared>>)
        tpu.yield
      }) : () -> ()
      %add3A_136 = arith.constant 4 : i32
      %add3A_137 = arith.addi %mul3A_55, %add3A_136 : i32
      %add3A_138 = arith.constant 3 : i32
      %add3A_139 = arith.addi %add3A_137, %add3A_138 : i32
      %lt3A_140 = arith.constant 125 : i32
      %lt3A_141 = arith.cmpi slt, %add3A_139, %lt3A_140 : i32
      %convert_element_type3A_142 = arith.extui %lt3A_141 : i1 to i32
      %cond3A_143 = arith.constant 0 : i32
      %cond3A_144 = arith.cmpi ne, %convert_element_type3A_142, %cond3A_143 : i32
      scf.if %cond3A_144 {
        %mul3A_145 = arith.constant 80 : i32
        %mul3A_146 = arith.muli %add3A_139, %mul3A_145 : i32
        %add3A_147 = arith.addi %mul3A_6, %mul3A_146 : i32
        %dma_start3A_148 = tpu.memref_slice %arg3[%add3A_147] : memref<320000xi32, #tpu.memory_space<hbm>> -> memref<80xi32, #tpu.memory_space<hbm>>
        %dma_start3A_149 = tpu.memref_slice %arg3[%add3A_147] : memref<320000xi32, #tpu.memory_space<hbm>> -> memref<80xi32, #tpu.memory_space<hbm>>
        tpu.enqueue_dma source(%dma_start3A_149 : memref<80xi32, #tpu.memory_space<hbm>>) target(%arg10 : memref<80xi32, #tpu.memory_space<vmem>>) target_semaphore(%arg20 : memref<!tpu.dma_semaphore, #tpu.memory_space<semaphore_mem>>)
        %dma_start3A_150 = tpu.memref_slice %arg4[%add3A_147] : memref<320000xi32, #tpu.memory_space<hbm>> -> memref<80xi32, #tpu.memory_space<hbm>>
        %dma_start3A_151 = tpu.memref_slice %arg4[%add3A_147] : memref<320000xi32, #tpu.memory_space<hbm>> -> memref<80xi32, #tpu.memory_space<hbm>>
        tpu.enqueue_dma source(%dma_start3A_151 : memref<80xi32, #tpu.memory_space<hbm>>) target(%arg14 : memref<80xi32, #tpu.memory_space<vmem>>) target_semaphore(%arg20 : memref<!tpu.dma_semaphore, #tpu.memory_space<semaphore_mem>>)
      } else {
      }
    }
    %scan3A_34 = arith.constant 31 : i32
    %dma_wait3A = arith.constant 0 : i32
    %dma_wait3A_35 = tpu.memref_slice %arg3[%dma_wait3A] : memref<320000xi32, #tpu.memory_space<hbm>> -> memref<80xi32, #tpu.memory_space<hbm>>
    %dma_wait3A_36 = arith.constant 0 : i32
    %dma_wait3A_37 = tpu.memref_slice %arg3[%dma_wait3A_36] : memref<320000xi32, #tpu.memory_space<hbm>> -> memref<80xi32, #tpu.memory_space<hbm>>
    tpu.wait_dma2 semaphore(%arg20 : memref<!tpu.dma_semaphore, #tpu.memory_space<semaphore_mem>>) src(%dma_wait3A_37 : memref<80xi32, #tpu.memory_space<hbm>>) dst(%arg7 : memref<80xi32, #tpu.memory_space<vmem>>)
    %dma_wait3A_38 = arith.constant 0 : i32
    %dma_wait3A_39 = tpu.memref_slice %arg4[%dma_wait3A_38] : memref<320000xi32, #tpu.memory_space<hbm>> -> memref<80xi32, #tpu.memory_space<hbm>>
    %dma_wait3A_40 = arith.constant 0 : i32
    %dma_wait3A_41 = tpu.memref_slice %arg4[%dma_wait3A_40] : memref<320000xi32, #tpu.memory_space<hbm>> -> memref<80xi32, #tpu.memory_space<hbm>>
    tpu.wait_dma2 semaphore(%arg20 : memref<!tpu.dma_semaphore, #tpu.memory_space<semaphore_mem>>) src(%dma_wait3A_41 : memref<80xi32, #tpu.memory_space<hbm>>) dst(%arg11 : memref<80xi32, #tpu.memory_space<vmem>>)
    %dma_start3A_42 = arith.constant 0 : i32
    %dma_start3A_43 = arith.constant 0 : i32
    %dma_start3A_44 = tpu.memref_slice %arg2[%dma_start3A_42, %dma_start3A_43] : memref<10000x128xf32, #tpu.memory_space<hbm>> -> memref<10000x128xf32, #tpu.memory_space<hbm>>
    tpu.enqueue_indirect_dma source(%dma_start3A_44 : memref<10000x128xf32, #tpu.memory_space<hbm>>) target(%arg15 : memref<80x128xf32, #tpu.memory_space<vmem>>) offsets(%arg7 : memref<80xi32, #tpu.memory_space<vmem>>) semaphore(%arg21 : memref<!tpu.dma_semaphore, #tpu.memory_space<semaphore_mem>>)
    %dma_wait3A_45 = arith.constant 0 : i32
    %dma_wait3A_46 = arith.constant 0 : i32
    %dma_wait3A_47 = tpu.memref_slice %arg2[%dma_wait3A_45, %dma_wait3A_46] : memref<10000x128xf32, #tpu.memory_space<hbm>> -> memref<10000x128xf32, #tpu.memory_space<hbm>>
    tpu.wait_indirect_dma semaphore(%arg21 : memref<!tpu.dma_semaphore, #tpu.memory_space<semaphore_mem>>) src(%dma_wait3A_47 : memref<10000x128xf32, #tpu.memory_space<hbm>>) dst(%arg15 : memref<80x128xf32, #tpu.memory_space<vmem>>)
    "tpu.region"() ({
      %run_scoped3A = tpu.sem_alloc : memref<!tpu.dma_semaphore, #tpu.memory_space<semaphore_mem>>
      %dma_start3A_53 = arith.constant 0 : i32
      %dma_start3A_54 = arith.constant 0 : i32
      %dma_start3A_55 = tpu.memref_slice %arg19[%dma_start3A_53, %dma_start3A_54] : memref<10240x128xf32, #tpu.memory_space<vmem_shared>> -> memref<10240x128xf32, #tpu.memory_space<vmem_shared>>
      tpu.enqueue_indirect_dma source(%arg15 : memref<80x128xf32, #tpu.memory_space<vmem>>) target(%dma_start3A_55 : memref<10240x128xf32, #tpu.memory_space<vmem_shared>>) offsets(%arg11 : memref<80xi32, #tpu.memory_space<vmem>>) semaphore(%run_scoped3A : memref<!tpu.dma_semaphore, #tpu.memory_space<semaphore_mem>>) {add = true}
      %dma_wait3A_56 = arith.constant 0 : i32
      %dma_wait3A_57 = arith.constant 0 : i32
      %dma_wait3A_58 = tpu.memref_slice %arg19[%dma_wait3A_56, %dma_wait3A_57] : memref<10240x128xf32, #tpu.memory_space<vmem_shared>> -> memref<10240x128xf32, #tpu.memory_space<vmem_shared>>
      tpu.wait_indirect_dma semaphore(%run_scoped3A : memref<!tpu.dma_semaphore, #tpu.memory_space<semaphore_mem>>) src(%arg15 : memref<80x128xf32, #tpu.memory_space<vmem>>) dst(%dma_wait3A_58 : memref<10240x128xf32, #tpu.memory_space<vmem_shared>>)
      tpu.yield
    }) : () -> ()
    %barrier3A_48 = arith.constant 0 : index
    tpu.barrier barrier_id(%barrier3A_48)
    %mul3A_49 = arith.constant 640 : i32
    %mul3A_50 = arith.muli %arg1, %mul3A_49 : i32
    %mul3A_51 = arith.constant 640 : i32
    %mul3A_52 = arith.muli %arg1, %mul3A_51 : i32
    "tpu.region"() ({
      %run_scoped3A = tpu.sem_alloc : memref<!tpu.dma_semaphore, #tpu.memory_space<semaphore_mem>>
      %dma_start3A_53 = arith.constant 0 : i32
      %dma_start3A_54 = tpu.memref_slice %arg6[%arg0, %mul3A_52, %dma_start3A_53] : memref<2x10240x128xf32, #tpu.memory_space<hbm>> -> memref<1x640x128xf32, #tpu.memory_space<hbm>>
      %dma_start3A_55 = tpu.memref_squeeze %dma_start3A_54 : memref<1x640x128xf32, #tpu.memory_space<hbm>> -> memref<640x128xf32, #tpu.memory_space<hbm>>
      %dma_start3A_56 = arith.constant 0 : i32
      %dma_start3A_57 = tpu.memref_slice %arg19[%mul3A_50, %dma_start3A_56] : memref<10240x128xf32, #tpu.memory_space<vmem_shared>> -> memref<640x128xf32, #tpu.memory_space<vmem_shared>>
      tpu.enqueue_dma source(%dma_start3A_57 : memref<640x128xf32, #tpu.memory_space<vmem_shared>>) target(%dma_start3A_55 : memref<640x128xf32, #tpu.memory_space<hbm>>) target_semaphore(%run_scoped3A : memref<!tpu.dma_semaphore, #tpu.memory_space<semaphore_mem>>)
      %dma_wait3A_58 = arith.constant 0 : i32
      %dma_wait3A_59 = tpu.memref_slice %arg6[%arg0, %mul3A_52, %dma_wait3A_58] : memref<2x10240x128xf32, #tpu.memory_space<hbm>> -> memref<1x640x128xf32, #tpu.memory_space<hbm>>
      %dma_wait3A_60 = tpu.memref_squeeze %dma_wait3A_59 : memref<1x640x128xf32, #tpu.memory_space<hbm>> -> memref<640x128xf32, #tpu.memory_space<hbm>>
      %dma_wait3A_61 = arith.constant 0 : i32
      %dma_wait3A_62 = tpu.memref_slice %arg19[%mul3A_50, %dma_wait3A_61] : memref<10240x128xf32, #tpu.memory_space<vmem_shared>> -> memref<640x128xf32, #tpu.memory_space<vmem_shared>>
      tpu.wait_dma2 semaphore(%run_scoped3A : memref<!tpu.dma_semaphore, #tpu.memory_space<semaphore_mem>>) src(%dma_wait3A_62 : memref<640x128xf32, #tpu.memory_space<vmem_shared>>) dst(%dma_wait3A_60 : memref<640x128xf32, #tpu.memory_space<hbm>>)
      tpu.yield
    }) : () -> ()
    return
  }
}

module attributes {stable_mosaic.version = 14 : i64} {
  func.func @_tc_layer_body(%arg0: i32, %arg1: memref<2x1000x128xf32, #tpu.memory_space<vmem>>, %arg2: memref<1000x128xf32, #tpu.memory_space<vmem>>, %arg3: memref<2x1000x16xf32, #tpu.memory_space<vmem>>, %arg4: memref<11x128x128xf32, #tpu.memory_space<vmem>>, %arg5: memref<11x128xf32, #tpu.memory_space<vmem>>, %arg6: memref<11x128x128xf32, #tpu.memory_space<vmem>>, %arg7: memref<1000x128xf32, #tpu.memory_space<vmem>>) attributes {dimension_semantics = [#tpu.dimension_semantics<arbitrary>], iteration_bounds = array<i64: 10>, scalar_prefetch = 0 : i64, scratch_operands = 0 : i64, tpu.core_type = #tpu.core_type<tc>, window_params = [{transform_indices = @transform_0, window_bounds = array<i64: 2, 1000, 128>}, {transform_indices = @transform_1, window_bounds = array<i64: 1000, 128>}, {transform_indices = @transform_2, window_bounds = array<i64: 2, 1000, 16>}, {pipeline_mode = #tpu.pipeline_mode<synchronous>, transform_indices = @transform_3, window_bounds = array<i64: 11, 128, 128>}, {pipeline_mode = #tpu.pipeline_mode<synchronous>, transform_indices = @transform_4, window_bounds = array<i64: 11, 128>}, {pipeline_mode = #tpu.pipeline_mode<synchronous>, transform_indices = @transform_5, window_bounds = array<i64: 11, 128, 128>}, {transform_indices = @transform_6, window_bounds = array<i64: 1000, 128>}]} {
    %get3A = arith.constant 0 : index
    %get3A_0 = arith.constant 0 : index
    %get3A_1 = arith.constant 0 : index
    %get3A_2 = vector.load %arg1[%get3A, %get3A_0, %get3A_1] : memref<2x1000x128xf32, #tpu.memory_space<vmem>>, vector<1x1000x128xf32>
    %get3A_3 = vector.shape_cast %get3A_2 : vector<1x1000x128xf32> to vector<1000x128xf32>
    %get3A_4 = arith.constant 1 : index
    %get3A_5 = arith.constant 0 : index
    %get3A_6 = arith.constant 0 : index
    %get3A_7 = vector.load %arg1[%get3A_4, %get3A_5, %get3A_6] : memref<2x1000x128xf32, #tpu.memory_space<vmem>>, vector<1x1000x128xf32>
    %get3A_8 = vector.shape_cast %get3A_7 : vector<1x1000x128xf32> to vector<1000x128xf32>
    %add3A = arith.addf %get3A_3, %get3A_8 : vector<1000x128xf32>
    %get3A_9 = arith.constant 0 : index
    %get3A_10 = arith.constant 0 : index
    %get3A_11 = arith.constant 0 : index
    %get3A_12 = vector.load %arg3[%get3A_9, %get3A_10, %get3A_11] : memref<2x1000x16xf32, #tpu.memory_space<vmem>>, vector<1x1000x1xf32>
    %get3A_13 = vector.shape_cast %get3A_12 : vector<1x1000x1xf32> to vector<1000x1xf32>
    %get3A_14 = arith.constant 1 : index
    %get3A_15 = arith.constant 0 : index
    %get3A_16 = arith.constant 0 : index
    %get3A_17 = vector.load %arg3[%get3A_14, %get3A_15, %get3A_16] : memref<2x1000x16xf32, #tpu.memory_space<vmem>>, vector<1x1000x1xf32>
    %get3A_18 = vector.shape_cast %get3A_17 : vector<1x1000x1xf32> to vector<1000x1xf32>
    %add3A_19 = arith.addf %get3A_13, %get3A_18 : vector<1000x1xf32>
    %jit3A = arith.constant 0.000000e+00 : f32
    %jit3A_20 = arith.constant 1.000000e+01 : f32
    %max3A = vector.broadcast %jit3A : f32 to vector<1000x1xf32>
    %max3A_21 = arith.maximumf %max3A, %add3A_19 : vector<1000x1xf32>
    %min3A = vector.broadcast %jit3A_20 : f32 to vector<1000x1xf32>
    %min3A_22 = arith.minimumf %min3A, %max3A_21 : vector<1000x1xf32>
    %get3A_23 = arith.constant 0 : index
    %get3A_24 = arith.constant 0 : index
    %get3A_25 = vector.load %arg2[%get3A_23, %get3A_24] : memref<1000x128xf32, #tpu.memory_space<vmem>>, vector<1000x128xf32>
    %broadcast_in_dim3A = arith.constant 0.000000e+00 : f32
    %broadcast_in_dim3A_26 = vector.broadcast %broadcast_in_dim3A : f32 to vector<1000x128xf32>
    %get3A_27 = arith.constant 0 : index
    %get3A_28 = arith.constant 0 : index
    %get3A_29 = arith.constant 0 : index
    %get3A_30 = vector.load %arg4[%get3A_27, %get3A_28, %get3A_29] : memref<11x128x128xf32, #tpu.memory_space<vmem>>, vector<1x128x128xf32>
    %get3A_31 = vector.shape_cast %get3A_30 : vector<1x128x128xf32> to vector<128x128xf32>
    %dot_general3A = arith.constant dense<0.000000e+00> : vector<1000x128xf32>
    %dot_general3A_32 = tpu.matmul %add3A, %get3A_31, %dot_general3A {dimension_numbers = #tpu.dot_dimension_numbers<[1], [0], [0], [1], [0, 0, 1, 1], [], []>, transpose_lhs_hint = false} : vector<1000x128xf32>, vector<128x128xf32>, vector<1000x128xf32> -> vector<1000x128xf32>
    %get3A_33 = arith.constant 0 : index
    %get3A_34 = arith.constant 0 : index
    %get3A_35 = vector.load %arg5[%get3A_33, %get3A_34] : memref<11x128xf32, #tpu.memory_space<vmem>>, vector<1x128xf32>
    %get3A_36 = vector.shape_cast %get3A_35 : vector<1x128xf32> to vector<128xf32>
    %broadcast_in_dim3A_37 = vector.shape_cast %get3A_36 : vector<128xf32> to vector<1x128xf32>
    %add3A_38 = vector.broadcast %broadcast_in_dim3A_37 : vector<1x128xf32> to vector<1000x128xf32>
    %add3A_39 = arith.addf %dot_general3A_32, %add3A_38 : vector<1000x128xf32>
    %get3A_40 = arith.constant 0 : index
    %get3A_41 = arith.constant 0 : index
    %get3A_42 = arith.constant 0 : index
    %get3A_43 = vector.load %arg6[%get3A_40, %get3A_41, %get3A_42] : memref<11x128x128xf32, #tpu.memory_space<vmem>>, vector<1x128x128xf32>
    %get3A_44 = vector.shape_cast %get3A_43 : vector<1x128x128xf32> to vector<128x128xf32>
    %dot_general3A_45 = arith.constant dense<0.000000e+00> : vector<1000x128xf32>
    %dot_general3A_46 = tpu.matmul %get3A_25, %get3A_44, %dot_general3A_45 {dimension_numbers = #tpu.dot_dimension_numbers<[1], [0], [0], [1], [0, 0, 1, 1], [], []>, transpose_lhs_hint = false} : vector<1000x128xf32>, vector<128x128xf32>, vector<1000x128xf32> -> vector<1000x128xf32>
    %add3A_47 = arith.addf %add3A_39, %dot_general3A_46 : vector<1000x128xf32>
    %eq3A = arith.constant 0.000000e+00 : f32
    %eq3A_48 = vector.broadcast %eq3A : f32 to vector<1000x1xf32>
    %eq3A_49 = arith.cmpf oeq, %min3A_22, %eq3A_48 : vector<1000x1xf32>
    %broadcast_in_dim3A_50 = vector.shape_cast %eq3A_49 : vector<1000x1xi1> to vector<1000x1xi1>
    %broadcast_in_dim3A_51 = vector.broadcast %broadcast_in_dim3A_50 : vector<1000x1xi1> to vector<1000x128xi1>
    %select_n3A = arith.select %broadcast_in_dim3A_51, %add3A_47, %broadcast_in_dim3A_26 : vector<1000x128xi1>, vector<1000x128xf32>
    %get3A_52 = arith.constant 1 : index
    %get3A_53 = arith.constant 0 : index
    %get3A_54 = arith.constant 0 : index
    %get3A_55 = vector.load %arg4[%get3A_52, %get3A_53, %get3A_54] : memref<11x128x128xf32, #tpu.memory_space<vmem>>, vector<1x128x128xf32>
    %get3A_56 = vector.shape_cast %get3A_55 : vector<1x128x128xf32> to vector<128x128xf32>
    %dot_general3A_57 = arith.constant dense<0.000000e+00> : vector<1000x128xf32>
    %dot_general3A_58 = tpu.matmul %add3A, %get3A_56, %dot_general3A_57 {dimension_numbers = #tpu.dot_dimension_numbers<[1], [0], [0], [1], [0, 0, 1, 1], [], []>, transpose_lhs_hint = false} : vector<1000x128xf32>, vector<128x128xf32>, vector<1000x128xf32> -> vector<1000x128xf32>
    %get3A_59 = arith.constant 1 : index
    %get3A_60 = arith.constant 0 : index
    %get3A_61 = vector.load %arg5[%get3A_59, %get3A_60] : memref<11x128xf32, #tpu.memory_space<vmem>>, vector<1x128xf32>
    %get3A_62 = vector.shape_cast %get3A_61 : vector<1x128xf32> to vector<128xf32>
    %broadcast_in_dim3A_63 = vector.shape_cast %get3A_62 : vector<128xf32> to vector<1x128xf32>
    %add3A_64 = vector.broadcast %broadcast_in_dim3A_63 : vector<1x128xf32> to vector<1000x128xf32>
    %add3A_65 = arith.addf %dot_general3A_58, %add3A_64 : vector<1000x128xf32>
    %get3A_66 = arith.constant 1 : index
    %get3A_67 = arith.constant 0 : index
    %get3A_68 = arith.constant 0 : index
    %get3A_69 = vector.load %arg6[%get3A_66, %get3A_67, %get3A_68] : memref<11x128x128xf32, #tpu.memory_space<vmem>>, vector<1x128x128xf32>
    %get3A_70 = vector.shape_cast %get3A_69 : vector<1x128x128xf32> to vector<128x128xf32>
    %dot_general3A_71 = arith.constant dense<0.000000e+00> : vector<1000x128xf32>
    %dot_general3A_72 = tpu.matmul %get3A_25, %get3A_70, %dot_general3A_71 {dimension_numbers = #tpu.dot_dimension_numbers<[1], [0], [0], [1], [0, 0, 1, 1], [], []>, transpose_lhs_hint = false} : vector<1000x128xf32>, vector<128x128xf32>, vector<1000x128xf32> -> vector<1000x128xf32>
    %add3A_73 = arith.addf %add3A_65, %dot_general3A_72 : vector<1000x128xf32>
    %eq3A_74 = arith.constant 1.000000e+00 : f32
    %eq3A_75 = vector.broadcast %eq3A_74 : f32 to vector<1000x1xf32>
    %eq3A_76 = arith.cmpf oeq, %min3A_22, %eq3A_75 : vector<1000x1xf32>
    %broadcast_in_dim3A_77 = vector.shape_cast %eq3A_76 : vector<1000x1xi1> to vector<1000x1xi1>
    %broadcast_in_dim3A_78 = vector.broadcast %broadcast_in_dim3A_77 : vector<1000x1xi1> to vector<1000x128xi1>
    %select_n3A_79 = arith.select %broadcast_in_dim3A_78, %add3A_73, %select_n3A : vector<1000x128xi1>, vector<1000x128xf32>
    %get3A_80 = arith.constant 2 : index
    %get3A_81 = arith.constant 0 : index
    %get3A_82 = arith.constant 0 : index
    %get3A_83 = vector.load %arg4[%get3A_80, %get3A_81, %get3A_82] : memref<11x128x128xf32, #tpu.memory_space<vmem>>, vector<1x128x128xf32>
    %get3A_84 = vector.shape_cast %get3A_83 : vector<1x128x128xf32> to vector<128x128xf32>
    %dot_general3A_85 = arith.constant dense<0.000000e+00> : vector<1000x128xf32>
    %dot_general3A_86 = tpu.matmul %add3A, %get3A_84, %dot_general3A_85 {dimension_numbers = #tpu.dot_dimension_numbers<[1], [0], [0], [1], [0, 0, 1, 1], [], []>, transpose_lhs_hint = false} : vector<1000x128xf32>, vector<128x128xf32>, vector<1000x128xf32> -> vector<1000x128xf32>
    %get3A_87 = arith.constant 2 : index
    %get3A_88 = arith.constant 0 : index
    %get3A_89 = vector.load %arg5[%get3A_87, %get3A_88] : memref<11x128xf32, #tpu.memory_space<vmem>>, vector<1x128xf32>
    %get3A_90 = vector.shape_cast %get3A_89 : vector<1x128xf32> to vector<128xf32>
    %broadcast_in_dim3A_91 = vector.shape_cast %get3A_90 : vector<128xf32> to vector<1x128xf32>
    %add3A_92 = vector.broadcast %broadcast_in_dim3A_91 : vector<1x128xf32> to vector<1000x128xf32>
    %add3A_93 = arith.addf %dot_general3A_86, %add3A_92 : vector<1000x128xf32>
    %get3A_94 = arith.constant 2 : index
    %get3A_95 = arith.constant 0 : index
    %get3A_96 = arith.constant 0 : index
    %get3A_97 = vector.load %arg6[%get3A_94, %get3A_95, %get3A_96] : memref<11x128x128xf32, #tpu.memory_space<vmem>>, vector<1x128x128xf32>
    %get3A_98 = vector.shape_cast %get3A_97 : vector<1x128x128xf32> to vector<128x128xf32>
    %dot_general3A_99 = arith.constant dense<0.000000e+00> : vector<1000x128xf32>
    %dot_general3A_100 = tpu.matmul %get3A_25, %get3A_98, %dot_general3A_99 {dimension_numbers = #tpu.dot_dimension_numbers<[1], [0], [0], [1], [0, 0, 1, 1], [], []>, transpose_lhs_hint = false} : vector<1000x128xf32>, vector<128x128xf32>, vector<1000x128xf32> -> vector<1000x128xf32>
    %add3A_101 = arith.addf %add3A_93, %dot_general3A_100 : vector<1000x128xf32>
    %eq3A_102 = arith.constant 2.000000e+00 : f32
    %eq3A_103 = vector.broadcast %eq3A_102 : f32 to vector<1000x1xf32>
    %eq3A_104 = arith.cmpf oeq, %min3A_22, %eq3A_103 : vector<1000x1xf32>
    %broadcast_in_dim3A_105 = vector.shape_cast %eq3A_104 : vector<1000x1xi1> to vector<1000x1xi1>
    %broadcast_in_dim3A_106 = vector.broadcast %broadcast_in_dim3A_105 : vector<1000x1xi1> to vector<1000x128xi1>
    %select_n3A_107 = arith.select %broadcast_in_dim3A_106, %add3A_101, %select_n3A_79 : vector<1000x128xi1>, vector<1000x128xf32>
    %get3A_108 = arith.constant 3 : index
    %get3A_109 = arith.constant 0 : index
    %get3A_110 = arith.constant 0 : index
    %get3A_111 = vector.load %arg4[%get3A_108, %get3A_109, %get3A_110] : memref<11x128x128xf32, #tpu.memory_space<vmem>>, vector<1x128x128xf32>
    %get3A_112 = vector.shape_cast %get3A_111 : vector<1x128x128xf32> to vector<128x128xf32>
    %dot_general3A_113 = arith.constant dense<0.000000e+00> : vector<1000x128xf32>
    %dot_general3A_114 = tpu.matmul %add3A, %get3A_112, %dot_general3A_113 {dimension_numbers = #tpu.dot_dimension_numbers<[1], [0], [0], [1], [0, 0, 1, 1], [], []>, transpose_lhs_hint = false} : vector<1000x128xf32>, vector<128x128xf32>, vector<1000x128xf32> -> vector<1000x128xf32>
    %get3A_115 = arith.constant 3 : index
    %get3A_116 = arith.constant 0 : index
    %get3A_117 = vector.load %arg5[%get3A_115, %get3A_116] : memref<11x128xf32, #tpu.memory_space<vmem>>, vector<1x128xf32>
    %get3A_118 = vector.shape_cast %get3A_117 : vector<1x128xf32> to vector<128xf32>
    %broadcast_in_dim3A_119 = vector.shape_cast %get3A_118 : vector<128xf32> to vector<1x128xf32>
    %add3A_120 = vector.broadcast %broadcast_in_dim3A_119 : vector<1x128xf32> to vector<1000x128xf32>
    %add3A_121 = arith.addf %dot_general3A_114, %add3A_120 : vector<1000x128xf32>
    %get3A_122 = arith.constant 3 : index
    %get3A_123 = arith.constant 0 : index
    %get3A_124 = arith.constant 0 : index
    %get3A_125 = vector.load %arg6[%get3A_122, %get3A_123, %get3A_124] : memref<11x128x128xf32, #tpu.memory_space<vmem>>, vector<1x128x128xf32>
    %get3A_126 = vector.shape_cast %get3A_125 : vector<1x128x128xf32> to vector<128x128xf32>
    %dot_general3A_127 = arith.constant dense<0.000000e+00> : vector<1000x128xf32>
    %dot_general3A_128 = tpu.matmul %get3A_25, %get3A_126, %dot_general3A_127 {dimension_numbers = #tpu.dot_dimension_numbers<[1], [0], [0], [1], [0, 0, 1, 1], [], []>, transpose_lhs_hint = false} : vector<1000x128xf32>, vector<128x128xf32>, vector<1000x128xf32> -> vector<1000x128xf32>
    %add3A_129 = arith.addf %add3A_121, %dot_general3A_128 : vector<1000x128xf32>
    %eq3A_130 = arith.constant 3.000000e+00 : f32
    %eq3A_131 = vector.broadcast %eq3A_130 : f32 to vector<1000x1xf32>
    %eq3A_132 = arith.cmpf oeq, %min3A_22, %eq3A_131 : vector<1000x1xf32>
    %broadcast_in_dim3A_133 = vector.shape_cast %eq3A_132 : vector<1000x1xi1> to vector<1000x1xi1>
    %broadcast_in_dim3A_134 = vector.broadcast %broadcast_in_dim3A_133 : vector<1000x1xi1> to vector<1000x128xi1>
    %select_n3A_135 = arith.select %broadcast_in_dim3A_134, %add3A_129, %select_n3A_107 : vector<1000x128xi1>, vector<1000x128xf32>
    %get3A_136 = arith.constant 4 : index
    %get3A_137 = arith.constant 0 : index
    %get3A_138 = arith.constant 0 : index
    %get3A_139 = vector.load %arg4[%get3A_136, %get3A_137, %get3A_138] : memref<11x128x128xf32, #tpu.memory_space<vmem>>, vector<1x128x128xf32>
    %get3A_140 = vector.shape_cast %get3A_139 : vector<1x128x128xf32> to vector<128x128xf32>
    %dot_general3A_141 = arith.constant dense<0.000000e+00> : vector<1000x128xf32>
    %dot_general3A_142 = tpu.matmul %add3A, %get3A_140, %dot_general3A_141 {dimension_numbers = #tpu.dot_dimension_numbers<[1], [0], [0], [1], [0, 0, 1, 1], [], []>, transpose_lhs_hint = false} : vector<1000x128xf32>, vector<128x128xf32>, vector<1000x128xf32> -> vector<1000x128xf32>
    %get3A_143 = arith.constant 4 : index
    %get3A_144 = arith.constant 0 : index
    %get3A_145 = vector.load %arg5[%get3A_143, %get3A_144] : memref<11x128xf32, #tpu.memory_space<vmem>>, vector<1x128xf32>
    %get3A_146 = vector.shape_cast %get3A_145 : vector<1x128xf32> to vector<128xf32>
    %broadcast_in_dim3A_147 = vector.shape_cast %get3A_146 : vector<128xf32> to vector<1x128xf32>
    %add3A_148 = vector.broadcast %broadcast_in_dim3A_147 : vector<1x128xf32> to vector<1000x128xf32>
    %add3A_149 = arith.addf %dot_general3A_142, %add3A_148 : vector<1000x128xf32>
    %get3A_150 = arith.constant 4 : index
    %get3A_151 = arith.constant 0 : index
    %get3A_152 = arith.constant 0 : index
    %get3A_153 = vector.load %arg6[%get3A_150, %get3A_151, %get3A_152] : memref<11x128x128xf32, #tpu.memory_space<vmem>>, vector<1x128x128xf32>
    %get3A_154 = vector.shape_cast %get3A_153 : vector<1x128x128xf32> to vector<128x128xf32>
    %dot_general3A_155 = arith.constant dense<0.000000e+00> : vector<1000x128xf32>
    %dot_general3A_156 = tpu.matmul %get3A_25, %get3A_154, %dot_general3A_155 {dimension_numbers = #tpu.dot_dimension_numbers<[1], [0], [0], [1], [0, 0, 1, 1], [], []>, transpose_lhs_hint = false} : vector<1000x128xf32>, vector<128x128xf32>, vector<1000x128xf32> -> vector<1000x128xf32>
    %add3A_157 = arith.addf %add3A_149, %dot_general3A_156 : vector<1000x128xf32>
    %eq3A_158 = arith.constant 4.000000e+00 : f32
    %eq3A_159 = vector.broadcast %eq3A_158 : f32 to vector<1000x1xf32>
    %eq3A_160 = arith.cmpf oeq, %min3A_22, %eq3A_159 : vector<1000x1xf32>
    %broadcast_in_dim3A_161 = vector.shape_cast %eq3A_160 : vector<1000x1xi1> to vector<1000x1xi1>
    %broadcast_in_dim3A_162 = vector.broadcast %broadcast_in_dim3A_161 : vector<1000x1xi1> to vector<1000x128xi1>
    %select_n3A_163 = arith.select %broadcast_in_dim3A_162, %add3A_157, %select_n3A_135 : vector<1000x128xi1>, vector<1000x128xf32>
    %get3A_164 = arith.constant 5 : index
    %get3A_165 = arith.constant 0 : index
    %get3A_166 = arith.constant 0 : index
    %get3A_167 = vector.load %arg4[%get3A_164, %get3A_165, %get3A_166] : memref<11x128x128xf32, #tpu.memory_space<vmem>>, vector<1x128x128xf32>
    %get3A_168 = vector.shape_cast %get3A_167 : vector<1x128x128xf32> to vector<128x128xf32>
    %dot_general3A_169 = arith.constant dense<0.000000e+00> : vector<1000x128xf32>
    %dot_general3A_170 = tpu.matmul %add3A, %get3A_168, %dot_general3A_169 {dimension_numbers = #tpu.dot_dimension_numbers<[1], [0], [0], [1], [0, 0, 1, 1], [], []>, transpose_lhs_hint = false} : vector<1000x128xf32>, vector<128x128xf32>, vector<1000x128xf32> -> vector<1000x128xf32>
    %get3A_171 = arith.constant 5 : index
    %get3A_172 = arith.constant 0 : index
    %get3A_173 = vector.load %arg5[%get3A_171, %get3A_172] : memref<11x128xf32, #tpu.memory_space<vmem>>, vector<1x128xf32>
    %get3A_174 = vector.shape_cast %get3A_173 : vector<1x128xf32> to vector<128xf32>
    %broadcast_in_dim3A_175 = vector.shape_cast %get3A_174 : vector<128xf32> to vector<1x128xf32>
    %add3A_176 = vector.broadcast %broadcast_in_dim3A_175 : vector<1x128xf32> to vector<1000x128xf32>
    %add3A_177 = arith.addf %dot_general3A_170, %add3A_176 : vector<1000x128xf32>
    %get3A_178 = arith.constant 5 : index
    %get3A_179 = arith.constant 0 : index
    %get3A_180 = arith.constant 0 : index
    %get3A_181 = vector.load %arg6[%get3A_178, %get3A_179, %get3A_180] : memref<11x128x128xf32, #tpu.memory_space<vmem>>, vector<1x128x128xf32>
    %get3A_182 = vector.shape_cast %get3A_181 : vector<1x128x128xf32> to vector<128x128xf32>
    %dot_general3A_183 = arith.constant dense<0.000000e+00> : vector<1000x128xf32>
    %dot_general3A_184 = tpu.matmul %get3A_25, %get3A_182, %dot_general3A_183 {dimension_numbers = #tpu.dot_dimension_numbers<[1], [0], [0], [1], [0, 0, 1, 1], [], []>, transpose_lhs_hint = false} : vector<1000x128xf32>, vector<128x128xf32>, vector<1000x128xf32> -> vector<1000x128xf32>
    %add3A_185 = arith.addf %add3A_177, %dot_general3A_184 : vector<1000x128xf32>
    %eq3A_186 = arith.constant 5.000000e+00 : f32
    %eq3A_187 = vector.broadcast %eq3A_186 : f32 to vector<1000x1xf32>
    %eq3A_188 = arith.cmpf oeq, %min3A_22, %eq3A_187 : vector<1000x1xf32>
    %broadcast_in_dim3A_189 = vector.shape_cast %eq3A_188 : vector<1000x1xi1> to vector<1000x1xi1>
    %broadcast_in_dim3A_190 = vector.broadcast %broadcast_in_dim3A_189 : vector<1000x1xi1> to vector<1000x128xi1>
    %select_n3A_191 = arith.select %broadcast_in_dim3A_190, %add3A_185, %select_n3A_163 : vector<1000x128xi1>, vector<1000x128xf32>
    %get3A_192 = arith.constant 6 : index
    %get3A_193 = arith.constant 0 : index
    %get3A_194 = arith.constant 0 : index
    %get3A_195 = vector.load %arg4[%get3A_192, %get3A_193, %get3A_194] : memref<11x128x128xf32, #tpu.memory_space<vmem>>, vector<1x128x128xf32>
    %get3A_196 = vector.shape_cast %get3A_195 : vector<1x128x128xf32> to vector<128x128xf32>
    %dot_general3A_197 = arith.constant dense<0.000000e+00> : vector<1000x128xf32>
    %dot_general3A_198 = tpu.matmul %add3A, %get3A_196, %dot_general3A_197 {dimension_numbers = #tpu.dot_dimension_numbers<[1], [0], [0], [1], [0, 0, 1, 1], [], []>, transpose_lhs_hint = false} : vector<1000x128xf32>, vector<128x128xf32>, vector<1000x128xf32> -> vector<1000x128xf32>
    %get3A_199 = arith.constant 6 : index
    %get3A_200 = arith.constant 0 : index
    %get3A_201 = vector.load %arg5[%get3A_199, %get3A_200] : memref<11x128xf32, #tpu.memory_space<vmem>>, vector<1x128xf32>
    %get3A_202 = vector.shape_cast %get3A_201 : vector<1x128xf32> to vector<128xf32>
    %broadcast_in_dim3A_203 = vector.shape_cast %get3A_202 : vector<128xf32> to vector<1x128xf32>
    %add3A_204 = vector.broadcast %broadcast_in_dim3A_203 : vector<1x128xf32> to vector<1000x128xf32>
    %add3A_205 = arith.addf %dot_general3A_198, %add3A_204 : vector<1000x128xf32>
    %get3A_206 = arith.constant 6 : index
    %get3A_207 = arith.constant 0 : index
    %get3A_208 = arith.constant 0 : index
    %get3A_209 = vector.load %arg6[%get3A_206, %get3A_207, %get3A_208] : memref<11x128x128xf32, #tpu.memory_space<vmem>>, vector<1x128x128xf32>
    %get3A_210 = vector.shape_cast %get3A_209 : vector<1x128x128xf32> to vector<128x128xf32>
    %dot_general3A_211 = arith.constant dense<0.000000e+00> : vector<1000x128xf32>
    %dot_general3A_212 = tpu.matmul %get3A_25, %get3A_210, %dot_general3A_211 {dimension_numbers = #tpu.dot_dimension_numbers<[1], [0], [0], [1], [0, 0, 1, 1], [], []>, transpose_lhs_hint = false} : vector<1000x128xf32>, vector<128x128xf32>, vector<1000x128xf32> -> vector<1000x128xf32>
    %add3A_213 = arith.addf %add3A_205, %dot_general3A_212 : vector<1000x128xf32>
    %eq3A_214 = arith.constant 6.000000e+00 : f32
    %eq3A_215 = vector.broadcast %eq3A_214 : f32 to vector<1000x1xf32>
    %eq3A_216 = arith.cmpf oeq, %min3A_22, %eq3A_215 : vector<1000x1xf32>
    %broadcast_in_dim3A_217 = vector.shape_cast %eq3A_216 : vector<1000x1xi1> to vector<1000x1xi1>
    %broadcast_in_dim3A_218 = vector.broadcast %broadcast_in_dim3A_217 : vector<1000x1xi1> to vector<1000x128xi1>
    %select_n3A_219 = arith.select %broadcast_in_dim3A_218, %add3A_213, %select_n3A_191 : vector<1000x128xi1>, vector<1000x128xf32>
    %get3A_220 = arith.constant 7 : index
    %get3A_221 = arith.constant 0 : index
    %get3A_222 = arith.constant 0 : index
    %get3A_223 = vector.load %arg4[%get3A_220, %get3A_221, %get3A_222] : memref<11x128x128xf32, #tpu.memory_space<vmem>>, vector<1x128x128xf32>
    %get3A_224 = vector.shape_cast %get3A_223 : vector<1x128x128xf32> to vector<128x128xf32>
    %dot_general3A_225 = arith.constant dense<0.000000e+00> : vector<1000x128xf32>
    %dot_general3A_226 = tpu.matmul %add3A, %get3A_224, %dot_general3A_225 {dimension_numbers = #tpu.dot_dimension_numbers<[1], [0], [0], [1], [0, 0, 1, 1], [], []>, transpose_lhs_hint = false} : vector<1000x128xf32>, vector<128x128xf32>, vector<1000x128xf32> -> vector<1000x128xf32>
    %get3A_227 = arith.constant 7 : index
    %get3A_228 = arith.constant 0 : index
    %get3A_229 = vector.load %arg5[%get3A_227, %get3A_228] : memref<11x128xf32, #tpu.memory_space<vmem>>, vector<1x128xf32>
    %get3A_230 = vector.shape_cast %get3A_229 : vector<1x128xf32> to vector<128xf32>
    %broadcast_in_dim3A_231 = vector.shape_cast %get3A_230 : vector<128xf32> to vector<1x128xf32>
    %add3A_232 = vector.broadcast %broadcast_in_dim3A_231 : vector<1x128xf32> to vector<1000x128xf32>
    %add3A_233 = arith.addf %dot_general3A_226, %add3A_232 : vector<1000x128xf32>
    %get3A_234 = arith.constant 7 : index
    %get3A_235 = arith.constant 0 : index
    %get3A_236 = arith.constant 0 : index
    %get3A_237 = vector.load %arg6[%get3A_234, %get3A_235, %get3A_236] : memref<11x128x128xf32, #tpu.memory_space<vmem>>, vector<1x128x128xf32>
    %get3A_238 = vector.shape_cast %get3A_237 : vector<1x128x128xf32> to vector<128x128xf32>
    %dot_general3A_239 = arith.constant dense<0.000000e+00> : vector<1000x128xf32>
    %dot_general3A_240 = tpu.matmul %get3A_25, %get3A_238, %dot_general3A_239 {dimension_numbers = #tpu.dot_dimension_numbers<[1], [0], [0], [1], [0, 0, 1, 1], [], []>, transpose_lhs_hint = false} : vector<1000x128xf32>, vector<128x128xf32>, vector<1000x128xf32> -> vector<1000x128xf32>
    %add3A_241 = arith.addf %add3A_233, %dot_general3A_240 : vector<1000x128xf32>
    %eq3A_242 = arith.constant 7.000000e+00 : f32
    %eq3A_243 = vector.broadcast %eq3A_242 : f32 to vector<1000x1xf32>
    %eq3A_244 = arith.cmpf oeq, %min3A_22, %eq3A_243 : vector<1000x1xf32>
    %broadcast_in_dim3A_245 = vector.shape_cast %eq3A_244 : vector<1000x1xi1> to vector<1000x1xi1>
    %broadcast_in_dim3A_246 = vector.broadcast %broadcast_in_dim3A_245 : vector<1000x1xi1> to vector<1000x128xi1>
    %select_n3A_247 = arith.select %broadcast_in_dim3A_246, %add3A_241, %select_n3A_219 : vector<1000x128xi1>, vector<1000x128xf32>
    %get3A_248 = arith.constant 8 : index
    %get3A_249 = arith.constant 0 : index
    %get3A_250 = arith.constant 0 : index
    %get3A_251 = vector.load %arg4[%get3A_248, %get3A_249, %get3A_250] : memref<11x128x128xf32, #tpu.memory_space<vmem>>, vector<1x128x128xf32>
    %get3A_252 = vector.shape_cast %get3A_251 : vector<1x128x128xf32> to vector<128x128xf32>
    %dot_general3A_253 = arith.constant dense<0.000000e+00> : vector<1000x128xf32>
    %dot_general3A_254 = tpu.matmul %add3A, %get3A_252, %dot_general3A_253 {dimension_numbers = #tpu.dot_dimension_numbers<[1], [0], [0], [1], [0, 0, 1, 1], [], []>, transpose_lhs_hint = false} : vector<1000x128xf32>, vector<128x128xf32>, vector<1000x128xf32> -> vector<1000x128xf32>
    %get3A_255 = arith.constant 8 : index
    %get3A_256 = arith.constant 0 : index
    %get3A_257 = vector.load %arg5[%get3A_255, %get3A_256] : memref<11x128xf32, #tpu.memory_space<vmem>>, vector<1x128xf32>
    %get3A_258 = vector.shape_cast %get3A_257 : vector<1x128xf32> to vector<128xf32>
    %broadcast_in_dim3A_259 = vector.shape_cast %get3A_258 : vector<128xf32> to vector<1x128xf32>
    %add3A_260 = vector.broadcast %broadcast_in_dim3A_259 : vector<1x128xf32> to vector<1000x128xf32>
    %add3A_261 = arith.addf %dot_general3A_254, %add3A_260 : vector<1000x128xf32>
    %get3A_262 = arith.constant 8 : index
    %get3A_263 = arith.constant 0 : index
    %get3A_264 = arith.constant 0 : index
    %get3A_265 = vector.load %arg6[%get3A_262, %get3A_263, %get3A_264] : memref<11x128x128xf32, #tpu.memory_space<vmem>>, vector<1x128x128xf32>
    %get3A_266 = vector.shape_cast %get3A_265 : vector<1x128x128xf32> to vector<128x128xf32>
    %dot_general3A_267 = arith.constant dense<0.000000e+00> : vector<1000x128xf32>
    %dot_general3A_268 = tpu.matmul %get3A_25, %get3A_266, %dot_general3A_267 {dimension_numbers = #tpu.dot_dimension_numbers<[1], [0], [0], [1], [0, 0, 1, 1], [], []>, transpose_lhs_hint = false} : vector<1000x128xf32>, vector<128x128xf32>, vector<1000x128xf32> -> vector<1000x128xf32>
    %add3A_269 = arith.addf %add3A_261, %dot_general3A_268 : vector<1000x128xf32>
    %eq3A_270 = arith.constant 8.000000e+00 : f32
    %eq3A_271 = vector.broadcast %eq3A_270 : f32 to vector<1000x1xf32>
    %eq3A_272 = arith.cmpf oeq, %min3A_22, %eq3A_271 : vector<1000x1xf32>
    %broadcast_in_dim3A_273 = vector.shape_cast %eq3A_272 : vector<1000x1xi1> to vector<1000x1xi1>
    %broadcast_in_dim3A_274 = vector.broadcast %broadcast_in_dim3A_273 : vector<1000x1xi1> to vector<1000x128xi1>
    %select_n3A_275 = arith.select %broadcast_in_dim3A_274, %add3A_269, %select_n3A_247 : vector<1000x128xi1>, vector<1000x128xf32>
    %get3A_276 = arith.constant 9 : index
    %get3A_277 = arith.constant 0 : index
    %get3A_278 = arith.constant 0 : index
    %get3A_279 = vector.load %arg4[%get3A_276, %get3A_277, %get3A_278] : memref<11x128x128xf32, #tpu.memory_space<vmem>>, vector<1x128x128xf32>
    %get3A_280 = vector.shape_cast %get3A_279 : vector<1x128x128xf32> to vector<128x128xf32>
    %dot_general3A_281 = arith.constant dense<0.000000e+00> : vector<1000x128xf32>
    %dot_general3A_282 = tpu.matmul %add3A, %get3A_280, %dot_general3A_281 {dimension_numbers = #tpu.dot_dimension_numbers<[1], [0], [0], [1], [0, 0, 1, 1], [], []>, transpose_lhs_hint = false} : vector<1000x128xf32>, vector<128x128xf32>, vector<1000x128xf32> -> vector<1000x128xf32>
    %get3A_283 = arith.constant 9 : index
    %get3A_284 = arith.constant 0 : index
    %get3A_285 = vector.load %arg5[%get3A_283, %get3A_284] : memref<11x128xf32, #tpu.memory_space<vmem>>, vector<1x128xf32>
    %get3A_286 = vector.shape_cast %get3A_285 : vector<1x128xf32> to vector<128xf32>
    %broadcast_in_dim3A_287 = vector.shape_cast %get3A_286 : vector<128xf32> to vector<1x128xf32>
    %add3A_288 = vector.broadcast %broadcast_in_dim3A_287 : vector<1x128xf32> to vector<1000x128xf32>
    %add3A_289 = arith.addf %dot_general3A_282, %add3A_288 : vector<1000x128xf32>
    %get3A_290 = arith.constant 9 : index
    %get3A_291 = arith.constant 0 : index
    %get3A_292 = arith.constant 0 : index
    %get3A_293 = vector.load %arg6[%get3A_290, %get3A_291, %get3A_292] : memref<11x128x128xf32, #tpu.memory_space<vmem>>, vector<1x128x128xf32>
    %get3A_294 = vector.shape_cast %get3A_293 : vector<1x128x128xf32> to vector<128x128xf32>
    %dot_general3A_295 = arith.constant dense<0.000000e+00> : vector<1000x128xf32>
    %dot_general3A_296 = tpu.matmul %get3A_25, %get3A_294, %dot_general3A_295 {dimension_numbers = #tpu.dot_dimension_numbers<[1], [0], [0], [1], [0, 0, 1, 1], [], []>, transpose_lhs_hint = false} : vector<1000x128xf32>, vector<128x128xf32>, vector<1000x128xf32> -> vector<1000x128xf32>
    %add3A_297 = arith.addf %add3A_289, %dot_general3A_296 : vector<1000x128xf32>
    %eq3A_298 = arith.constant 9.000000e+00 : f32
    %eq3A_299 = vector.broadcast %eq3A_298 : f32 to vector<1000x1xf32>
    %eq3A_300 = arith.cmpf oeq, %min3A_22, %eq3A_299 : vector<1000x1xf32>
    %broadcast_in_dim3A_301 = vector.shape_cast %eq3A_300 : vector<1000x1xi1> to vector<1000x1xi1>
    %broadcast_in_dim3A_302 = vector.broadcast %broadcast_in_dim3A_301 : vector<1000x1xi1> to vector<1000x128xi1>
    %select_n3A_303 = arith.select %broadcast_in_dim3A_302, %add3A_297, %select_n3A_275 : vector<1000x128xi1>, vector<1000x128xf32>
    %get3A_304 = arith.constant 10 : index
    %get3A_305 = arith.constant 0 : index
    %get3A_306 = arith.constant 0 : index
    %get3A_307 = vector.load %arg4[%get3A_304, %get3A_305, %get3A_306] : memref<11x128x128xf32, #tpu.memory_space<vmem>>, vector<1x128x128xf32>
    %get3A_308 = vector.shape_cast %get3A_307 : vector<1x128x128xf32> to vector<128x128xf32>
    %dot_general3A_309 = arith.constant dense<0.000000e+00> : vector<1000x128xf32>
    %dot_general3A_310 = tpu.matmul %add3A, %get3A_308, %dot_general3A_309 {dimension_numbers = #tpu.dot_dimension_numbers<[1], [0], [0], [1], [0, 0, 1, 1], [], []>, transpose_lhs_hint = false} : vector<1000x128xf32>, vector<128x128xf32>, vector<1000x128xf32> -> vector<1000x128xf32>
    %get3A_311 = arith.constant 10 : index
    %get3A_312 = arith.constant 0 : index
    %get3A_313 = vector.load %arg5[%get3A_311, %get3A_312] : memref<11x128xf32, #tpu.memory_space<vmem>>, vector<1x128xf32>
    %get3A_314 = vector.shape_cast %get3A_313 : vector<1x128xf32> to vector<128xf32>
    %broadcast_in_dim3A_315 = vector.shape_cast %get3A_314 : vector<128xf32> to vector<1x128xf32>
    %add3A_316 = vector.broadcast %broadcast_in_dim3A_315 : vector<1x128xf32> to vector<1000x128xf32>
    %add3A_317 = arith.addf %dot_general3A_310, %add3A_316 : vector<1000x128xf32>
    %get3A_318 = arith.constant 10 : index
    %get3A_319 = arith.constant 0 : index
    %get3A_320 = arith.constant 0 : index
    %get3A_321 = vector.load %arg6[%get3A_318, %get3A_319, %get3A_320] : memref<11x128x128xf32, #tpu.memory_space<vmem>>, vector<1x128x128xf32>
    %get3A_322 = vector.shape_cast %get3A_321 : vector<1x128x128xf32> to vector<128x128xf32>
    %dot_general3A_323 = arith.constant dense<0.000000e+00> : vector<1000x128xf32>
    %dot_general3A_324 = tpu.matmul %get3A_25, %get3A_322, %dot_general3A_323 {dimension_numbers = #tpu.dot_dimension_numbers<[1], [0], [0], [1], [0, 0, 1, 1], [], []>, transpose_lhs_hint = false} : vector<1000x128xf32>, vector<128x128xf32>, vector<1000x128xf32> -> vector<1000x128xf32>
    %add3A_325 = arith.addf %add3A_317, %dot_general3A_324 : vector<1000x128xf32>
    %eq3A_326 = arith.constant 1.000000e+01 : f32
    %eq3A_327 = vector.broadcast %eq3A_326 : f32 to vector<1000x1xf32>
    %eq3A_328 = arith.cmpf oeq, %min3A_22, %eq3A_327 : vector<1000x1xf32>
    %broadcast_in_dim3A_329 = vector.shape_cast %eq3A_328 : vector<1000x1xi1> to vector<1000x1xi1>
    %broadcast_in_dim3A_330 = vector.broadcast %broadcast_in_dim3A_329 : vector<1000x1xi1> to vector<1000x128xi1>
    %select_n3A_331 = arith.select %broadcast_in_dim3A_330, %add3A_325, %select_n3A_303 : vector<1000x128xi1>, vector<1000x128xf32>
    %ge3A = arith.constant 0.000000e+00 : f32
    %ge3A_332 = vector.broadcast %ge3A : f32 to vector<1000x128xf32>
    %ge3A_333 = arith.cmpf oge, %select_n3A_331, %ge3A_332 : vector<1000x128xf32>
    %mul3A = arith.constant 0.00999999977 : f32
    %mul3A_334 = vector.broadcast %mul3A : f32 to vector<1000x128xf32>
    %mul3A_335 = arith.mulf %mul3A_334, %select_n3A_331 : vector<1000x128xf32>
    %select_n3A_336 = arith.select %ge3A_333, %select_n3A_331, %mul3A_335 : vector<1000x128xi1>, vector<1000x128xf32>
    %swap3A = arith.constant 0 : index
    %swap3A_337 = arith.constant 0 : index
    %swap3A_338 = vector.load %arg7[%swap3A, %swap3A_337] : memref<1000x128xf32, #tpu.memory_space<vmem>>, vector<1000x128xf32>
    tpu.vector_store %arg7[%swap3A, %swap3A_337], %select_n3A_336 {strides = array<i32>} : memref<1000x128xf32, #tpu.memory_space<vmem>>, vector<1000x128xf32>,
    return
  }
  func.func @transform_0(%arg0: i32) -> (i32, i32, i32) {
    %c0_i32 = arith.constant 0 : i32
    %c0_i32_0 = arith.constant 0 : i32
    %c0_i32_1 = arith.constant 0 : i32
    return %c0_i32, %arg0, %c0_i32_0 : i32, i32, i32
  }
  func.func @transform_1(%arg0: i32) -> (i32, i32) {
    %c0_i32 = arith.constant 0 : i32
    %c0_i32_0 = arith.constant 0 : i32
    return %arg0, %c0_i32 : i32, i32
  }
  func.func @transform_2(%arg0: i32) -> (i32, i32, i32) {
    %c0_i32 = arith.constant 0 : i32
    %c0_i32_0 = arith.constant 0 : i32
    %c0_i32_1 = arith.constant 0 : i32
    return %c0_i32, %arg0, %c0_i32_0 : i32, i32, i32
  }
  func.func @transform_3(%arg0: i32) -> (i32, i32, i32) {
    %c0_i32 = arith.constant 0 : i32
    %c0_i32_0 = arith.constant 0 : i32
    %c0_i32_1 = arith.constant 0 : i32
    %c0_i32_2 = arith.constant 0 : i32
    return %c0_i32, %c0_i32_0, %c0_i32_1 : i32, i32, i32
  }
  func.func @transform_4(%arg0: i32) -> (i32, i32) {
    %c0_i32 = arith.constant 0 : i32
    %c0_i32_0 = arith.constant 0 : i32
    %c0_i32_1 = arith.constant 0 : i32
    return %c0_i32, %c0_i32_0 : i32, i32
  }
  func.func @transform_5(%arg0: i32) -> (i32, i32, i32) {
    %c0_i32 = arith.constant 0 : i32
    %c0_i32_0 = arith.constant 0 : i32
    %c0_i32_1 = arith.constant 0 : i32
    %c0_i32_2 = arith.constant 0 : i32
    return %c0_i32, %c0_i32_0, %c0_i32_1 : i32, i32, i32
  }
  func.func @transform_6(%arg0: i32) -> (i32, i32) {
    %c0_i32 = arith.constant 0 : i32
    %c0_i32_0 = arith.constant 0 : i32
    return %arg0, %c0_i32 : i32, i32
  }
}

module attributes {stable_mosaic.version = 14 : i64} {
  func.func @_tc_pool_body(%arg0: i32, %arg1: memref<1000x128xf32, #tpu.memory_space<vmem>>, %arg2: memref<1000x1xi32, #tpu.memory_space<vmem>>, %arg3: memref<512x128xf32, #tpu.memory_space<vmem>>) attributes {dimension_semantics = [#tpu.dimension_semantics<arbitrary>], iteration_bounds = array<i64: 10>, scalar_prefetch = 0 : i64, scratch_operands = 0 : i64, tpu.core_type = #tpu.core_type<tc>, window_params = [{transform_indices = @transform_0, window_bounds = array<i64: 1000, 128>}, {transform_indices = @transform_1, window_bounds = array<i64: 1000, 1>}, {pipeline_mode = #tpu.pipeline_mode<synchronous>, transform_indices = @transform_2, window_bounds = array<i64: 512, 128>}]} {
    %eq3A = arith.constant 0 : i32
    %eq3A_0 = arith.cmpi eq, %arg0, %eq3A : i32
    %convert_element_type3A = arith.extui %eq3A_0 : i1 to i32
    %cond3A = arith.constant 0 : i32
    %cond3A_1 = arith.cmpi ne, %convert_element_type3A, %cond3A : i32
    scf.if %cond3A_1 {
      %broadcast_in_dim3A = arith.constant 0.000000e+00 : f32
      %broadcast_in_dim3A_18 = vector.broadcast %broadcast_in_dim3A : f32 to vector<512x128xf32>
      %swap3A_19 = arith.constant 0 : index
      %swap3A_20 = arith.constant 0 : index
      %swap3A_21 = vector.load %arg3[%swap3A_19, %swap3A_20] : memref<512x128xf32, #tpu.memory_space<vmem>>, vector<512x128xf32>
      tpu.vector_store %arg3[%swap3A_19, %swap3A_20], %broadcast_in_dim3A_18 {strides = array<i32>} : memref<512x128xf32, #tpu.memory_space<vmem>>, vector<512x128xf32>,
    } else {
    }
    %iota3A = tpu.iota {dimensions = array<i32: 1>} : vector<1x512xi32>
    %get3A = arith.constant 0 : index
    %get3A_2 = arith.constant 0 : index
    %get3A_3 = vector.load %arg2[%get3A, %get3A_2] : memref<1000x1xi32, #tpu.memory_space<vmem>>, vector<1000x1xi32>
    %eq3A_4 = vector.broadcast %get3A_3 : vector<1000x1xi32> to vector<1000x512xi32>
    %eq3A_5 = vector.broadcast %iota3A : vector<1x512xi32> to vector<1000x512xi32>
    %eq3A_6 = arith.cmpi eq, %eq3A_4, %eq3A_5 : vector<1000x512xi32>
    %convert_element_type3A_7 = arith.extui %eq3A_6 : vector<1000x512xi1> to vector<1000x512xi32>
    %convert_element_type3A_8 = arith.sitofp %convert_element_type3A_7 : vector<1000x512xi32> to vector<1000x512xf32>
    %get3A_9 = arith.constant 0 : index
    %get3A_10 = arith.constant 0 : index
    %get3A_11 = vector.load %arg3[%get3A_9, %get3A_10] : memref<512x128xf32, #tpu.memory_space<vmem>>, vector<512x128xf32>
    %get3A_12 = arith.constant 0 : index
    %get3A_13 = arith.constant 0 : index
    %get3A_14 = vector.load %arg1[%get3A_12, %get3A_13] : memref<1000x128xf32, #tpu.memory_space<vmem>>, vector<1000x128xf32>
    %dot_general3A = arith.constant dense<0.000000e+00> : vector<512x128xf32>
    %dot_general3A_15 = tpu.matmul %convert_element_type3A_8, %get3A_14, %dot_general3A {dimension_numbers = #tpu.dot_dimension_numbers<[0], [0], [1], [1], [0, 1, 1, 1], [], []>, transpose_lhs_hint = false} : vector<1000x512xf32>, vector<1000x128xf32>, vector<512x128xf32> -> vector<512x128xf32>
    %add3A = arith.addf %get3A_11, %dot_general3A_15 : vector<512x128xf32>
    %swap3A = arith.constant 0 : index
    %swap3A_16 = arith.constant 0 : index
    %swap3A_17 = vector.load %arg3[%swap3A, %swap3A_16] : memref<512x128xf32, #tpu.memory_space<vmem>>, vector<512x128xf32>
    tpu.vector_store %arg3[%swap3A, %swap3A_16], %add3A {strides = array<i32>} : memref<512x128xf32, #tpu.memory_space<vmem>>, vector<512x128xf32>,
    return
  }
  func.func @transform_0(%arg0: i32) -> (i32, i32) {
    %c0_i32 = arith.constant 0 : i32
    %c0_i32_0 = arith.constant 0 : i32
    return %arg0, %c0_i32 : i32, i32
  }
  func.func @transform_1(%arg0: i32) -> (i32, i32) {
    %c0_i32 = arith.constant 0 : i32
    %c0_i32_0 = arith.constant 0 : i32
    return %arg0, %c0_i32 : i32, i32
  }
  func.func @transform_2(%arg0: i32) -> (i32, i32) {
    %c0_i32 = arith.constant 0 : i32
    %c0_i32_0 = arith.constant 0 : i32
    %c0_i32_1 = arith.constant 0 : i32
    return %c0_i32, %c0_i32_0 : i32, i32
  }
}

module attributes {stable_mosaic.version = 14 : i64} {
  func.func @_tc_mlp_body(%arg0: i32, %arg1: memref<1000x128xf32, #tpu.memory_space<vmem>>, %arg2: memref<1000x128xf32, #tpu.memory_space<vmem>>, %arg3: memref<1000x128xf32, #tpu.memory_space<vmem>>, %arg4: memref<1000x1xi32, #tpu.memory_space<vmem>>, %arg5: memref<512x128xf32, #tpu.memory_space<vmem>>, %arg6: memref<512x128xf32, #tpu.memory_space<vmem>>, %arg7: memref<1x128xf32, #tpu.memory_space<vmem>>, %arg8: memref<2x128x128xf32, #tpu.memory_space<vmem>>, %arg9: memref<2x128xf32, #tpu.memory_space<vmem>>, %arg10: memref<1x128xf32, #tpu.memory_space<vmem>>, %arg11: memref<1x1xf32, #tpu.memory_space<vmem>>, %arg12: memref<1000x128xf32, #tpu.memory_space<vmem>>) attributes {dimension_semantics = [#tpu.dimension_semantics<arbitrary>], iteration_bounds = array<i64: 10>, scalar_prefetch = 0 : i64, scratch_operands = 0 : i64, tpu.core_type = #tpu.core_type<tc>, window_params = [{transform_indices = @transform_0, window_bounds = array<i64: 1000, 128>}, {transform_indices = @transform_1, window_bounds = array<i64: 1000, 128>}, {transform_indices = @transform_2, window_bounds = array<i64: 1000, 128>}, {transform_indices = @transform_3, window_bounds = array<i64: 1000, 1>}, {pipeline_mode = #tpu.pipeline_mode<synchronous>, transform_indices = @transform_4, window_bounds = array<i64: 512, 128>}, {pipeline_mode = #tpu.pipeline_mode<synchronous>, transform_indices = @transform_5, window_bounds = array<i64: 512, 128>}, {pipeline_mode = #tpu.pipeline_mode<synchronous>, transform_indices = @transform_6, window_bounds = array<i64: 1, 128>}, {pipeline_mode = #tpu.pipeline_mode<synchronous>, transform_indices = @transform_7, window_bounds = array<i64: 2, 128, 128>}, {pipeline_mode = #tpu.pipeline_mode<synchronous>, transform_indices = @transform_8, window_bounds = array<i64: 2, 128>}, {pipeline_mode = #tpu.pipeline_mode<synchronous>, transform_indices = @transform_9, window_bounds = array<i64: 1, 128>}, {pipeline_mode = #tpu.pipeline_mode<synchronous>, transform_indices = @transform_10, window_bounds = array<i64: 1, 1>}, {transform_indices = @transform_11, window_bounds = array<i64: 1000, 128>}]} {
    %iota3A = tpu.iota {dimensions = array<i32: 1>} : vector<1x512xi32>
    %get3A = arith.constant 0 : index
    %get3A_0 = arith.constant 0 : index
    %get3A_1 = vector.load %arg4[%get3A, %get3A_0] : memref<1000x1xi32, #tpu.memory_space<vmem>>, vector<1000x1xi32>
    %eq3A = vector.broadcast %get3A_1 : vector<1000x1xi32> to vector<1000x512xi32>
    %eq3A_2 = vector.broadcast %iota3A : vector<1x512xi32> to vector<1000x512xi32>
    %eq3A_3 = arith.cmpi eq, %eq3A, %eq3A_2 : vector<1000x512xi32>
    %convert_element_type3A = arith.extui %eq3A_3 : vector<1000x512xi1> to vector<1000x512xi32>
    %convert_element_type3A_4 = arith.sitofp %convert_element_type3A : vector<1000x512xi32> to vector<1000x512xf32>
    %get3A_5 = arith.constant 0 : index
    %get3A_6 = arith.constant 0 : index
    %get3A_7 = vector.load %arg5[%get3A_5, %get3A_6] : memref<512x128xf32, #tpu.memory_space<vmem>>, vector<512x128xf32>
    %dot_general3A = arith.constant dense<0.000000e+00> : vector<1000x128xf32>
    %dot_general3A_8 = tpu.matmul %convert_element_type3A_4, %get3A_7, %dot_general3A {dimension_numbers = #tpu.dot_dimension_numbers<[1], [0], [0], [1], [0, 0, 1, 1], [], []>, transpose_lhs_hint = false} : vector<1000x512xf32>, vector<512x128xf32>, vector<1000x128xf32> -> vector<1000x128xf32>
    %get3A_9 = arith.constant 0 : index
    %get3A_10 = arith.constant 0 : index
    %get3A_11 = vector.load %arg1[%get3A_9, %get3A_10] : memref<1000x128xf32, #tpu.memory_space<vmem>>, vector<1000x128xf32>
    %get3A_12 = arith.constant 0 : index
    %get3A_13 = arith.constant 0 : index
    %get3A_14 = vector.load %arg2[%get3A_12, %get3A_13] : memref<1000x128xf32, #tpu.memory_space<vmem>>, vector<1000x128xf32>
    %get3A_15 = arith.constant 0 : index
    %get3A_16 = arith.constant 0 : index
    %get3A_17 = vector.load %arg3[%get3A_15, %get3A_16] : memref<1000x128xf32, #tpu.memory_space<vmem>>, vector<1000x128xf32>
    %concatenate3A = tpu.concatenate %get3A_11, %get3A_14, %get3A_17, %dot_general3A_8 in 1 : vector<1000x128xf32>, vector<1000x128xf32>, vector<1000x128xf32>, vector<1000x128xf32> -> vector<1000x512xf32>
    %get3A_18 = arith.constant 0 : index
    %get3A_19 = arith.constant 0 : index
    %get3A_20 = vector.load %arg6[%get3A_18, %get3A_19] : memref<512x128xf32, #tpu.memory_space<vmem>>, vector<512x128xf32>
    %dot_general3A_21 = arith.constant dense<0.000000e+00> : vector<1000x128xf32>
    %dot_general3A_22 = tpu.matmul %concatenate3A, %get3A_20, %dot_general3A_21 {dimension_numbers = #tpu.dot_dimension_numbers<[1], [0], [0], [1], [0, 0, 1, 1], [], []>, transpose_lhs_hint = false} : vector<1000x512xf32>, vector<512x128xf32>, vector<1000x128xf32> -> vector<1000x128xf32>
    %get3A_23 = arith.constant 0 : index
    %get3A_24 = arith.constant 0 : index
    %get3A_25 = vector.load %arg7[%get3A_23, %get3A_24] : memref<1x128xf32, #tpu.memory_space<vmem>>, vector<1x128xf32>
    %get3A_26 = vector.shape_cast %get3A_25 : vector<1x128xf32> to vector<128xf32>
    %broadcast_in_dim3A = vector.shape_cast %get3A_26 : vector<128xf32> to vector<1x128xf32>
    %add3A = vector.broadcast %broadcast_in_dim3A : vector<1x128xf32> to vector<1000x128xf32>
    %add3A_27 = arith.addf %dot_general3A_22, %add3A : vector<1000x128xf32>
    %get3A_28 = arith.constant 0 : index
    %get3A_29 = arith.constant 0 : index
    %get3A_30 = arith.constant 0 : index
    %get3A_31 = vector.load %arg8[%get3A_28, %get3A_29, %get3A_30] : memref<2x128x128xf32, #tpu.memory_space<vmem>>, vector<1x128x128xf32>
    %get3A_32 = vector.shape_cast %get3A_31 : vector<1x128x128xf32> to vector<128x128xf32>
    %dot_general3A_33 = arith.constant dense<0.000000e+00> : vector<1000x128xf32>
    %dot_general3A_34 = tpu.matmul %add3A_27, %get3A_32, %dot_general3A_33 {dimension_numbers = #tpu.dot_dimension_numbers<[1], [0], [0], [1], [0, 0, 1, 1], [], []>, transpose_lhs_hint = false} : vector<1000x128xf32>, vector<128x128xf32>, vector<1000x128xf32> -> vector<1000x128xf32>
    %get3A_35 = arith.constant 0 : index
    %get3A_36 = arith.constant 0 : index
    %get3A_37 = vector.load %arg9[%get3A_35, %get3A_36] : memref<2x128xf32, #tpu.memory_space<vmem>>, vector<1x128xf32>
    %get3A_38 = vector.shape_cast %get3A_37 : vector<1x128xf32> to vector<128xf32>
    %broadcast_in_dim3A_39 = vector.shape_cast %get3A_38 : vector<128xf32> to vector<1x128xf32>
    %add3A_40 = vector.broadcast %broadcast_in_dim3A_39 : vector<1x128xf32> to vector<1000x128xf32>
    %add3A_41 = arith.addf %dot_general3A_34, %add3A_40 : vector<1000x128xf32>
    %ge3A = arith.constant 0.000000e+00 : f32
    %ge3A_42 = vector.broadcast %ge3A : f32 to vector<1000x128xf32>
    %ge3A_43 = arith.cmpf oge, %add3A_41, %ge3A_42 : vector<1000x128xf32>
    %mul3A = arith.constant 0.00999999977 : f32
    %mul3A_44 = vector.broadcast %mul3A : f32 to vector<1000x128xf32>
    %mul3A_45 = arith.mulf %mul3A_44, %add3A_41 : vector<1000x128xf32>
    %select_n3A = arith.select %ge3A_43, %add3A_41, %mul3A_45 : vector<1000x128xi1>, vector<1000x128xf32>
    %get3A_46 = arith.constant 1 : index
    %get3A_47 = arith.constant 0 : index
    %get3A_48 = arith.constant 0 : index
    %get3A_49 = vector.load %arg8[%get3A_46, %get3A_47, %get3A_48] : memref<2x128x128xf32, #tpu.memory_space<vmem>>, vector<1x128x128xf32>
    %get3A_50 = vector.shape_cast %get3A_49 : vector<1x128x128xf32> to vector<128x128xf32>
    %dot_general3A_51 = arith.constant dense<0.000000e+00> : vector<1000x128xf32>
    %dot_general3A_52 = tpu.matmul %select_n3A, %get3A_50, %dot_general3A_51 {dimension_numbers = #tpu.dot_dimension_numbers<[1], [0], [0], [1], [0, 0, 1, 1], [], []>, transpose_lhs_hint = false} : vector<1000x128xf32>, vector<128x128xf32>, vector<1000x128xf32> -> vector<1000x128xf32>
    %get3A_53 = arith.constant 1 : index
    %get3A_54 = arith.constant 0 : index
    %get3A_55 = vector.load %arg9[%get3A_53, %get3A_54] : memref<2x128xf32, #tpu.memory_space<vmem>>, vector<1x128xf32>
    %get3A_56 = vector.shape_cast %get3A_55 : vector<1x128xf32> to vector<128xf32>
    %broadcast_in_dim3A_57 = vector.shape_cast %get3A_56 : vector<128xf32> to vector<1x128xf32>
    %add3A_58 = vector.broadcast %broadcast_in_dim3A_57 : vector<1x128xf32> to vector<1000x128xf32>
    %add3A_59 = arith.addf %dot_general3A_52, %add3A_58 : vector<1000x128xf32>
    %ge3A_60 = arith.constant 0.000000e+00 : f32
    %ge3A_61 = vector.broadcast %ge3A_60 : f32 to vector<1000x128xf32>
    %ge3A_62 = arith.cmpf oge, %add3A_59, %ge3A_61 : vector<1000x128xf32>
    %mul3A_63 = arith.constant 0.00999999977 : f32
    %mul3A_64 = vector.broadcast %mul3A_63 : f32 to vector<1000x128xf32>
    %mul3A_65 = arith.mulf %mul3A_64, %add3A_59 : vector<1000x128xf32>
    %select_n3A_66 = arith.select %ge3A_62, %add3A_59, %mul3A_65 : vector<1000x128xi1>, vector<1000x128xf32>
    %get3A_67 = arith.constant 0 : index
    %get3A_68 = arith.constant 0 : index
    %get3A_69 = vector.load %arg10[%get3A_67, %get3A_68] : memref<1x128xf32, #tpu.memory_space<vmem>>, vector<1x128xf32>
    %reshape3A = vector.shape_cast %get3A_69 : vector<1x128xf32> to vector<128x1xf32>
    %dot_general3A_70 = arith.constant dense<0.000000e+00> : vector<1000x1xf32>
    %dot_general3A_71 = tpu.matmul %select_n3A_66, %reshape3A, %dot_general3A_70 {dimension_numbers = #tpu.dot_dimension_numbers<[1], [0], [0], [1], [0, 0, 1, 1], [], []>, transpose_lhs_hint = false} : vector<1000x128xf32>, vector<128x1xf32>, vector<1000x1xf32> -> vector<1000x1xf32>
    %get3A_72 = arith.constant 0 : index
    %get3A_73 = arith.constant 0 : index
    %get3A_74 = vector.load %arg11[%get3A_72, %get3A_73] : memref<1x1xf32, #tpu.memory_space<vmem>>, vector<1x1xf32>
    %get3A_75 = vector.extract %get3A_74[0, 0] : f32 from vector<1x1xf32>
    %add3A_76 = vector.broadcast %get3A_75 : f32 to vector<1000x1xf32>
    %add3A_77 = arith.addf %dot_general3A_71, %add3A_76 : vector<1000x1xf32>
    %logistic3A = arith.negf %add3A_77 : vector<1000x1xf32>
    %logistic3A_78 = math.exp %logistic3A : vector<1000x1xf32>
    %logistic3A_79 = arith.constant 1.000000e+00 : f32
    %logistic3A_80 = vector.broadcast %logistic3A_79 : f32 to vector<1000x1xf32>
    %logistic3A_81 = arith.addf %logistic3A_80, %logistic3A_78 : vector<1000x1xf32>
    %logistic3A_82 = arith.divf %logistic3A_80, %logistic3A_81 : vector<1000x1xf32>
    %broadcast_in_dim3A_83 = vector.shape_cast %logistic3A_82 : vector<1000x1xf32> to vector<1000x1xf32>
    %broadcast_in_dim3A_84 = vector.broadcast %broadcast_in_dim3A_83 : vector<1000x1xf32> to vector<1000x128xf32>
    %swap3A = arith.constant 0 : index
    %swap3A_85 = arith.constant 0 : index
    %swap3A_86 = vector.load %arg12[%swap3A, %swap3A_85] : memref<1000x128xf32, #tpu.memory_space<vmem>>, vector<1000x128xf32>
    tpu.vector_store %arg12[%swap3A, %swap3A_85], %broadcast_in_dim3A_84 {strides = array<i32>} : memref<1000x128xf32, #tpu.memory_space<vmem>>, vector<1000x128xf32>,
    return
  }
  func.func @transform_0(%arg0: i32) -> (i32, i32) {
    %c0_i32 = arith.constant 0 : i32
    %c0_i32_0 = arith.constant 0 : i32
    return %arg0, %c0_i32 : i32, i32
  }
  func.func @transform_1(%arg0: i32) -> (i32, i32) {
    %c0_i32 = arith.constant 0 : i32
    %c0_i32_0 = arith.constant 0 : i32
    return %arg0, %c0_i32 : i32, i32
  }
  func.func @transform_2(%arg0: i32) -> (i32, i32) {
    %c0_i32 = arith.constant 0 : i32
    %c0_i32_0 = arith.constant 0 : i32
    return %arg0, %c0_i32 : i32, i32
  }
  func.func @transform_3(%arg0: i32) -> (i32, i32) {
    %c0_i32 = arith.constant 0 : i32
    %c0_i32_0 = arith.constant 0 : i32
    return %arg0, %c0_i32 : i32, i32
  }
  func.func @transform_4(%arg0: i32) -> (i32, i32) {
    %c0_i32 = arith.constant 0 : i32
    %c0_i32_0 = arith.constant 0 : i32
    %c0_i32_1 = arith.constant 0 : i32
    return %c0_i32, %c0_i32_0 : i32, i32
  }
  func.func @transform_5(%arg0: i32) -> (i32, i32) {
    %c0_i32 = arith.constant 0 : i32
    %c0_i32_0 = arith.constant 0 : i32
    %c0_i32_1 = arith.constant 0 : i32
    return %c0_i32, %c0_i32_0 : i32, i32
  }
  func.func @transform_6(%arg0: i32) -> (i32, i32) {
    %c0_i32 = arith.constant 0 : i32
    %c0_i32_0 = arith.constant 0 : i32
    %c0_i32_1 = arith.constant 0 : i32
    return %c0_i32, %c0_i32_0 : i32, i32
  }
  func.func @transform_7(%arg0: i32) -> (i32, i32, i32) {
    %c0_i32 = arith.constant 0 : i32
    %c0_i32_0 = arith.constant 0 : i32
    %c0_i32_1 = arith.constant 0 : i32
    %c0_i32_2 = arith.constant 0 : i32
    return %c0_i32, %c0_i32_0, %c0_i32_1 : i32, i32, i32
  }
  func.func @transform_8(%arg0: i32) -> (i32, i32) {
    %c0_i32 = arith.constant 0 : i32
    %c0_i32_0 = arith.constant 0 : i32
    %c0_i32_1 = arith.constant 0 : i32
    return %c0_i32, %c0_i32_0 : i32, i32
  }
  func.func @transform_9(%arg0: i32) -> (i32, i32) {
    %c0_i32 = arith.constant 0 : i32
    %c0_i32_0 = arith.constant 0 : i32
    %c0_i32_1 = arith.constant 0 : i32
    return %c0_i32, %c0_i32_0 : i32, i32
  }
  func.func @transform_10(%arg0: i32) -> (i32, i32) {
    %c0_i32 = arith.constant 0 : i32
    %c0_i32_0 = arith.constant 0 : i32
    %c0_i32_1 = arith.constant 0 : i32
    return %c0_i32, %c0_i32_0 : i32, i32
  }
  func.func @transform_11(%arg0: i32) -> (i32, i32) {
    %c0_i32 = arith.constant 0 : i32
    %c0_i32_0 = arith.constant 0 : i32
    return %arg0, %c0_i32 : i32, i32
  }
}

</mosaic_0001>

<sc_bundles>
// kernel: kernel.11.cloned.1.call-start
scs
__scs_entry_jumppad:
0x0: {  	(pc) =	sbr.rel $0x88, $3  }
0x1: {  	(tag) =	ssettag $0x0;
	lr =	simm.s32 $0x1  }
0x2: {  	[smem:$0x3F95] =	sst lr;
	_ =	strace $0xD0000000  }
0x3: {  	_ = 	snop  }
0x4: {  	_ = 	snop  }
0x5: {  	_ = 	snop  }
0x6: {  	_ = 	snop  }
0x7: {  	_ = 	snop  }
__scs_overlays_trampoline_lowered:
0x8: {  	[smem:$0x3FA4] =	sst s0  }
0x9: {  	[smem:$0x3FA5] =	sst s1  }
0xa: {  	[smem:$0x3FA6] =	sst s2  }
0xb: {  	[smem:$0x3FA7] =	sst s3  }
0xc: {  	[smem:$0x3FA8] =	sst s4  }
0xd: {  	[smem:$0x3FA9] =	sst s5  }
0xe: {  	[smem:$0x3FAA] =	sst s6  }
0xf: {  	[smem:$0x3FAB] =	sst s7  }
0x10: {  	[smem:$0x3FAC] =	sst s8  }
0x11: {  	[smem:$0x3FAD] =	sst s9;
	s0 =	simm.s32 @!p0 $0x0  }
0x12: {  	s1 =	sld [smem:$0x3F93];
	s0 =	simm.s32 @p0 $0x1  }
0x13: {  	[smem:$0x3FAE] =	sst s0;
	s0 =	simm.s32 @!p1 $0x0  }
0x14: {  	s2 =	sld [smem:$0x3F92];
	s0 =	simm.s32 @p1 $0x1  }
0x15: {  	[smem:$0x3FAF] =	sst s0;
	s0 =	simm.s32 @!p2 $0x0  }
0x16: {  	s3 =	sld [smem:$0x3FDB];
	s0 =	simm.s32 @p2 $0x1  }
0x17: {  	s4 =	simm.s32 $0x1BF5;
	[smem:$0x3FB1] =	sst s0  }
0x18: {  	s0 =	sld [smem:$0x3F94];
	_ =	swait.ge [sflag:s4], $0x0  }
0x19: {  	s7 =	sld [smem:$0x3F95]  }
0x1a: {  	s8 =	sadd.s32 $0xFFFFE003, lr  }
0x1b: {  	s9 =	sadd.s32 $0xFFFFFEF7, lr;
	s5 =	simm.s32 $0xFFFFFFFF;
	p2 =	slt.u32 s8, $0xFFFFF086  }
0x1c: {  	p1 =	slt.u32 s9, $0xF7A;
	s5 =	simm.s32 @!p2 $0x0  }
0x1d: {  	s5 =	simm.s32 @p1 $0x1;
	p0 =	seq.s32 s7, s2  }
0x1e: {  	s7 =	smul.u32 @!p0 $0xF7A, s2;
	p2 =	seq.s32 @!p0 s5, $0x0  }
0x1f: {  	s9 =	smul.u32 $0xF7A, s1;
	s8 =	simm.s32 @!p0 $0x1BF5;
	p2 =	por !p2, p0  }
0x20: {  	[sflag:s8] =	ssyncset.s32 @!p0 $0xFFFFF086;
	s6 =	sadd.s32 @!p0 s3, s7;
	s7 =	simm.s32 @!p0 $0x108  }
0x21: {  	s3 =	sadd.s32 s3, s9;
	s6 =	sadd.s32 @!p0 $0x88, s6;
	s7 =	simm.s32 @p2 $0x1082  }
0x22: {  	[simem:s7], [sflag:s8] =	dma.local @!p0 [hbm:s6], $0xF7A  }
0x23: {  	s9 =	sor.u32 $0xD0000000, s2;
	s6 =	simm.s32 $0x108;
	_ =	swait.ge @!p0 [sflag:s8], $0x0  }
0x24: {  	s3 =	sadd.s32 $0x88, s3;
	s6 =	simm.s32 @!p1 $0x1082;
	[sflag:s4] =	ssyncset.s32 $0xFFFFF086  }
0x25: {  	[simem:s6], [sflag:s4] =	dma.local [hbm:s3], $0xF7A  }
0x26: {  	[smem:$0x3F95] =	sst s1;
	(tag) =	ssettag s2;
	_ =	strace s9  }
0x27: {  	s1 =	sld [smem:$0x3FA5]  }
0x28: {  	s2 =	sld [smem:$0x3FA6]  }
0x29: {  	s4 =	sld [smem:$0x3FA8]  }
0x2a: {  	p0 =	seq.s32 s5, $0x0;
	s5 =	sld [smem:$0x3FA9]  }
0x2b: {  	s6 =	sld [smem:$0x3FAA]  }
0x2c: {  	s7 =	sld [smem:$0x3FAB]  }
0x2d: {  	s3 =	simm.s32 $0x108;
	s8 =	sld [smem:$0x3FAC]  }
0x2e: {  	s3 =	simm.s32 @!p0 $0x1082;
	s9 =	sld [smem:$0x3FAD]  }
0x2f: {  	lr =	sadd.s32 s0, s3;
	s0 =	sld [smem:$0x3FA4]  }
0x30: {  	s3 =	sld [smem:$0x3FA7]  }
0x31: {  	[smem:$0x3FB0] =	sst s10  }
0x32: {  	s10 =	sld [smem:$0x3FAE];
	_ =	sdelay $0x3  }
0x33: {  	p0 =	seq.s32 s10, $0x1;
	s10 =	sld [smem:$0x3FB0];
	_ =	sdelay $0x3  }
0x34: {  	[smem:$0x3FB0] =	sst s10  }
0x35: {  	s10 =	sld [smem:$0x3FAF];
	_ =	sdelay $0x3  }
0x36: {  	p1 =	seq.s32 s10, $0x1;
	s10 =	sld [smem:$0x3FB0];
	_ =	sdelay $0x3  }
0x37: {  	[smem:$0x3FB0] =	sst s10  }
0x38: {  	s10 =	sld [smem:$0x3FB1]  }
0x39: {  	_ = 	snop;
	(pc) =	sbr.ind lr, $3  }
0x3a: {  	_ = 	snop  }
0x3b: {  	_ = 	snop  }
0x3c: {  	p2 =	seq.s32 s10, $0x1;
	s10 =	sld [smem:$0x3FB0]  }
0x3d: {  	_ =	shalt  }
0x3e: {  	_ =	shalt  }
0x3f: {  	_ =	shalt  }
0x40: {  	_ =	shalt  }
0x41: {  	_ =	shalt  }
0x42: {  	_ =	shalt  }
0x43: {  	_ =	shalt  }
0x44: {  	_ =	shalt  }
0x45: {  	_ =	shalt  }
0x46: {  	_ =	shalt  }
0x47: {  	_ =	shalt  }
0x48: {  	_ =	shalt  }
0x49: {  	_ =	shalt  }
0x4a: {  	_ =	shalt  }
0x4b: {  	_ =	shalt  }
0x4c: {  	_ =	shalt  }
0x4d: {  	_ =	shalt  }
0x4e: {  	_ =	shalt  }
0x4f: {  	_ =	shalt  }
0x50: {  	_ =	shalt  }
0x51: {  	_ =	shalt  }
0x52: {  	_ =	shalt  }
0x53: {  	_ =	shalt  }
0x54: {  	_ =	shalt  }
0x55: {  	_ =	shalt  }
0x56: {  	_ =	shalt  }
0x57: {  	_ =	shalt  }
0x58: {  	_ =	shalt  }
0x59: {  	_ =	shalt  }
0x5a: {  	_ =	shalt  }
0x5b: {  	_ =	shalt  }
0x5c: {  	_ =	shalt  }
0x5d: {  	_ =	shalt  }
0x5e: {  	_ =	shalt  }
0x5f: {  	_ =	shalt  }
0x60: {  	_ =	shalt  }
0x61: {  	_ =	shalt  }
0x62: {  	_ =	shalt  }
0x63: {  	_ =	shalt  }
0x64: {  	_ =	shalt  }
0x65: {  	_ =	shalt  }
0x66: {  	_ =	shalt  }
0x67: {  	_ =	shalt  }
0x68: {  	_ =	shalt  }
0x69: {  	_ =	shalt  }
0x6a: {  	_ =	shalt  }
0x6b: {  	_ =	shalt  }
0x6c: {  	_ =	shalt  }
0x6d: {  	_ =	shalt  }
0x6e: {  	_ =	shalt  }
0x6f: {  	_ =	shalt  }
0x70: {  	_ =	shalt  }
0x71: {  	_ =	shalt  }
0x72: {  	_ =	shalt  }
0x73: {  	_ =	shalt  }
0x74: {  	_ =	shalt  }
0x75: {  	_ =	shalt  }
0x76: {  	_ =	shalt  }
0x77: {  	_ =	shalt  }
0x78: {  	_ =	shalt  }
0x79: {  	_ =	shalt  }
0x7a: {  	_ =	shalt  }
0x7b: {  	_ =	shalt  }
0x7c: {  	_ =	shalt  }
0x7d: {  	_ =	shalt  }
0x7e: {  	_ =	shalt  }
0x7f: {  	_ =	shalt  }
0x80: {  	_ =	shalt  }
0x81: {  	_ =	shalt  }
0x82: {  	_ =	shalt  }
0x83: {  	_ =	shalt  }
0x84: {  	_ =	shalt  }
0x85: {  	_ =	shalt  }
0x86: {  	_ =	shalt  }
0x87: {  	_ =	shalt  }
.Lfunc_end0:
.L_simem_size_0:
called_computation_lowered:
.L_overlay_start_0:
0x88: {  	s2 =	sld [smem:$0x3FD9]  }
0x89: {  	s3 =	sld [smem:$0x3FFE];
	_ =	sdelay $0x1  }
0x8a: {  	s1 =	srdreg.scid  }
0x8b: {  	s0 =	sand.u32 $0x1, s1  }
0x8c: {  	s17 =	sshll.u32 s0, $0xA;
	s2 =	sadd.s32 s3, s2  }
0x8d: {  	s2 =	sadd.s32 s2, s17  }
0x8e: {  	[smem:$0x3FBC] =	sst s2  }
0x8f: {  	_ = 	snop  }
0x90: {  	(tm) =	ssettm $0x1  }
0x91: {  	s18 =	sld [smem:$0x3FFB];
	_ =	sdelay $0x3  }
0x92: {  	_ =	strace s18  }
0x93: {  	s2 =	sld [smem:$0x3FFC];
	_ =	sdelay $0x3  }
0x94: {  	_ =	strace s2  }
0x95: {  	s2 =	sld [smem:$0x3FFD];
	_ =	sdelay $0x3  }
0x96: {  	_ =	strace s2  }
0x97: {  	_ =	strace $0x8FFFFFFF  }
0x98: {  	s19 =	sld [smem:$0x3FDB];
	_ =	sdelay $0x1  }
0x99: {  	s20 =	simm.s32 $_scs_section_size  }
0x9a: {  	s4 =	simm.s32 $_size__tile_overlayer_lowered;
	s5 =	simm.s32 $_tile_overlayer_lowered  }
0x9b: {  	s6 =	simm.s32 $0x1BFF;
	s21 =	sshll.u32 s5, $0x1;
	s3 =	sadd.s32 s20, s19  }
0x9c: {  	s22 =	simm.s32 $0x0;
	s4 =	sshll.u32 s4, $0x1;
	s5 =	sadd.s32 s21, s3  }
0x9d: {  	[timem:s22], [sflag:s6] =	dma.local [hbm:s5], s4  }
0x9e: {  	_ =	swait.ge [sflag:s6], s4  }
0x9f: {  	s4 =	ssub.s32 $0x0, s4;
	[sflag:s6] =	ssyncset.done $0x0  }
0xa0: {  	[sflag:s6] =	ssyncadd.s32 s4;
	_ =	sdelay $0x1  }
0xa1: {  	s23 =	simm.s32 $0x1B8B  }
0xa2: {  	_ =	swait.ge [sflag:s23], $0x1  }
0xa3: {  	[sflag:s23] =	ssyncset.done $0x0  }
0xa4: {  	[sflag:s23] =	ssyncadd.s32 $0xFFFFFFFF  }
0xa5: {  	s4 =	sld [smem:$0x0]  }
0xa6: {  	s5 =	sand.u32 $0xFFFFFFFE, s1  }
0xa7: {  	p0 =	sne.s32 s1, s5  }
0xa8: {  	s5 =	sshll.u32 @p0 s5, $0xE  }
0xa9: {  	s5 =	sadd.s32 @p0 $0x11B8D, s5;
	s6 =	sshll.u32 @p0 s4, $0x11  }
0xaa: {  	s5 =	sor.u32 @p0 s6, s5  }
0xab: {  	[sflag:s5] =	ssyncadd.remote.s32 @p0 $0x1;
	_ =	sdelay $0x1  }
0xac: {  	s5 =	simm.s32 @p0 $0x1B8D  }
0xad: {  	_ =	swait.eq @p0 [sflag:s5], $0x1  }
0xae: {  	[sflag:s5] =	ssyncadd.s32 @p0 $0xFFFFFFFF  }
0xaf: {  	s6 =	sshll.u32 @!p0 s1, $0xE  }
0xb0: {  	s6 =	sor.u32 @!p0 $0x4000, s6;
	s5 =	simm.s32 @!p0 $0x1B8D  }
0xb1: {  	s4 =	sshll.u32 @!p0 s4, $0x11;
	s6 =	sadd.s32 @!p0 $0x11B8D, s6;
	_ =	swait.eq @!p0 [sflag:s5], $0x1  }
0xb2: {  	s4 =	sor.u32 @!p0 s4, s6;
	[sflag:s5] =	ssyncadd.s32 @!p0 $0xFFFFFFFF  }
0xb3: {  	s25 =	simm.s32 $0x1B8E;
	s24 =	sld [smem:$0x3FFE];
	[sflag:s4] =	ssyncadd.remote.s32 @!p0 $0x1  }
0xb4: {  	s26 =	simm.s32 $execute0_lowered;
	[smem:$0x3FD2] =	sst s25  }
0xb5: {  	s5 =	sshll.u32 s26, $0x1;
	_ =	strace $0x80000049;
	[dreg:$0x1] =	wrdreg $0xFFFFFFFF  }
0xb6: {  	s28 =	simm.s32 $_size_execute0_lowered;
	s3 =	sadd.s32 s3, s5;
	[dreg:$0x0] =	wrdreg $0x0  }
0xb7: {  	s5 =	sshll.u32 s28, $0x1;
	[dreg:$0x2] =	wrdreg s3  }
0xb8: {  	[dreg:$0x3] =	wrdreg s5  }
0xb9: {  	[dreg:$0x4] =	wrdreg $0xC0  }
0xba: {  	_ =	task [dreg:s22], $0x5FFFF  }
0xbb: {  	[dreg:$0x1] =	wrdreg $0xFFFFFFFF  }
0xbc: {  	[dreg:$0x0] =	wrdreg $0x60  }
0xbd: {  	[dreg:$0x2] =	wrdreg s24  }
0xbe: {  	[dreg:$0x3] =	wrdreg $0x2A000  }
0xbf: {  	[dreg:$0x4] =	wrdreg $0x9  }
0xc0: {  	_ =	task.clear_ibuf [dreg:s22], $0x5FFFF;
	_ =	strace $0x90000049  }
0xc1: {  	s29 =	simm.s32 $0x9;
	_ =	strace $0x8000004B  }
0xc2: {  	_ =	swait.ge [sflag:s29], $0x1  }
0xc3: {  	[sflag:s29] =	ssyncadd.s32 $0xFFFFFFFF  }
0xc4: {  	_ =	strace $0x9000004B  }
0xc5: {  	_ =	sfence  }
0xc6: {  	s30 =	sld [smem:$0x0];
	_ =	sdelay $0x2  }
0xc7: {  	s31 =	sshll.u32 s1, $0xD;
	s1 =	sshrl.u32 s1, $0x2  }
0xc8: {  	s4 =	sand.u32 $0x4000, s31;
	s1 =	sadd.s32 s1, s30  }
0xc9: {  	s0 =	sor.u32 s4, s0;
	s1 =	sshll.u32 s1, $0x11  }
0xca: {  	s0 =	sor.u32 s1, s0  }
0xcb: {  	s0 =	sadd.s32 $0x8F2B, s0  }
0xcc: {  	[sflag:s0] =	ssyncadd.remote.s32 $0x1  }
0xcd: {  	_ =	sfence.sel $0xFFFF  }
0xce: {  	[dreg:$0x0] =	wrdreg $0xFFFFFFFF;
	(pc) =	sbr.abs _section_cstart, $3  }
0xcf: {  	[dreg:$0x1] =	wrdreg $0xFFFFFFFF  }
0xd0: {  	_ =	task.clear_ibuf [dreg:s22], $0x2FFFF;
	_ =	strace $0x9FFFFFFF  }
0xd1: {  	(tm) =	ssettm $0x7FFFFFFF  }
tec
execute0_lowered:
.L_overlay_start_1:
0x0: {  	(tag) =	ssettag $0x1  }
0x1: {  	s0 =	rddreg [dreg:$0x0]  }
0x2: {  	s2 =	rddreg [dreg:$0x1];
	s1 =	stileid.u32  }
0x3: {  	s4 =	srdreg.scid;
	s3 =	simm.s32 $0x0;
	s20 =	simm.s32 $0x3  }
0x4: {  	s21 =	simm.s32 $0x200;
	s22 =	simm.s32 $0x80;
	s23 =	simm.s32 $0x100  }
0x5: {  	s28 =	simm.s32 $0x2;
	s29 =	simm.s32 $0x0;
	s6 =	smul.u32 $0x14000, s1  }
0x6: {  	s9 =	sand.u32 $0x1, s4;
	[smem:$0x7FF] =	sst s3;
	s24 =	smul.u32 $0x50000, s1  }
0x7: {  	s4 =	sadd.s32 $0x3A00, s0;
	s10 =	sshll.u32 s1, $0x1;
	s14 =	smul.u32 $0x4E20, s1  }
0x8: {  	s26 =	sshll.u32 s1, $0x6;
	s7 =	smul.u32 $0x140000, s9;
	_ =	strace $0x8000004A  }
0x9: {  	s25 =	ssub.s32 $0x2, s9;
	s10 =	sor.u32 s9, s10;
	s15 =	smul.u32 $0x2710, s9  }
0xa: {  	s5 =	sshrl.u32 s6, $0x3;
	s11 =	sshrl.u32 s25, $0x1;
	s10 =	smul.u32 $0x2710, s10  }
0xb: {  	s8 =	sadd.s32 s5, s0;
	s5 =	sadd.s32 $0x8F600, s0;
	s6 =	sadd.s32 s6, s7  }
0xc: {  	s7 =	sshrl.u32 s24, $0x2;
	s13 =	ssub.s32 s25, s11;
	s31 =	sadd.s32 s15, s14  }
0xd: {  	s24 =	simm.s32 $0x180;
	s25 =	simm.s32 $0x1;
	s6 =	sshrl.u32 s6, $0x3  }
0xe: {  	s19 =	sadd.s32 s7, s2;
	s30 =	sshrl.u32 s10, $0x3;
	s7 =	sor.u32 $0x1C03, s26  }
0xf: {  	s13 =	smax.u32 s13, $0x1;
	s15 =	sadd.s32 $0x230, s31;
	s16 =	sadd.s32 $0x1E0, s31  }
0x10: {  	s17 =	sadd.s32 $0x190, s31;
	s18 =	sadd.s32 $0x140, s31;
	s26 =	simm.s32 $0x50  }
0x11: {  	s0 =	sadd.s32 s6, s0;
	s6 =	sadd.s32 $0x17600, s8;
	s8 =	sadd.s32 s4, s30  }
0x12: {  	s15 =	sshrl.u32 s15, $0x3;
	s16 =	sshrl.u32 s16, $0x3;
	s17 =	sshrl.u32 s17, $0x3  }
0x13: {  	s19 =	sshrl.u32 s19, $0x3;
	s9 =	sadd.s32 $0xA, s8;
	s10 =	sadd.s32 $0x14, s8  }
0x14: {  	s11 =	sadd.s32 $0x1E, s8;
	s12 =	sadd.s32 $0x8FC00, s0;
	s14 =	sadd.s32 $0x4D8, s8  }
0x15: {  	s15 =	sadd.s32 s15, s4;
	s16 =	sadd.s32 s16, s4;
	s17 =	sadd.s32 s17, s4  }
.LBB2_1:
0x16: {  	[spmem:s19], [sflag:s7] =	dma.local [hbm:s6], $0x2800  }
0x17: {  	_ =	swait.ge [sflag:s20], $0x2800  }
0x18: {  	[sflag:s20] =	ssyncset.done $0x0  }
0x19: {  	[sflag:s20] =	ssyncadd.s32 $0xFFFFD800  }
0x1a: {  	[tilespmem:s21], [sflag:$0x3] =	stream.linear.gather [hbm4b:s5+s3], $0x2800, $0x38;
	[tilespmem:$0x16A00] =	vst v63  }
0x1b: {  	_ =	swait.ge [sflag:s20], $0x2800  }
0x1c: {  	[sflag:s20] =	ssyncset.done $0x0  }
0x1d: {  	[sflag:s20] =	ssyncadd.s32 $0xFFFFD800  }
0x1e: {  	[bflag:$0x0] =	sbarrier.arrive $0xFFFF  }
0x1f: {  	[tilespmem:s3], [sflag:$0x1] =	stream.linear.gather [hbm4b:s8+s3], $0x50, $0x38;
	[tilespmem:$0x16A00] =	vst v63  }
0x20: {  	_ = 	snop  }
0x21: {  	[tilespmem:s22], [sflag:$0x1] =	stream.linear.gather [hbm4b:s9+s3], $0x50, $0x38;
	[tilespmem:$0x16A00] =	vst v63  }
0x22: {  	_ = 	snop  }
0x23: {  	[tilespmem:s23], [sflag:$0x1] =	stream.linear.gather [hbm4b:s10+s3], $0x50, $0x38;
	[tilespmem:$0x16A00] =	vst v63  }
0x24: {  	_ = 	snop  }
0x25: {  	[tilespmem:s24], [sflag:$0x1] =	stream.linear.gather [hbm4b:s11+s3], $0x50, $0x38;
	[tilespmem:$0x16A00] =	vst v63  }
0x26: {  	_ =	swait.ge [sflag:s25], $0x50  }
0x27: {  	[sflag:s25] =	ssyncset.done $0x0  }
0x28: {  	[sflag:s25] =	ssyncadd.s32 $0xFFFFFFB0  }
0x29: {  	[spmem:s2] =	stream.indirect.scatter.add.f32 [tilespmem:s21], [sflag:$0x2], $0x80, s3, s26, $0xb8;
	[tilespmem:$0x16A00] =	vst v63  }
0x2a: {  	_ =	swait.ge [sflag:s25], $0x50  }
0x2b: {  	[sflag:s25] =	ssyncset.done $0x0  }
0x2c: {  	[sflag:s25] =	ssyncadd.s32 $0xFFFFFFB0  }
0x2d: {  	[spmem:s2] =	stream.indirect.scatter.add.f32 [tilespmem:s21], [sflag:$0x2], $0x80, s22, s26, $0xb8;
	[tilespmem:$0x16A00] =	vst v63  }
0x2e: {  	_ =	swait.ge [sflag:s25], $0x50  }
0x2f: {  	[sflag:s25] =	ssyncset.done $0x0  }
0x30: {  	[sflag:s25] =	ssyncadd.s32 $0xFFFFFFB0  }
0x31: {  	[spmem:s2] =	stream.indirect.scatter.add.f32 [tilespmem:s21], [sflag:$0x2], $0x80, s23, s26, $0xb8;
	[tilespmem:$0x16A00] =	vst v63  }
0x32: {  	_ =	swait.ge [sflag:s25], $0x50  }
0x33: {  	[sflag:s25] =	ssyncset.done $0x0  }
0x34: {  	[sflag:s25] =	ssyncadd.s32 $0xFFFFFFB0  }
0x35: {  	[spmem:s2] =	stream.indirect.scatter.add.f32 [tilespmem:s21], [sflag:$0x2], $0x80, s24, s26, $0xb8;
	[tilespmem:$0x16A00] =	vst v63  }
0x36: {  	_ =	swait.ge [sflag:s28], $0x2800  }
0x37: {  	s0 =	sshrl.u32 s18, $0x3;
	[sflag:s28] =	ssyncset.done $0x0  }
0x38: {  	s0 =	sadd.s32 s4, s0;
	[sflag:s28] =	ssyncadd.s32 $0xFFFFD800  }
0x39: {  	[tilespmem:s3], [sflag:$0x1] =	stream.linear.gather [hbm4b:s0+s3], $0x50, $0x38;
	[tilespmem:$0x16A00] =	vst v63  }
0x3a: {  	_ =	swait.ge [sflag:s28], $0x2800  }
0x3b: {  	[sflag:s28] =	ssyncset.done $0x0  }
0x3c: {  	s1 =	sadd.s32 $0x0, s17;
	[sflag:s28] =	ssyncadd.s32 $0xFFFFD800  }
0x3d: {  	[tilespmem:s22], [sflag:$0x1] =	stream.linear.gather [hbm4b:s1+s3], $0x50, $0x38;
	[tilespmem:$0x16A00] =	vst v63  }
0x3e: {  	_ =	swait.ge [sflag:s28], $0x2800  }
0x3f: {  	[sflag:s28] =	ssyncset.done $0x0  }
0x40: {  	s1 =	sadd.s32 $0x0, s16;
	[sflag:s28] =	ssyncadd.s32 $0xFFFFD800  }
0x41: {  	[tilespmem:s23], [sflag:$0x1] =	stream.linear.gather [hbm4b:s1+s3], $0x50, $0x38;
	[tilespmem:$0x16A00] =	vst v63  }
0x42: {  	_ =	swait.ge [sflag:s28], $0x2800  }
0x43: {  	s30 =	simm.s32 $0x28;
	[sflag:s28] =	ssyncset.done $0x0  }
0x44: {  	s31 =	sadd.s32 $0x140, s18;
	s0 =	sadd.s32 $0x0, s15;
	[sflag:s28] =	ssyncadd.s32 $0xFFFFD800  }
.LBB2_2:
0x45: {  	[tilespmem:s24], [sflag:$0x1] =	stream.linear.gather [hbm4b:s0+s3], $0x50, $0x38;
	[tilespmem:$0x16A00] =	vst v63  }
0x46: {  	s0 =	smov.u32 s30  }
0x47: {  	p0 =	sne.s32 s30, $0x488;
	s30 =	sadd.s32 $0x28, s30;
	_ =	swait.ge [sflag:s25], $0x50  }
0x48: {  	[sflag:s25] =	ssyncset.done $0x0  }
0x49: {  	[sflag:s25] =	ssyncadd.s32 $0xFFFFFFB0  }
0x4a: {  	[spmem:s2] =	stream.indirect.scatter.add.f32 [tilespmem:s21], [sflag:$0x2], $0x80, s3, s26, $0xb8;
	[tilespmem:$0x16A00] =	vst v63  }
0x4b: {  	_ =	swait.ge [sflag:s25], $0x50  }
0x4c: {  	[sflag:s25] =	ssyncset.done $0x0  }
0x4d: {  	[sflag:s25] =	ssyncadd.s32 $0xFFFFFFB0  }
0x4e: {  	[spmem:s2] =	stream.indirect.scatter.add.f32 [tilespmem:s21], [sflag:$0x2], $0x80, s22, s26, $0xb8;
	[tilespmem:$0x16A00] =	vst v63  }
0x4f: {  	_ =	swait.ge [sflag:s25], $0x50  }
0x50: {  	[sflag:s25] =	ssyncset.done $0x0  }
0x51: {  	[sflag:s25] =	ssyncadd.s32 $0xFFFFFFB0  }
0x52: {  	[spmem:s2] =	stream.indirect.scatter.add.f32 [tilespmem:s21], [sflag:$0x2], $0x80, s23, s26, $0xb8;
	[tilespmem:$0x16A00] =	vst v63  }
0x53: {  	_ =	swait.ge [sflag:s25], $0x50  }
0x54: {  	[sflag:s25] =	ssyncset.done $0x0  }
0x55: {  	[sflag:s25] =	ssyncadd.s32 $0xFFFFFFB0  }
0x56: {  	[spmem:s2] =	stream.indirect.scatter.add.f32 [tilespmem:s21], [sflag:$0x2], $0x80, s24, s26, $0xb8;
	[tilespmem:$0x16A00] =	vst v63  }
0x57: {  	_ =	swait.ge [sflag:s28], $0x2800  }
0x58: {  	s1 =	sshrl.u32 s31, $0x3;
	[sflag:s28] =	ssyncset.done $0x0  }
0x59: {  	s1 =	sadd.s32 s4, s1;
	[sflag:s28] =	ssyncadd.s32 $0xFFFFD800  }
0x5a: {  	[tilespmem:s3], [sflag:$0x1] =	stream.linear.gather [hbm4b:s1+s3], $0x50, $0x38;
	[tilespmem:$0x16A00] =	vst v63  }
0x5b: {  	_ =	swait.ge [sflag:s28], $0x2800  }
0x5c: {  	[sflag:s28] =	ssyncset.done $0x0  }
0x5d: {  	s1 =	sadd.s32 s0, s17;
	[sflag:s28] =	ssyncadd.s32 $0xFFFFD800  }
0x5e: {  	[tilespmem:s22], [sflag:$0x1] =	stream.linear.gather [hbm4b:s1+s3], $0x50, $0x38;
	[tilespmem:$0x16A00] =	vst v63  }
0x5f: {  	_ =	swait.ge [sflag:s28], $0x2800  }
0x60: {  	[sflag:s28] =	ssyncset.done $0x0  }
.Ltmp0:
0x61: {  	s1 =	sadd.s32 s0, s16;
	[sflag:s28] =	ssyncadd.s32 $0xFFFFD800;
	(pc) =	sbr.rel @p0 .LBB2_2-.Ltmp0, $4  }
0x62: {  	[tilespmem:s23], [sflag:$0x1] =	stream.linear.gather [hbm4b:s1+s3], $0x50, $0x38;
	[tilespmem:$0x16A00] =	vst v63  }
0x63: {  	_ =	swait.ge [sflag:s28], $0x2800  }
0x64: {  	[sflag:s28] =	ssyncset.done $0x0  }
0x65: {  	s31 =	sadd.s32 $0x140, s31;
	s0 =	sadd.s32 s0, s15;
	[sflag:s28] =	ssyncadd.s32 $0xFFFFD800  }
0x66: {  	[tilespmem:s24], [sflag:$0x1] =	stream.linear.gather [hbm4b:s0+s3], $0x50, $0x38;
	[tilespmem:$0x16A00] =	vst v63  }
0x67: {  	_ =	swait.ge [sflag:s25], $0x50  }
0x68: {  	[sflag:s25] =	ssyncset.done $0x0  }
0x69: {  	[sflag:s25] =	ssyncadd.s32 $0xFFFFFFB0  }
0x6a: {  	[spmem:s2] =	stream.indirect.scatter.add.f32 [tilespmem:s21], [sflag:$0x2], $0x80, s3, s26, $0xb8;
	[tilespmem:$0x16A00] =	vst v63  }
0x6b: {  	_ =	swait.ge [sflag:s25], $0x50  }
0x6c: {  	[sflag:s25] =	ssyncset.done $0x0  }
0x6d: {  	[sflag:s25] =	ssyncadd.s32 $0xFFFFFFB0  }
0x6e: {  	[spmem:s2] =	stream.indirect.scatter.add.f32 [tilespmem:s21], [sflag:$0x2], $0x80, s22, s26, $0xb8;
	[tilespmem:$0x16A00] =	vst v63  }
0x6f: {  	_ =	swait.ge [sflag:s25], $0x50  }
0x70: {  	[sflag:s25] =	ssyncset.done $0x0  }
0x71: {  	[sflag:s25] =	ssyncadd.s32 $0xFFFFFFB0  }
0x72: {  	[spmem:s2] =	stream.indirect.scatter.add.f32 [tilespmem:s21], [sflag:$0x2], $0x80, s23, s26, $0xb8;
	[tilespmem:$0x16A00] =	vst v63  }
0x73: {  	_ =	swait.ge [sflag:s25], $0x50  }
0x74: {  	[sflag:s25] =	ssyncset.done $0x0  }
0x75: {  	[sflag:s25] =	ssyncadd.s32 $0xFFFFFFB0  }
0x76: {  	[spmem:s2] =	stream.indirect.scatter.add.f32 [tilespmem:s21], [sflag:$0x2], $0x80, s24, s26, $0xb8;
	[tilespmem:$0x16A00] =	vst v63  }
0x77: {  	_ =	swait.ge [sflag:s28], $0x2800  }
0x78: {  	[sflag:s28] =	ssyncset.done $0x0  }
0x79: {  	[sflag:s28] =	ssyncadd.s32 $0xFFFFD800  }
0x7a: {  	[tilespmem:s3], [sflag:$0x1] =	stream.linear.gather [hbm4b:s14+s3], $0x50, $0x38;
	[tilespmem:$0x16A00] =	vst v63  }
0x7b: {  	_ =	swait.ge [sflag:s28], $0x2800  }
0x7c: {  	[sflag:s28] =	ssyncset.done $0x0  }
0x7d: {  	[sflag:s28] =	ssyncadd.s32 $0xFFFFD800  }
0x7e: {  	_ =	swait.ge [sflag:s28], $0x2800  }
0x7f: {  	[sflag:s28] =	ssyncset.done $0x0  }
0x80: {  	[sflag:s28] =	ssyncadd.s32 $0xFFFFD800  }
0x81: {  	_ =	swait.ge [sflag:s28], $0x2800  }
0x82: {  	[sflag:s28] =	ssyncset.done $0x0  }
0x83: {  	[sflag:s28] =	ssyncadd.s32 $0xFFFFD800  }
0x84: {  	_ =	swait.ge [sflag:s25], $0x50  }
0x85: {  	[sflag:s25] =	ssyncset.done $0x0  }
0x86: {  	[sflag:s25] =	ssyncadd.s32 $0xFFFFFFB0  }
0x87: {  	[spmem:s2] =	stream.indirect.scatter.add.f32 [tilespmem:s21], [sflag:$0x2], $0x80, s3, s26, $0xb8;
	[tilespmem:$0x16A00] =	vst v63  }
0x88: {  	_ =	swait.ge [sflag:s28], $0x2800  }
0x89: {  	s29 =	sadd.s32 $0x1, s29;
	[sflag:s28] =	ssyncset.done $0x0  }
0x8a: {  	p0 =	sne.s32 s29, s13;
	[sflag:s28] =	ssyncadd.s32 $0xFFFFD800  }
.Ltmp1:
0x8b: {  	[bflag:$0x0] =	sbarrier.arrive $0xFFFF;
	(pc) =	sbr.rel @p0 .LBB2_1-.Ltmp1, $4  }
0x8c: {  	[hbm:s12], [sflag:s7] =	dma.local [spmem:s19], $0x2800  }
0x8d: {  	_ =	swait.ge [sflag:s20], $0x2800  }
0x8e: {  	[sflag:s20] =	ssyncset.done $0x0  }
0x8f: {  	[sflag:s20] =	ssyncadd.s32 $0xFFFFD800  }
0x90: {  	_ =	sfence.sel $0x180000  }
0x91: {  	[bflag:$0x0] =	sbarrier.arrive $0xFFFF  }
0x92: {  	_ =	strace $0x9000004A  }
0x93: {  	s0 =	stileid.u32;
	[bflag:$0x2] =	sbarrier.arrive $0xFFFF  }
0x94: {  	p0 =	sne.s32 s0, $0x0;
	s0 =	rddreg [dreg:$0x2]  }
0x95: {  	s0 =	sadd.s32 @!p0 $0x100000, s0  }
0x96: {  	[sflag:s0] =	ssyncadd.tile.s32 @!p0 $0x1;
	_ =	shalt  }
.Lfunc_end2:
_tile_overlayer_lowered:
.L_overlay_start_2:
0x97: {  	(tag) =	ssettag $0x2  }
0x98: {  	s0 =	rddreg [dreg:$0x0];
	s2 =	stileid.u32  }
0x99: {  	s1 =	rddreg [dreg:$0x1];
	p0 =	sne.s32 s2, $0x0  }
0x9a: {  	s3 =	rddreg [dreg:$0x2];
	[bflag:$0x3] =	sbarrier.arrive $0xFFFF;
	s2 =	simm.s32 @!p0 $0x1C03  }
0x9b: {  	[timem:s3], [sflag:s2] =	dma.local @!p0 [hbm:s0], s1  }
0x9c: {  	s0 =	simm.s32 @!p0 $0x3  }
0x9d: {  	_ =	swait.ge @!p0 [sflag:s0], s1  }
0x9e: {  	s1 =	ssub.s32 @!p0 $0x0, s1;
	[sflag:s0] =	ssyncset.done @!p0 $0x0  }
0x9f: {  	[sflag:s0] =	ssyncadd.s32 @!p0 s1  }
0xa0: {  	[bflag:$0x3] =	sbarrier.arrive $0xFFFF  }
0xa1: {  	_ =	shalt  }

// kernel: kernel.14.cloned.1.call-start
scs
__scs_entry_jumppad:
0x0: {  	(pc) =	sbr.rel $0x88, $3  }
0x1: {  	(tag) =	ssettag $0x0;
	lr =	simm.s32 $0x1  }
0x2: {  	[smem:$0x3F95] =	sst lr;
	_ =	strace $0xD0000000  }
0x3: {  	_ = 	snop  }
0x4: {  	_ = 	snop  }
0x5: {  	_ = 	snop  }
0x6: {  	_ = 	snop  }
0x7: {  	_ = 	snop  }
__scs_overlays_trampoline_lowered:
0x8: {  	[smem:$0x3FA4] =	sst s0  }
0x9: {  	[smem:$0x3FA5] =	sst s1  }
0xa: {  	[smem:$0x3FA6] =	sst s2  }
0xb: {  	[smem:$0x3FA7] =	sst s3  }
0xc: {  	[smem:$0x3FA8] =	sst s4  }
0xd: {  	[smem:$0x3FA9] =	sst s5  }
0xe: {  	[smem:$0x3FAA] =	sst s6  }
0xf: {  	[smem:$0x3FAB] =	sst s7  }
0x10: {  	[smem:$0x3FAC] =	sst s8  }
0x11: {  	[smem:$0x3FAD] =	sst s9;
	s0 =	simm.s32 @!p0 $0x0  }
0x12: {  	s1 =	sld [smem:$0x3F93];
	s0 =	simm.s32 @p0 $0x1  }
0x13: {  	[smem:$0x3FAE] =	sst s0;
	s0 =	simm.s32 @!p1 $0x0  }
0x14: {  	s2 =	sld [smem:$0x3F92];
	s0 =	simm.s32 @p1 $0x1  }
0x15: {  	[smem:$0x3FAF] =	sst s0;
	s0 =	simm.s32 @!p2 $0x0  }
0x16: {  	s3 =	sld [smem:$0x3FDB];
	s0 =	simm.s32 @p2 $0x1  }
0x17: {  	s4 =	simm.s32 $0x1BF5;
	[smem:$0x3FB1] =	sst s0  }
0x18: {  	s0 =	sld [smem:$0x3F94];
	_ =	swait.ge [sflag:s4], $0x0  }
0x19: {  	s7 =	sld [smem:$0x3F95]  }
0x1a: {  	s8 =	sadd.s32 $0xFFFFE003, lr  }
0x1b: {  	s9 =	sadd.s32 $0xFFFFFEF7, lr;
	s5 =	simm.s32 $0xFFFFFFFF;
	p2 =	slt.u32 s8, $0xFFFFF086  }
0x1c: {  	p1 =	slt.u32 s9, $0xF7A;
	s5 =	simm.s32 @!p2 $0x0  }
0x1d: {  	s5 =	simm.s32 @p1 $0x1;
	p0 =	seq.s32 s7, s2  }
0x1e: {  	s7 =	smul.u32 @!p0 $0xF7A, s2;
	p2 =	seq.s32 @!p0 s5, $0x0  }
0x1f: {  	s9 =	smul.u32 $0xF7A, s1;
	s8 =	simm.s32 @!p0 $0x1BF5;
	p2 =	por !p2, p0  }
0x20: {  	[sflag:s8] =	ssyncset.s32 @!p0 $0xFFFFF086;
	s6 =	sadd.s32 @!p0 s3, s7;
	s7 =	simm.s32 @!p0 $0x108  }
0x21: {  	s3 =	sadd.s32 s3, s9;
	s6 =	sadd.s32 @!p0 $0x88, s6;
	s7 =	simm.s32 @p2 $0x1082  }
0x22: {  	[simem:s7], [sflag:s8] =	dma.local @!p0 [hbm:s6], $0xF7A  }
0x23: {  	s9 =	sor.u32 $0xD0000000, s2;
	s6 =	simm.s32 $0x108;
	_ =	swait.ge @!p0 [sflag:s8], $0x0  }
0x24: {  	s3 =	sadd.s32 $0x88, s3;
	s6 =	simm.s32 @!p1 $0x1082;
	[sflag:s4] =	ssyncset.s32 $0xFFFFF086  }
0x25: {  	[simem:s6], [sflag:s4] =	dma.local [hbm:s3], $0xF7A  }
0x26: {  	[smem:$0x3F95] =	sst s1;
	(tag) =	ssettag s2;
	_ =	strace s9  }
0x27: {  	s1 =	sld [smem:$0x3FA5]  }
0x28: {  	s2 =	sld [smem:$0x3FA6]  }
0x29: {  	s4 =	sld [smem:$0x3FA8]  }
0x2a: {  	p0 =	seq.s32 s5, $0x0;
	s5 =	sld [smem:$0x3FA9]  }
0x2b: {  	s6 =	sld [smem:$0x3FAA]  }
0x2c: {  	s7 =	sld [smem:$0x3FAB]  }
0x2d: {  	s3 =	simm.s32 $0x108;
	s8 =	sld [smem:$0x3FAC]  }
0x2e: {  	s3 =	simm.s32 @!p0 $0x1082;
	s9 =	sld [smem:$0x3FAD]  }
0x2f: {  	lr =	sadd.s32 s0, s3;
	s0 =	sld [smem:$0x3FA4]  }
0x30: {  	s3 =	sld [smem:$0x3FA7]  }
0x31: {  	[smem:$0x3FB0] =	sst s10  }
0x32: {  	s10 =	sld [smem:$0x3FAE];
	_ =	sdelay $0x3  }
0x33: {  	p0 =	seq.s32 s10, $0x1;
	s10 =	sld [smem:$0x3FB0];
	_ =	sdelay $0x3  }
0x34: {  	[smem:$0x3FB0] =	sst s10  }
0x35: {  	s10 =	sld [smem:$0x3FAF];
	_ =	sdelay $0x3  }
0x36: {  	p1 =	seq.s32 s10, $0x1;
	s10 =	sld [smem:$0x3FB0];
	_ =	sdelay $0x3  }
0x37: {  	[smem:$0x3FB0] =	sst s10  }
0x38: {  	s10 =	sld [smem:$0x3FB1]  }
0x39: {  	_ = 	snop;
	(pc) =	sbr.ind lr, $3  }
0x3a: {  	_ = 	snop  }
0x3b: {  	_ = 	snop  }
0x3c: {  	p2 =	seq.s32 s10, $0x1;
	s10 =	sld [smem:$0x3FB0]  }
0x3d: {  	_ =	shalt  }
0x3e: {  	_ =	shalt  }
0x3f: {  	_ =	shalt  }
0x40: {  	_ =	shalt  }
0x41: {  	_ =	shalt  }
0x42: {  	_ =	shalt  }
0x43: {  	_ =	shalt  }
0x44: {  	_ =	shalt  }
0x45: {  	_ =	shalt  }
0x46: {  	_ =	shalt  }
0x47: {  	_ =	shalt  }
0x48: {  	_ =	shalt  }
0x49: {  	_ =	shalt  }
0x4a: {  	_ =	shalt  }
0x4b: {  	_ =	shalt  }
0x4c: {  	_ =	shalt  }
0x4d: {  	_ =	shalt  }
0x4e: {  	_ =	shalt  }
0x4f: {  	_ =	shalt  }
0x50: {  	_ =	shalt  }
0x51: {  	_ =	shalt  }
0x52: {  	_ =	shalt  }
0x53: {  	_ =	shalt  }
0x54: {  	_ =	shalt  }
0x55: {  	_ =	shalt  }
0x56: {  	_ =	shalt  }
0x57: {  	_ =	shalt  }
0x58: {  	_ =	shalt  }
0x59: {  	_ =	shalt  }
0x5a: {  	_ =	shalt  }
0x5b: {  	_ =	shalt  }
0x5c: {  	_ =	shalt  }
0x5d: {  	_ =	shalt  }
0x5e: {  	_ =	shalt  }
0x5f: {  	_ =	shalt  }
0x60: {  	_ =	shalt  }
0x61: {  	_ =	shalt  }
0x62: {  	_ =	shalt  }
0x63: {  	_ =	shalt  }
0x64: {  	_ =	shalt  }
0x65: {  	_ =	shalt  }
0x66: {  	_ =	shalt  }
0x67: {  	_ =	shalt  }
0x68: {  	_ =	shalt  }
0x69: {  	_ =	shalt  }
0x6a: {  	_ =	shalt  }
0x6b: {  	_ =	shalt  }
0x6c: {  	_ =	shalt  }
0x6d: {  	_ =	shalt  }
0x6e: {  	_ =	shalt  }
0x6f: {  	_ =	shalt  }
0x70: {  	_ =	shalt  }
0x71: {  	_ =	shalt  }
0x72: {  	_ =	shalt  }
0x73: {  	_ =	shalt  }
0x74: {  	_ =	shalt  }
0x75: {  	_ =	shalt  }
0x76: {  	_ =	shalt  }
0x77: {  	_ =	shalt  }
0x78: {  	_ =	shalt  }
0x79: {  	_ =	shalt  }
0x7a: {  	_ =	shalt  }
0x7b: {  	_ =	shalt  }
0x7c: {  	_ =	shalt  }
0x7d: {  	_ =	shalt  }
0x7e: {  	_ =	shalt  }
0x7f: {  	_ =	shalt  }
0x80: {  	_ =	shalt  }
0x81: {  	_ =	shalt  }
0x82: {  	_ =	shalt  }
0x83: {  	_ =	shalt  }
0x84: {  	_ =	shalt  }
0x85: {  	_ =	shalt  }
0x86: {  	_ =	shalt  }
0x87: {  	_ =	shalt  }
.Lfunc_end0:
.L_simem_size_0:
called_computation.1_lowered:
.L_overlay_start_0:
0x88: {  	s2 =	sld [smem:$0x3FD9]  }
0x89: {  	s3 =	sld [smem:$0x3FFE];
	_ =	sdelay $0x1  }
0x8a: {  	s1 =	srdreg.scid  }
0x8b: {  	s0 =	sand.u32 $0x1, s1  }
0x8c: {  	s17 =	sshll.u32 s0, $0xA;
	s2 =	sadd.s32 s3, s2  }
0x8d: {  	s2 =	sadd.s32 s2, s17  }
0x8e: {  	[smem:$0x3FBC] =	sst s2  }
0x8f: {  	_ = 	snop  }
0x90: {  	s2 =	sld [smem:$0x3FC9];
	(tm) =	ssettm $0x1  }
0x91: {  	s18 =	sld [smem:$0x3FFB];
	_ =	sdelay $0x3  }
0x92: {  	_ =	strace s18  }
0x93: {  	s3 =	sld [smem:$0x3FFC];
	_ =	sdelay $0x3  }
0x94: {  	_ =	strace s3  }
0x95: {  	s3 =	sld [smem:$0x3FFD];
	_ =	sdelay $0x3  }
0x96: {  	_ =	strace s3  }
0x97: {  	_ =	strace $0x8FFFFFFF  }
0x98: {  	s19 =	sld [smem:$0x3FDB];
	_ =	sdelay $0x1  }
0x99: {  	s4 =	simm.s32 $_scs_section_size  }
0x9a: {  	s5 =	simm.s32 $_size__tile_overlayer_lowered;
	s6 =	simm.s32 $_tile_overlayer_lowered  }
0x9b: {  	s22 =	simm.s32 $0x1BFF;
	s21 =	sshll.u32 s6, $0x1;
	s3 =	sadd.s32 s4, s19  }
0x9c: {  	s7 =	simm.s32 $0x0;
	s20 =	sshll.u32 s5, $0x1;
	s5 =	sadd.s32 s21, s3  }
0x9d: {  	[timem:s7], [sflag:s22] =	dma.local [hbm:s5], s20  }
0x9e: {  	_ =	swait.ge [sflag:s22], s20  }
0x9f: {  	s4 =	ssub.s32 $0x0, s20;
	[sflag:s22] =	ssyncset.done $0x0  }
0xa0: {  	[sflag:s22] =	ssyncadd.s32 s4;
	_ =	sdelay $0x1  }
0xa1: {  	s23 =	simm.s32 $0x1B8B  }
0xa2: {  	_ =	swait.ge [sflag:s23], $0x1  }
0xa3: {  	[sflag:s23] =	ssyncset.done $0x0  }
0xa4: {  	s25 =	simm.s32 $0x1B8E;
	s24 =	sld [smem:$0x3FFE];
	[sflag:s23] =	ssyncadd.s32 $0xFFFFFFFF  }
0xa5: {  	s26 =	simm.s32 $execute0_lowered;
	[smem:$0x3FD2] =	sst s25  }
0xa6: {  	s5 =	sshll.u32 s26, $0x1;
	_ =	strace $0x80000046;
	[dreg:$0x1] =	wrdreg $0xFFFFFFFF  }
0xa7: {  	s28 =	simm.s32 $_size_execute0_lowered;
	s3 =	sadd.s32 s3, s5;
	[dreg:$0x0] =	wrdreg $0x0  }
0xa8: {  	s5 =	sshll.u32 s28, $0x1;
	[dreg:$0x2] =	wrdreg s3  }
0xa9: {  	[dreg:$0x3] =	wrdreg s5  }
0xaa: {  	[dreg:$0x4] =	wrdreg $0xC0  }
0xab: {  	_ =	task [dreg:s7], $0x5FFFF  }
0xac: {  	[dreg:$0x1] =	wrdreg $0xFFFFFFFF  }
0xad: {  	[dreg:$0x0] =	wrdreg $0x60  }
0xae: {  	[dreg:$0x2] =	wrdreg s2  }
0xaf: {  	[dreg:$0x3] =	wrdreg s24  }
0xb0: {  	[dreg:$0x4] =	wrdreg $0xA4000  }
0xb1: {  	[dreg:$0x5] =	wrdreg $0xA  }
0xb2: {  	_ =	task.clear_ibuf [dreg:s7], $0x6FFFF;
	_ =	strace $0x90000046  }
0xb3: {  	s29 =	simm.s32 $0xA;
	_ =	strace $0x80000048  }
0xb4: {  	_ =	swait.ge [sflag:s29], $0x1  }
0xb5: {  	[sflag:s29] =	ssyncadd.s32 $0xFFFFFFFF  }
0xb6: {  	_ =	strace $0x90000048  }
0xb7: {  	_ =	sfence  }
0xb8: {  	s30 =	sld [smem:$0x0];
	_ =	sdelay $0x2  }
0xb9: {  	s31 =	sshll.u32 s1, $0xD;
	s1 =	sshrl.u32 s1, $0x2  }
0xba: {  	s3 =	sand.u32 $0x4000, s31;
	s1 =	sadd.s32 s1, s30  }
0xbb: {  	s0 =	sor.u32 s3, s0;
	s1 =	sshll.u32 s1, $0x11  }
0xbc: {  	s0 =	sor.u32 s1, s0  }
0xbd: {  	s0 =	sadd.s32 $0x8F2B, s0  }
0xbe: {  	[sflag:s0] =	ssyncadd.remote.s32 $0x1  }
0xbf: {  	_ =	sfence.sel $0xFFFF  }
0xc0: {  	[dreg:$0x0] =	wrdreg $0xFFFFFFFF;
	(pc) =	sbr.abs _section_cstart, $3  }
0xc1: {  	[dreg:$0x1] =	wrdreg $0xFFFFFFFF  }
0xc2: {  	_ =	task.clear_ibuf [dreg:s7], $0x2FFFF;
	_ =	strace $0x9FFFFFFF  }
0xc3: {  	(tm) =	ssettm $0x7FFFFFFF  }
tec
execute0_lowered:
.L_overlay_start_1:
0x0: {  	(tag) =	ssettag $0x1  }
0x1: {  	s2 =	rddreg [dreg:$0x0]  }
0x2: {  	s0 =	rddreg [dreg:$0x1]  }
0x3: {  	s3 =	rddreg [dreg:$0x2]  }
0x4: {  	s12 =	stileid.u32;
	s1 =	srdreg.scid;
	s4 =	simm.s32 $0x0  }
0x5: {  	s28 =	simm.s32 $0x3;
	s29 =	simm.s32 $0x200;
	s30 =	simm.s32 $0x80  }
0x6: {  	s31 =	simm.s32 $0x280;
	s7 =	smul.u32 $0x14000, s12;
	s1 =	sand.u32 $0x1, s1  }
0x7: {  	[smem:$0x7FF] =	sst s4;
	s5 =	sadd.s32 $0xD800, s0;
	s18 =	smul.u32 $0x50000, s12  }
0x8: {  	s6 =	sadd.s32 $0x3A00, s0;
	s10 =	sshll.u32 s12, $0x1;
	s24 =	smul.u32 $0x4E20, s12  }
0x9: {  	s20 =	sshll.u32 s12, $0x6;
	s12 =	simm.s32 $0x2C00;
	s8 =	smul.u32 $0x140000, s1  }
0xa: {  	_ =	strace $0x80000047;
	s19 =	ssub.s32 $0x2, s1;
	s10 =	sor.u32 s1, s10  }
0xb: {  	s16 =	sor.u32 $0x1C03, s20;
	s1 =	smul.u32 $0x2710, s1;
	s9 =	sshrl.u32 s7, $0x3  }
0xc: {  	s11 =	sshrl.u32 s19, $0x1;
	s10 =	smul.u32 $0x2710, s10;
	[dreg:$0x6] =	wrdreg s16  }
0xd: {  	s9 =	sadd.s32 s9, s0;
	s7 =	sadd.s32 s7, s8;
	s8 =	sshrl.u32 s18, $0x2  }
0xe: {  	s1 =	sadd.s32 s1, s24;
	s7 =	sshrl.u32 s7, $0x3;
	s8 =	sadd.s32 s8, s3  }
0xf: {  	s9 =	sadd.s32 $0x17600, s9;
	s21 =	sshrl.u32 s10, $0x3;
	s10 =	simm.s32 $0x50  }
0x10: {  	s0 =	sadd.s32 s7, s0;
	s7 =	ssub.s32 s19, s11;
	[dreg:$0x4] =	wrdreg s8  }
0x11: {  	[dreg:$0x5] =	wrdreg s9;
	s22 =	sadd.s32 s5, s21;
	s23 =	sadd.s32 s6, s21  }
0x12: {  	s25 =	sadd.s32 $0xA, s21;
	s26 =	sadd.s32 $0x14, s21;
	[dreg:$0x7] =	wrdreg s22  }
0x13: {  	s8 =	sadd.s32 $0x1E, s21;
	[dreg:$0x8] =	wrdreg s23;
	s13 =	sadd.s32 s5, s25  }
0x14: {  	s19 =	sadd.s32 $0x230, s1;
	s14 =	sadd.s32 s6, s25;
	[dreg:$0x9] =	wrdreg s13  }
0x15: {  	s11 =	simm.s32 $0x400;
	s15 =	sadd.s32 s5, s26;
	[dreg:$0xa] =	wrdreg s14  }
0x16: {  	s17 =	sadd.s32 s6, s26;
	s18 =	sadd.s32 s5, s8;
	[dreg:$0xb] =	wrdreg s15  }
0x17: {  	s8 =	sadd.s32 s6, s8;
	s0 =	sadd.s32 $0x3F600, s0;
	[dreg:$0xc] =	wrdreg s17  }
0x18: {  	s20 =	smax.u32 s7, $0x1;
	s21 =	sshrl.u32 s19, $0x3;
	[dreg:$0xd] =	wrdreg s18  }
0x19: {  	s22 =	sadd.s32 $0x1E0, s1;
	s23 =	sadd.s32 $0x190, s1;
	[dreg:$0xe] =	wrdreg s8  }
0x1a: {  	s26 =	sadd.s32 $0x140, s1;
	s1 =	simm.s32 $0x180;
	[dreg:$0xf] =	wrdreg s0  }
0x1b: {  	s7 =	simm.s32 $0x380;
	[dreg:$0x10] =	wrdreg s20;
	s20 =	sadd.s32 s21, s6  }
.Ltmp0:
0x1c: {  	s21 =	sadd.s32 s21, s5;
	s24 =	sshrl.u32 s22, $0x3;
	(pc) =	sbr.rel .LBB2_1-.Ltmp0, $4  }
0x1d: {  	s25 =	sshrl.u32 s23, $0x3;
	[dreg:$0x11] =	wrdreg s26;
	s0 =	simm.s32 $0x100  }
0x1e: {  	s8 =	simm.s32 $0x1;
	s13 =	simm.s32 $0x5400;
	s14 =	simm.s32 $0x7C00  }
0x1f: {  	s15 =	simm.s32 $0x2;
	s17 =	simm.s32 $0x0;
	s22 =	sadd.s32 s24, s6  }
0x20: {  	s23 =	sadd.s32 s24, s5;
	s24 =	sadd.s32 s25, s6;
	s25 =	sadd.s32 s25, s5  }
.LBB2_4:
0x21: {  	_ =	swait.ge [sflag:s8], $0x50  }
0x22: {  	[sflag:s8] =	ssyncset.done $0x0  }
0x23: {  	[sflag:s8] =	ssyncadd.s32 $0xFFFFFFB0  }
0x24: {  	_ =	swait.ge [sflag:s8], $0x50  }
0x25: {  	[sflag:s8] =	ssyncset.done $0x0  }
0x26: {  	[sflag:s8] =	ssyncadd.s32 $0xFFFFFFB0  }
0x27: {  	[tilespmem:s11], [sflag:$0x2] =	stream.indirect.gather [hbm4b:s2+s10], $0x80, s4, s10, $0xb8;
	[tilespmem:$0x1E400] =	vst v63  }
0x28: {  	_ =	swait.ge [sflag:s15], $0x2800  }
0x29: {  	[sflag:s15] =	ssyncset.done $0x0  }
0x2a: {  	[sflag:s15] =	ssyncadd.s32 $0xFFFFD800  }
0x2b: {  	[spmem:s3] =	stream.indirect.scatter.add.f32 [tilespmem:s11], [sflag:$0x3], $0x80, s29, s10, $0xb8;
	[tilespmem:$0x1E400] =	vst v63  }
0x2c: {  	_ =	swait.ge [sflag:s28], $0x2800  }
0x2d: {  	[sflag:s28] =	ssyncset.done $0x0  }
0x2e: {  	[sflag:s28] =	ssyncadd.s32 $0xFFFFD800  }
0x2f: {  	[bflag:$0x0] =	sbarrier.arrive $0xFFFF  }
0x30: {  	s16 =	rddreg [dreg:$0x6]  }
0x31: {  	s9 =	rddreg [dreg:$0xf]  }
0x32: {  	s17 =	rddreg [dreg:$0x13]  }
0x33: {  	[hbm:s9], [sflag:s16] =	dma.local [spmem:s17], $0x2800  }
0x34: {  	_ =	swait.ge [sflag:s28], $0x2800  }
0x35: {  	s19 =	rddreg [dreg:$0x12]  }
0x36: {  	s26 =	rddreg [dreg:$0x10];
	s17 =	sadd.s32 $0x1, s19  }
0x37: {  	p0 =	sne.s32 s17, s26  }
.Ltmp1:
0x38: {  	_ = 	snop;
	(pc) =	sbr.rel @!p0 .LBB2_5-.Ltmp1, $3  }
0x39: {  	_ =	sdelay $0x1  }
0x3a: {  	[sflag:s28] =	ssyncset.done $0x0  }
0x3b: {  	[sflag:s28] =	ssyncadd.s32 $0xFFFFD800  }
.LBB2_1:
0x3c: {  	[dreg:$0x12] =	wrdreg s17  }
0x3d: {  	s9 =	rddreg [dreg:$0x4]  }
0x3e: {  	s26 =	rddreg [dreg:$0x5];
	s19 =	sshrl.u32 s9, $0x3  }
0x3f: {  	[dreg:$0x13] =	wrdreg s19  }
0x40: {  	[spmem:s19], [sflag:s16] =	dma.local [hbm:s26], $0x2800  }
0x41: {  	_ =	swait.ge [sflag:s28], $0x2800  }
0x42: {  	[sflag:s28] =	ssyncset.done $0x0  }
0x43: {  	[sflag:s28] =	ssyncadd.s32 $0xFFFFD800  }
0x44: {  	[bflag:$0x0] =	sbarrier.arrive $0xFFFF  }
0x45: {  	s17 =	rddreg [dreg:$0x7]  }
0x46: {  	[tilespmem:s4], [sflag:$0x1] =	stream.linear.gather [hbm4b:s17+s4], $0x50, $0x38;
	[tilespmem:$0x1E400] =	vst v63  }
0x47: {  	s18 =	rddreg [dreg:$0x8]  }
0x48: {  	[tilespmem:s29], [sflag:$0x1] =	stream.linear.gather [hbm4b:s18+s4], $0x50, $0x38;
	[tilespmem:$0x1E400] =	vst v63  }
0x49: {  	s19 =	rddreg [dreg:$0x9]  }
0x4a: {  	[tilespmem:s30], [sflag:$0x1] =	stream.linear.gather [hbm4b:s19+s4], $0x50, $0x38;
	[tilespmem:$0x1E400] =	vst v63  }
0x4b: {  	s26 =	rddreg [dreg:$0xa]  }
0x4c: {  	[tilespmem:s31], [sflag:$0x1] =	stream.linear.gather [hbm4b:s26+s4], $0x50, $0x38;
	[tilespmem:$0x1E400] =	vst v63  }
0x4d: {  	s16 =	rddreg [dreg:$0xb]  }
0x4e: {  	[tilespmem:s0], [sflag:$0x1] =	stream.linear.gather [hbm4b:s16+s4], $0x50, $0x38;
	[tilespmem:$0x1E400] =	vst v63  }
0x4f: {  	s17 =	rddreg [dreg:$0xc];
	s18 =	simm.s32 $0x300  }
0x50: {  	[tilespmem:s18], [sflag:$0x1] =	stream.linear.gather [hbm4b:s17+s4], $0x50, $0x38;
	[tilespmem:$0x1E400] =	vst v63  }
0x51: {  	s19 =	rddreg [dreg:$0xd]  }
0x52: {  	[tilespmem:s1], [sflag:$0x1] =	stream.linear.gather [hbm4b:s19+s4], $0x50, $0x38;
	[tilespmem:$0x1E400] =	vst v63  }
0x53: {  	s26 =	rddreg [dreg:$0xe]  }
0x54: {  	[tilespmem:s7], [sflag:$0x1] =	stream.linear.gather [hbm4b:s26+s4], $0x50, $0x38;
	[tilespmem:$0x1E400] =	vst v63  }
0x55: {  	s19 =	simm.s32 $0x0;
	s26 =	rddreg [dreg:$0x11]  }
.LBB2_2:
0x56: {  	_ =	swait.ge [sflag:s8], $0x50  }
0x57: {  	[sflag:s8] =	ssyncset.done $0x0  }
0x58: {  	[sflag:s8] =	ssyncadd.s32 $0xFFFFFFB0  }
0x59: {  	_ =	swait.ge [sflag:s8], $0x50  }
0x5a: {  	[sflag:s8] =	ssyncset.done $0x0  }
0x5b: {  	[sflag:s8] =	ssyncadd.s32 $0xFFFFFFB0  }
0x5c: {  	[tilespmem:s11], [sflag:$0x2] =	stream.indirect.gather [hbm4b:s2+s10], $0x80, s4, s10, $0xb8;
	[tilespmem:$0x1E400] =	vst v63  }
0x5d: {  	_ =	swait.ge [sflag:s8], $0x50  }
0x5e: {  	[sflag:s8] =	ssyncset.done $0x0  }
0x5f: {  	[sflag:s8] =	ssyncadd.s32 $0xFFFFFFB0  }
0x60: {  	_ =	swait.ge [sflag:s8], $0x50  }
0x61: {  	[sflag:s8] =	ssyncset.done $0x0  }
0x62: {  	[sflag:s8] =	ssyncadd.s32 $0xFFFFFFB0  }
0x63: {  	[tilespmem:s12], [sflag:$0x2] =	stream.indirect.gather [hbm4b:s2+s10], $0x80, s30, s10, $0xb8;
	[tilespmem:$0x1E400] =	vst v63  }
0x64: {  	_ =	swait.ge [sflag:s8], $0x50  }
0x65: {  	[sflag:s8] =	ssyncset.done $0x0  }
0x66: {  	[sflag:s8] =	ssyncadd.s32 $0xFFFFFFB0  }
0x67: {  	_ =	swait.ge [sflag:s8], $0x50  }
0x68: {  	[sflag:s8] =	ssyncset.done $0x0  }
0x69: {  	[sflag:s8] =	ssyncadd.s32 $0xFFFFFFB0  }
0x6a: {  	[tilespmem:s13], [sflag:$0x2] =	stream.indirect.gather [hbm4b:s2+s10], $0x80, s0, s10, $0xb8;
	[tilespmem:$0x1E400] =	vst v63  }
0x6b: {  	_ =	swait.ge [sflag:s8], $0x50  }
0x6c: {  	[sflag:s8] =	ssyncset.done $0x0  }
0x6d: {  	[sflag:s8] =	ssyncadd.s32 $0xFFFFFFB0  }
0x6e: {  	_ =	swait.ge [sflag:s8], $0x50  }
0x6f: {  	[sflag:s8] =	ssyncset.done $0x0  }
0x70: {  	[sflag:s8] =	ssyncadd.s32 $0xFFFFFFB0  }
0x71: {  	[tilespmem:s14], [sflag:$0x2] =	stream.indirect.gather [hbm4b:s2+s10], $0x80, s1, s10, $0xb8;
	[tilespmem:$0x1E400] =	vst v63  }
0x72: {  	_ =	swait.ge [sflag:s15], $0x2800  }
0x73: {  	[sflag:s15] =	ssyncset.done $0x0  }
0x74: {  	[sflag:s15] =	ssyncadd.s32 $0xFFFFD800  }
0x75: {  	[spmem:s3] =	stream.indirect.scatter.add.f32 [tilespmem:s11], [sflag:$0x3], $0x80, s29, s10, $0xb8;
	[tilespmem:$0x1E400] =	vst v63  }
0x76: {  	_ =	swait.ge [sflag:s28], $0x2800  }
0x77: {  	s18 =	sshrl.u32 s26, $0x3;
	[sflag:s28] =	ssyncset.done $0x0  }
0x78: {  	s9 =	sadd.s32 s5, s18;
	[sflag:s28] =	ssyncadd.s32 $0xFFFFD800  }
0x79: {  	[tilespmem:s4], [sflag:$0x1] =	stream.linear.gather [hbm4b:s9+s4], $0x50, $0x38;
	[tilespmem:$0x1E400] =	vst v63  }
0x7a: {  	s18 =	sadd.s32 s6, s18  }
0x7b: {  	[tilespmem:s29], [sflag:$0x1] =	stream.linear.gather [hbm4b:s18+s4], $0x50, $0x38;
	[tilespmem:$0x1E400] =	vst v63  }
0x7c: {  	_ =	swait.ge [sflag:s15], $0x2800  }
0x7d: {  	[sflag:s15] =	ssyncset.done $0x0  }
0x7e: {  	[sflag:s15] =	ssyncadd.s32 $0xFFFFD800  }
0x7f: {  	[spmem:s3] =	stream.indirect.scatter.add.f32 [tilespmem:s12], [sflag:$0x3], $0x80, s31, s10, $0xb8;
	[tilespmem:$0x1E400] =	vst v63  }
0x80: {  	_ =	swait.ge [sflag:s28], $0x2800  }
0x81: {  	p0 =	seq.s32 s19, $0x4B0;
	[sflag:s28] =	ssyncset.done $0x0  }
0x82: {  	s9 =	simm.s32 @p0 $0x2;
	[sflag:s28] =	ssyncadd.s32 $0xFFFFD800  }
0x83: {  	_ =	swait.ge @p0 [sflag:s9], $0x2800  }
0x84: {  	s17 =	simm.s32 @p0 $0x5400;
	[sflag:s9] =	ssyncset.done @p0 $0x0  }
0x85: {  	s18 =	simm.s32 @p0 $0x300;
	[sflag:s9] =	ssyncadd.s32 @p0 $0xFFFFD800;
	s9 =	simm.s32 @p0 $0x50  }
0x86: {  	[spmem:s3] =	stream.indirect.scatter.add.f32 @p0 [tilespmem:s17], [sflag:$0x3], $0x80, s18, s9, $0xb8;
	[tilespmem:$0x1E400] =	vst v63  }
0x87: {  	s9 =	simm.s32 @p0 $0x3  }
0x88: {  	_ =	swait.ge @p0 [sflag:s9], $0x2800  }
0x89: {  	s17 =	simm.s32 @!p0 $0x0;
	[sflag:s9] =	ssyncset.done @p0 $0x0  }
0x8a: {  	s18 =	simm.s32 @!p0 $0x80;
	[sflag:s9] =	ssyncadd.s32 @p0 $0xFFFFD800;
	s9 =	sadd.s32 @!p0 s19, s25  }
0x8b: {  	[tilespmem:s18], [sflag:$0x1] =	stream.linear.gather @!p0 [hbm4b:s9+s17], $0x50, $0x38;
	[tilespmem:$0x1E400] =	vst v63  }
0x8c: {  	s9 =	sadd.s32 @!p0 s19, s24;
	s18 =	simm.s32 @!p0 $0x280  }
0x8d: {  	[tilespmem:s18], [sflag:$0x1] =	stream.linear.gather @!p0 [hbm4b:s9+s17], $0x50, $0x38;
	[tilespmem:$0x1E400] =	vst v63  }
0x8e: {  	s9 =	simm.s32 @!p0 $0x2  }
0x8f: {  	_ =	swait.ge @!p0 [sflag:s9], $0x2800  }
0x90: {  	s16 =	simm.s32 @!p0 $0x5400;
	[sflag:s9] =	ssyncset.done @!p0 $0x0  }
0x91: {  	s18 =	simm.s32 @!p0 $0x300;
	[sflag:s9] =	ssyncadd.s32 @!p0 $0xFFFFD800;
	s9 =	simm.s32 @!p0 $0x50  }
0x92: {  	[spmem:s3] =	stream.indirect.scatter.add.f32 @!p0 [tilespmem:s16], [sflag:$0x3], $0x80, s18, s9, $0xb8;
	[tilespmem:$0x1E400] =	vst v63  }
0x93: {  	s9 =	simm.s32 @!p0 $0x3  }
0x94: {  	_ =	swait.ge @!p0 [sflag:s9], $0x2800  }
0x95: {  	[sflag:s9] =	ssyncset.done @!p0 $0x0  }
0x96: {  	s16 =	simm.s32 @!p0 $0x100;
	[sflag:s9] =	ssyncadd.s32 @!p0 $0xFFFFD800;
	s9 =	sadd.s32 @!p0 s19, s23  }
0x97: {  	[tilespmem:s16], [sflag:$0x1] =	stream.linear.gather @!p0 [hbm4b:s9+s17], $0x50, $0x38;
	[tilespmem:$0x1E400] =	vst v63  }
0x98: {  	s9 =	sadd.s32 @!p0 s19, s22  }
0x99: {  	[tilespmem:s18], [sflag:$0x1] =	stream.linear.gather @!p0 [hbm4b:s9+s17], $0x50, $0x38;
	[tilespmem:$0x1E400] =	vst v63  }
0x9a: {  	_ =	swait.ge [sflag:s15], $0x2800  }
0x9b: {  	[sflag:s15] =	ssyncset.done $0x0  }
.Ltmp2:
0x9c: {  	[sflag:s15] =	ssyncadd.s32 $0xFFFFD800;
	(pc) =	sbr.rel @p0 .LBB2_4-.Ltmp2, $4  }
0x9d: {  	[spmem:s3] =	stream.indirect.scatter.add.f32 [tilespmem:s14], [sflag:$0x3], $0x80, s7, s10, $0xb8;
	[tilespmem:$0x1E400] =	vst v63  }
0x9e: {  	_ =	swait.ge [sflag:s28], $0x2800  }
0x9f: {  	[sflag:s28] =	ssyncset.done $0x0  }
0xa0: {  	[sflag:s28] =	ssyncadd.s32 $0xFFFFD800  }
.Ltmp3:
0xa1: {  	(pc) =	sbr.rel .LBB2_2-.Ltmp3, $4  }
0xa2: {  	s9 =	sadd.s32 s19, s21  }
0xa3: {  	[tilespmem:s1], [sflag:$0x1] =	stream.linear.gather [hbm4b:s9+s4], $0x50, $0x38;
	[tilespmem:$0x1E400] =	vst v63  }
0xa4: {  	s18 =	sadd.s32 s19, s20;
	s19 =	sadd.s32 $0x28, s19;
	s26 =	sadd.s32 $0x140, s26  }
0xa5: {  	[tilespmem:s7], [sflag:$0x1] =	stream.linear.gather [hbm4b:s18+s4], $0x50, $0x38;
	[tilespmem:$0x1E400] =	vst v63  }
.LBB2_5:
0xa6: {  	_ =	sfence.sel $0x180000  }
0xa7: {  	[bflag:$0x0] =	sbarrier.arrive $0xFFFF  }
0xa8: {  	_ =	strace $0x90000047  }
0xa9: {  	s0 =	stileid.u32;
	[bflag:$0x2] =	sbarrier.arrive $0xFFFF  }
0xaa: {  	p0 =	sne.s32 s0, $0x0;
	s0 =	rddreg [dreg:$0x3]  }
0xab: {  	s0 =	sadd.s32 @!p0 $0x100000, s0  }
0xac: {  	[sflag:s0] =	ssyncadd.tile.s32 @!p0 $0x1;
	_ =	shalt  }
.Lfunc_end2:
_tile_overlayer_lowered:
.L_overlay_start_2:
0xad: {  	(tag) =	ssettag $0x2  }
0xae: {  	s0 =	rddreg [dreg:$0x0];
	s2 =	stileid.u32  }
0xaf: {  	s1 =	rddreg [dreg:$0x1];
	p0 =	sne.s32 s2, $0x0  }
0xb0: {  	s3 =	rddreg [dreg:$0x2];
	[bflag:$0x3] =	sbarrier.arrive $0xFFFF;
	s2 =	simm.s32 @!p0 $0x1C03  }
0xb1: {  	[timem:s3], [sflag:s2] =	dma.local @!p0 [hbm:s0], s1  }
0xb2: {  	s0 =	simm.s32 @!p0 $0x3  }
0xb3: {  	_ =	swait.ge @!p0 [sflag:s0], s1  }
0xb4: {  	s1 =	ssub.s32 @!p0 $0x0, s1;
	[sflag:s0] =	ssyncset.done @!p0 $0x0  }
0xb5: {  	[sflag:s0] =	ssyncadd.s32 @!p0 s1  }
0xb6: {  	[bflag:$0x3] =	sbarrier.arrive $0xFFFF  }
0xb7: {  	_ =	shalt  }

// kernel: kernel.17.cloned.1.call-start
scs
__scs_entry_jumppad:
0x0: {  	(pc) =	sbr.rel $0x88, $3  }
0x1: {  	(tag) =	ssettag $0x0;
	lr =	simm.s32 $0x1  }
0x2: {  	[smem:$0x3F95] =	sst lr;
	_ =	strace $0xD0000000  }
0x3: {  	_ = 	snop  }
0x4: {  	_ = 	snop  }
0x5: {  	_ = 	snop  }
0x6: {  	_ = 	snop  }
0x7: {  	_ = 	snop  }
__scs_overlays_trampoline_lowered:
0x8: {  	[smem:$0x3FA4] =	sst s0  }
0x9: {  	[smem:$0x3FA5] =	sst s1  }
0xa: {  	[smem:$0x3FA6] =	sst s2  }
0xb: {  	[smem:$0x3FA7] =	sst s3  }
0xc: {  	[smem:$0x3FA8] =	sst s4  }
0xd: {  	[smem:$0x3FA9] =	sst s5  }
0xe: {  	[smem:$0x3FAA] =	sst s6  }
0xf: {  	[smem:$0x3FAB] =	sst s7  }
0x10: {  	[smem:$0x3FAC] =	sst s8  }
0x11: {  	[smem:$0x3FAD] =	sst s9;
	s0 =	simm.s32 @!p0 $0x0  }
0x12: {  	s1 =	sld [smem:$0x3F93];
	s0 =	simm.s32 @p0 $0x1  }
0x13: {  	[smem:$0x3FAE] =	sst s0;
	s0 =	simm.s32 @!p1 $0x0  }
0x14: {  	s2 =	sld [smem:$0x3F92];
	s0 =	simm.s32 @p1 $0x1  }
0x15: {  	[smem:$0x3FAF] =	sst s0;
	s0 =	simm.s32 @!p2 $0x0  }
0x16: {  	s3 =	sld [smem:$0x3FDB];
	s0 =	simm.s32 @p2 $0x1  }
0x17: {  	s4 =	simm.s32 $0x1BF5;
	[smem:$0x3FB1] =	sst s0  }
0x18: {  	s0 =	sld [smem:$0x3F94];
	_ =	swait.ge [sflag:s4], $0x0  }
0x19: {  	s7 =	sld [smem:$0x3F95]  }
0x1a: {  	s8 =	sadd.s32 $0xFFFFE003, lr  }
0x1b: {  	s9 =	sadd.s32 $0xFFFFFEF7, lr;
	s5 =	simm.s32 $0xFFFFFFFF;
	p2 =	slt.u32 s8, $0xFFFFF086  }
0x1c: {  	p1 =	slt.u32 s9, $0xF7A;
	s5 =	simm.s32 @!p2 $0x0  }
0x1d: {  	s5 =	simm.s32 @p1 $0x1;
	p0 =	seq.s32 s7, s2  }
0x1e: {  	s7 =	smul.u32 @!p0 $0xF7A, s2;
	p2 =	seq.s32 @!p0 s5, $0x0  }
0x1f: {  	s9 =	smul.u32 $0xF7A, s1;
	s8 =	simm.s32 @!p0 $0x1BF5;
	p2 =	por !p2, p0  }
0x20: {  	[sflag:s8] =	ssyncset.s32 @!p0 $0xFFFFF086;
	s6 =	sadd.s32 @!p0 s3, s7;
	s7 =	simm.s32 @!p0 $0x108  }
0x21: {  	s3 =	sadd.s32 s3, s9;
	s6 =	sadd.s32 @!p0 $0x88, s6;
	s7 =	simm.s32 @p2 $0x1082  }
0x22: {  	[simem:s7], [sflag:s8] =	dma.local @!p0 [hbm:s6], $0xF7A  }
0x23: {  	s9 =	sor.u32 $0xD0000000, s2;
	s6 =	simm.s32 $0x108;
	_ =	swait.ge @!p0 [sflag:s8], $0x0  }
0x24: {  	s3 =	sadd.s32 $0x88, s3;
	s6 =	simm.s32 @!p1 $0x1082;
	[sflag:s4] =	ssyncset.s32 $0xFFFFF086  }
0x25: {  	[simem:s6], [sflag:s4] =	dma.local [hbm:s3], $0xF7A  }
0x26: {  	[smem:$0x3F95] =	sst s1;
	(tag) =	ssettag s2;
	_ =	strace s9  }
0x27: {  	s1 =	sld [smem:$0x3FA5]  }
0x28: {  	s2 =	sld [smem:$0x3FA6]  }
0x29: {  	s4 =	sld [smem:$0x3FA8]  }
0x2a: {  	p0 =	seq.s32 s5, $0x0;
	s5 =	sld [smem:$0x3FA9]  }
0x2b: {  	s6 =	sld [smem:$0x3FAA]  }
0x2c: {  	s7 =	sld [smem:$0x3FAB]  }
0x2d: {  	s3 =	simm.s32 $0x108;
	s8 =	sld [smem:$0x3FAC]  }
0x2e: {  	s3 =	simm.s32 @!p0 $0x1082;
	s9 =	sld [smem:$0x3FAD]  }
0x2f: {  	lr =	sadd.s32 s0, s3;
	s0 =	sld [smem:$0x3FA4]  }
0x30: {  	s3 =	sld [smem:$0x3FA7]  }
0x31: {  	[smem:$0x3FB0] =	sst s10  }
0x32: {  	s10 =	sld [smem:$0x3FAE];
	_ =	sdelay $0x3  }
0x33: {  	p0 =	seq.s32 s10, $0x1;
	s10 =	sld [smem:$0x3FB0];
	_ =	sdelay $0x3  }
0x34: {  	[smem:$0x3FB0] =	sst s10  }
0x35: {  	s10 =	sld [smem:$0x3FAF];
	_ =	sdelay $0x3  }
0x36: {  	p1 =	seq.s32 s10, $0x1;
	s10 =	sld [smem:$0x3FB0];
	_ =	sdelay $0x3  }
0x37: {  	[smem:$0x3FB0] =	sst s10  }
0x38: {  	s10 =	sld [smem:$0x3FB1]  }
0x39: {  	_ = 	snop;
	(pc) =	sbr.ind lr, $3  }
0x3a: {  	_ = 	snop  }
0x3b: {  	_ = 	snop  }
0x3c: {  	p2 =	seq.s32 s10, $0x1;
	s10 =	sld [smem:$0x3FB0]  }
0x3d: {  	_ =	shalt  }
0x3e: {  	_ =	shalt  }
0x3f: {  	_ =	shalt  }
0x40: {  	_ =	shalt  }
0x41: {  	_ =	shalt  }
0x42: {  	_ =	shalt  }
0x43: {  	_ =	shalt  }
0x44: {  	_ =	shalt  }
0x45: {  	_ =	shalt  }
0x46: {  	_ =	shalt  }
0x47: {  	_ =	shalt  }
0x48: {  	_ =	shalt  }
0x49: {  	_ =	shalt  }
0x4a: {  	_ =	shalt  }
0x4b: {  	_ =	shalt  }
0x4c: {  	_ =	shalt  }
0x4d: {  	_ =	shalt  }
0x4e: {  	_ =	shalt  }
0x4f: {  	_ =	shalt  }
0x50: {  	_ =	shalt  }
0x51: {  	_ =	shalt  }
0x52: {  	_ =	shalt  }
0x53: {  	_ =	shalt  }
0x54: {  	_ =	shalt  }
0x55: {  	_ =	shalt  }
0x56: {  	_ =	shalt  }
0x57: {  	_ =	shalt  }
0x58: {  	_ =	shalt  }
0x59: {  	_ =	shalt  }
0x5a: {  	_ =	shalt  }
0x5b: {  	_ =	shalt  }
0x5c: {  	_ =	shalt  }
0x5d: {  	_ =	shalt  }
0x5e: {  	_ =	shalt  }
0x5f: {  	_ =	shalt  }
0x60: {  	_ =	shalt  }
0x61: {  	_ =	shalt  }
0x62: {  	_ =	shalt  }
0x63: {  	_ =	shalt  }
0x64: {  	_ =	shalt  }
0x65: {  	_ =	shalt  }
0x66: {  	_ =	shalt  }
0x67: {  	_ =	shalt  }
0x68: {  	_ =	shalt  }
0x69: {  	_ =	shalt  }
0x6a: {  	_ =	shalt  }
0x6b: {  	_ =	shalt  }
0x6c: {  	_ =	shalt  }
0x6d: {  	_ =	shalt  }
0x6e: {  	_ =	shalt  }
0x6f: {  	_ =	shalt  }
0x70: {  	_ =	shalt  }
0x71: {  	_ =	shalt  }
0x72: {  	_ =	shalt  }
0x73: {  	_ =	shalt  }
0x74: {  	_ =	shalt  }
0x75: {  	_ =	shalt  }
0x76: {  	_ =	shalt  }
0x77: {  	_ =	shalt  }
0x78: {  	_ =	shalt  }
0x79: {  	_ =	shalt  }
0x7a: {  	_ =	shalt  }
0x7b: {  	_ =	shalt  }
0x7c: {  	_ =	shalt  }
0x7d: {  	_ =	shalt  }
0x7e: {  	_ =	shalt  }
0x7f: {  	_ =	shalt  }
0x80: {  	_ =	shalt  }
0x81: {  	_ =	shalt  }
0x82: {  	_ =	shalt  }
0x83: {  	_ =	shalt  }
0x84: {  	_ =	shalt  }
0x85: {  	_ =	shalt  }
0x86: {  	_ =	shalt  }
0x87: {  	_ =	shalt  }
.Lfunc_end0:
.L_simem_size_0:
called_computation.2_lowered:
.L_overlay_start_0:
0x88: {  	s2 =	sld [smem:$0x3FD9]  }
0x89: {  	s3 =	sld [smem:$0x3FFE];
	_ =	sdelay $0x1  }
0x8a: {  	s1 =	srdreg.scid  }
0x8b: {  	s0 =	sand.u32 $0x1, s1  }
0x8c: {  	s16 =	sshll.u32 s0, $0xA;
	s2 =	sadd.s32 s3, s2  }
0x8d: {  	s2 =	sadd.s32 s2, s16  }
0x8e: {  	[smem:$0x3FBC] =	sst s2  }
0x8f: {  	_ = 	snop  }
0x90: {  	(tm) =	ssettm $0x1  }
0x91: {  	s17 =	sld [smem:$0x3FFB];
	_ =	sdelay $0x3  }
0x92: {  	_ =	strace s17  }
0x93: {  	s2 =	sld [smem:$0x3FFC];
	_ =	sdelay $0x3  }
0x94: {  	_ =	strace s2  }
0x95: {  	s2 =	sld [smem:$0x3FFD];
	_ =	sdelay $0x3  }
0x96: {  	_ =	strace s2  }
0x97: {  	_ =	strace $0x8FFFFFFF  }
0x98: {  	s18 =	sld [smem:$0x3FDB];
	_ =	sdelay $0x1  }
0x99: {  	s19 =	simm.s32 $_scs_section_size  }
0x9a: {  	s4 =	simm.s32 $_size__tile_overlayer_lowered;
	s5 =	simm.s32 $_tile_overlayer_lowered  }
0x9b: {  	s22 =	simm.s32 $0x1BFF;
	s21 =	sshll.u32 s5, $0x1;
	s2 =	sadd.s32 s19, s18  }
0x9c: {  	s6 =	simm.s32 $0x0;
	s20 =	sshll.u32 s4, $0x1;
	s4 =	sadd.s32 s21, s2  }
0x9d: {  	[timem:s6], [sflag:s22] =	dma.local [hbm:s4], s20  }
0x9e: {  	_ =	swait.ge [sflag:s22], s20  }
0x9f: {  	s3 =	ssub.s32 $0x0, s20;
	[sflag:s22] =	ssyncset.done $0x0  }
0xa0: {  	[sflag:s22] =	ssyncadd.s32 s3;
	_ =	sdelay $0x1  }
0xa1: {  	s23 =	simm.s32 $0x1B8B  }
0xa2: {  	_ =	swait.ge [sflag:s23], $0x1  }
0xa3: {  	[sflag:s23] =	ssyncset.done $0x0  }
0xa4: {  	s25 =	simm.s32 $0x1B8E;
	s24 =	sld [smem:$0x3FFE];
	[sflag:s23] =	ssyncadd.s32 $0xFFFFFFFF  }
0xa5: {  	s26 =	simm.s32 $execute0_lowered;
	[smem:$0x3FD2] =	sst s25  }
0xa6: {  	s4 =	sshll.u32 s26, $0x1;
	_ =	strace $0x8000004C;
	[dreg:$0x1] =	wrdreg $0xFFFFFFFF  }
0xa7: {  	s28 =	simm.s32 $_size_execute0_lowered;
	s2 =	sadd.s32 s2, s4;
	[dreg:$0x0] =	wrdreg $0x0  }
0xa8: {  	s4 =	sshll.u32 s28, $0x1;
	[dreg:$0x2] =	wrdreg s2  }
0xa9: {  	[dreg:$0x3] =	wrdreg s4  }
0xaa: {  	[dreg:$0x4] =	wrdreg $0xC0  }
0xab: {  	_ =	task [dreg:s6], $0x5FFFF  }
0xac: {  	[dreg:$0x1] =	wrdreg $0xFFFFFFFF  }
0xad: {  	[dreg:$0x0] =	wrdreg $0x60  }
0xae: {  	[dreg:$0x2] =	wrdreg s24  }
0xaf: {  	[dreg:$0x3] =	wrdreg $0xA4000  }
0xb0: {  	[dreg:$0x4] =	wrdreg $0x9  }
0xb1: {  	_ =	task.clear_ibuf [dreg:s6], $0x5FFFF;
	_ =	strace $0x9000004C  }
0xb2: {  	s29 =	simm.s32 $0x9;
	_ =	strace $0x8000004E  }
0xb3: {  	_ =	swait.ge [sflag:s29], $0x1  }
0xb4: {  	[sflag:s29] =	ssyncadd.s32 $0xFFFFFFFF  }
0xb5: {  	_ =	strace $0x9000004E  }
0xb6: {  	_ =	sfence  }
0xb7: {  	s30 =	sld [smem:$0x0];
	_ =	sdelay $0x2  }
0xb8: {  	s31 =	sshll.u32 s1, $0xD;
	s1 =	sshrl.u32 s1, $0x2  }
0xb9: {  	s3 =	sand.u32 $0x4000, s31;
	s1 =	sadd.s32 s1, s30  }
0xba: {  	s0 =	sor.u32 s3, s0;
	s1 =	sshll.u32 s1, $0x11  }
0xbb: {  	s0 =	sor.u32 s1, s0  }
0xbc: {  	s0 =	sadd.s32 $0x8F2B, s0  }
0xbd: {  	[sflag:s0] =	ssyncadd.remote.s32 $0x1  }
0xbe: {  	_ =	sfence.sel $0xFFFF  }
0xbf: {  	[dreg:$0x0] =	wrdreg $0xFFFFFFFF;
	(pc) =	sbr.abs _section_cstart, $3  }
0xc0: {  	[dreg:$0x1] =	wrdreg $0xFFFFFFFF  }
0xc1: {  	_ =	task.clear_ibuf [dreg:s6], $0x2FFFF;
	_ =	strace $0x9FFFFFFF  }
0xc2: {  	(tm) =	ssettm $0x7FFFFFFF  }
0xc3: {  	_ =	shalt  }
tec
execute0_lowered:
.L_overlay_start_1:
0x0: {  	(tag) =	ssettag $0x1  }
0x1: {  	s0 =	rddreg [dreg:$0x0]  }
0x2: {  	s2 =	rddreg [dreg:$0x1];
	s3 =	simm.s32 $0x0  }
0x3: {  	s12 =	stileid.u32;
	s1 =	srdreg.scid;
	s28 =	simm.s32 $0x3  }
0x4: {  	s29 =	simm.s32 $0x200;
	s30 =	simm.s32 $0x80;
	s31 =	simm.s32 $0x280  }
0x5: {  	[smem:$0x7FF] =	sst s3;
	s7 =	smul.u32 $0x14000, s12;
	s1 =	sand.u32 $0x1, s1  }
0x6: {  	s4 =	sadd.s32 $0x3F600, s0;
	s5 =	sadd.s32 $0xD800, s0;
	s6 =	sadd.s32 $0x3A00, s0  }
0x7: {  	s18 =	smul.u32 $0x50000, s12;
	s10 =	sshll.u32 s12, $0x1;
	s20 =	sshll.u32 s12, $0x6  }
0x8: {  	s24 =	smul.u32 $0x4E20, s12;
	s12 =	simm.s32 $0x2C00;
	_ =	strace $0x8000004D  }
0x9: {  	s8 =	smul.u32 $0x140000, s1;
	s19 =	ssub.s32 $0x2, s1;
	s10 =	sor.u32 s1, s10  }
0xa: {  	s16 =	sor.u32 $0x1C03, s20;
	s1 =	smul.u32 $0x2710, s1;
	s9 =	sshrl.u32 s7, $0x3  }
0xb: {  	s11 =	sshrl.u32 s19, $0x1;
	s10 =	smul.u32 $0x2710, s10;
	[dreg:$0x5] =	wrdreg s16  }
0xc: {  	s9 =	sadd.s32 s9, s0;
	s7 =	sadd.s32 s7, s8;
	s8 =	sshrl.u32 s18, $0x2  }
0xd: {  	s1 =	sadd.s32 s1, s24;
	s7 =	sshrl.u32 s7, $0x3;
	s8 =	sadd.s32 s8, s2  }
0xe: {  	s9 =	sadd.s32 $0x17600, s9;
	s21 =	sshrl.u32 s10, $0x3;
	s10 =	simm.s32 $0x50  }
0xf: {  	s0 =	sadd.s32 s7, s0;
	s7 =	ssub.s32 s19, s11;
	[dreg:$0x3] =	wrdreg s8  }
0x10: {  	[dreg:$0x4] =	wrdreg s9;
	s22 =	sadd.s32 s5, s21;
	s23 =	sadd.s32 s6, s21  }
0x11: {  	s25 =	sadd.s32 $0xA, s21;
	s26 =	sadd.s32 $0x14, s21;
	[dreg:$0x6] =	wrdreg s22  }
0x12: {  	s8 =	sadd.s32 $0x1E, s21;
	[dreg:$0x7] =	wrdreg s23;
	s13 =	sadd.s32 s5, s25  }
0x13: {  	s19 =	sadd.s32 $0x230, s1;
	s14 =	sadd.s32 s6, s25;
	[dreg:$0x8] =	wrdreg s13  }
0x14: {  	s11 =	simm.s32 $0x400;
	s15 =	sadd.s32 s5, s26;
	[dreg:$0x9] =	wrdreg s14  }
0x15: {  	s17 =	sadd.s32 s6, s26;
	s18 =	sadd.s32 s5, s8;
	[dreg:$0xa] =	wrdreg s15  }
0x16: {  	s8 =	sadd.s32 s6, s8;
	s0 =	sadd.s32 $0xE5400, s0;
	[dreg:$0xb] =	wrdreg s17  }
0x17: {  	s20 =	smax.u32 s7, $0x1;
	s21 =	sshrl.u32 s19, $0x3;
	[dreg:$0xc] =	wrdreg s18  }
0x18: {  	s22 =	sadd.s32 $0x1E0, s1;
	s23 =	sadd.s32 $0x190, s1;
	[dreg:$0xd] =	wrdreg s8  }
0x19: {  	s26 =	sadd.s32 $0x140, s1;
	s1 =	simm.s32 $0x180;
	[dreg:$0xe] =	wrdreg s0  }
0x1a: {  	s7 =	simm.s32 $0x380;
	[dreg:$0xf] =	wrdreg s20;
	s20 =	sadd.s32 s21, s6  }
.Ltmp0:
0x1b: {  	s21 =	sadd.s32 s21, s5;
	s24 =	sshrl.u32 s22, $0x3;
	(pc) =	sbr.rel .LBB2_1-.Ltmp0, $4  }
0x1c: {  	s25 =	sshrl.u32 s23, $0x3;
	[dreg:$0x10] =	wrdreg s26;
	s0 =	simm.s32 $0x100  }
0x1d: {  	s8 =	simm.s32 $0x1;
	s13 =	simm.s32 $0x5400;
	s14 =	simm.s32 $0x7C00  }
0x1e: {  	s15 =	simm.s32 $0x2;
	s17 =	simm.s32 $0x0;
	s22 =	sadd.s32 s24, s6  }
0x1f: {  	s23 =	sadd.s32 s24, s5;
	s24 =	sadd.s32 s25, s6;
	s25 =	sadd.s32 s25, s5  }
.LBB2_4:
0x20: {  	_ =	swait.ge [sflag:s8], $0x50  }
0x21: {  	[sflag:s8] =	ssyncset.done $0x0  }
0x22: {  	[sflag:s8] =	ssyncadd.s32 $0xFFFFFFB0  }
0x23: {  	_ =	swait.ge [sflag:s8], $0x50  }
0x24: {  	[sflag:s8] =	ssyncset.done $0x0  }
0x25: {  	[sflag:s8] =	ssyncadd.s32 $0xFFFFFFB0  }
0x26: {  	[tilespmem:s11], [sflag:$0x2] =	stream.indirect.gather [hbm4b:s4+s10], $0x80, s3, s10, $0xb8;
	[tilespmem:$0x1E400] =	vst v63  }
0x27: {  	_ =	swait.ge [sflag:s15], $0x2800  }
0x28: {  	[sflag:s15] =	ssyncset.done $0x0  }
0x29: {  	[sflag:s15] =	ssyncadd.s32 $0xFFFFD800  }
0x2a: {  	[spmem:s2] =	stream.indirect.scatter.add.f32 [tilespmem:s11], [sflag:$0x3], $0x80, s29, s10, $0xb8;
	[tilespmem:$0x1E400] =	vst v63  }
0x2b: {  	_ =	swait.ge [sflag:s28], $0x2800  }
0x2c: {  	[sflag:s28] =	ssyncset.done $0x0  }
0x2d: {  	[sflag:s28] =	ssyncadd.s32 $0xFFFFD800  }
0x2e: {  	[bflag:$0x0] =	sbarrier.arrive $0xFFFF  }
0x2f: {  	s16 =	rddreg [dreg:$0x5]  }
0x30: {  	s9 =	rddreg [dreg:$0xe]  }
0x31: {  	s17 =	rddreg [dreg:$0x12]  }
0x32: {  	[hbm:s9], [sflag:s16] =	dma.local [spmem:s17], $0x2800  }
0x33: {  	_ =	swait.ge [sflag:s28], $0x2800  }
0x34: {  	s19 =	rddreg [dreg:$0x11]  }
0x35: {  	s26 =	rddreg [dreg:$0xf];
	s17 =	sadd.s32 $0x1, s19  }
0x36: {  	p0 =	sne.s32 s17, s26  }
.Ltmp1:
0x37: {  	_ = 	snop;
	(pc) =	sbr.rel @!p0 .LBB2_5-.Ltmp1, $3  }
0x38: {  	_ =	sdelay $0x1  }
0x39: {  	[sflag:s28] =	ssyncset.done $0x0  }
0x3a: {  	[sflag:s28] =	ssyncadd.s32 $0xFFFFD800  }
.LBB2_1:
0x3b: {  	[dreg:$0x11] =	wrdreg s17  }
0x3c: {  	s9 =	rddreg [dreg:$0x3]  }
0x3d: {  	s26 =	rddreg [dreg:$0x4];
	s19 =	sshrl.u32 s9, $0x3  }
0x3e: {  	[dreg:$0x12] =	wrdreg s19  }
0x3f: {  	[spmem:s19], [sflag:s16] =	dma.local [hbm:s26], $0x2800  }
0x40: {  	_ =	swait.ge [sflag:s28], $0x2800  }
0x41: {  	[sflag:s28] =	ssyncset.done $0x0  }
0x42: {  	[sflag:s28] =	ssyncadd.s32 $0xFFFFD800  }
0x43: {  	[bflag:$0x0] =	sbarrier.arrive $0xFFFF  }
0x44: {  	s17 =	rddreg [dreg:$0x6]  }
0x45: {  	[tilespmem:s3], [sflag:$0x1] =	stream.linear.gather [hbm4b:s17+s3], $0x50, $0x38;
	[tilespmem:$0x1E400] =	vst v63  }
0x46: {  	s18 =	rddreg [dreg:$0x7]  }
0x47: {  	[tilespmem:s29], [sflag:$0x1] =	stream.linear.gather [hbm4b:s18+s3], $0x50, $0x38;
	[tilespmem:$0x1E400] =	vst v63  }
0x48: {  	s19 =	rddreg [dreg:$0x8]  }
0x49: {  	[tilespmem:s30], [sflag:$0x1] =	stream.linear.gather [hbm4b:s19+s3], $0x50, $0x38;
	[tilespmem:$0x1E400] =	vst v63  }
0x4a: {  	s26 =	rddreg [dreg:$0x9]  }
0x4b: {  	[tilespmem:s31], [sflag:$0x1] =	stream.linear.gather [hbm4b:s26+s3], $0x50, $0x38;
	[tilespmem:$0x1E400] =	vst v63  }
0x4c: {  	s16 =	rddreg [dreg:$0xa]  }
0x4d: {  	[tilespmem:s0], [sflag:$0x1] =	stream.linear.gather [hbm4b:s16+s3], $0x50, $0x38;
	[tilespmem:$0x1E400] =	vst v63  }
0x4e: {  	s17 =	rddreg [dreg:$0xb];
	s18 =	simm.s32 $0x300  }
0x4f: {  	[tilespmem:s18], [sflag:$0x1] =	stream.linear.gather [hbm4b:s17+s3], $0x50, $0x38;
	[tilespmem:$0x1E400] =	vst v63  }
0x50: {  	s19 =	rddreg [dreg:$0xc]  }
0x51: {  	[tilespmem:s1], [sflag:$0x1] =	stream.linear.gather [hbm4b:s19+s3], $0x50, $0x38;
	[tilespmem:$0x1E400] =	vst v63  }
0x52: {  	s26 =	rddreg [dreg:$0xd]  }
0x53: {  	[tilespmem:s7], [sflag:$0x1] =	stream.linear.gather [hbm4b:s26+s3], $0x50, $0x38;
	[tilespmem:$0x1E400] =	vst v63  }
0x54: {  	s19 =	simm.s32 $0x0;
	s26 =	rddreg [dreg:$0x10]  }
.LBB2_2:
0x55: {  	_ =	swait.ge [sflag:s8], $0x50  }
0x56: {  	[sflag:s8] =	ssyncset.done $0x0  }
0x57: {  	[sflag:s8] =	ssyncadd.s32 $0xFFFFFFB0  }
0x58: {  	_ =	swait.ge [sflag:s8], $0x50  }
0x59: {  	[sflag:s8] =	ssyncset.done $0x0  }
0x5a: {  	[sflag:s8] =	ssyncadd.s32 $0xFFFFFFB0  }
0x5b: {  	[tilespmem:s11], [sflag:$0x2] =	stream.indirect.gather [hbm4b:s4+s10], $0x80, s3, s10, $0xb8;
	[tilespmem:$0x1E400] =	vst v63  }
0x5c: {  	_ =	swait.ge [sflag:s8], $0x50  }
0x5d: {  	[sflag:s8] =	ssyncset.done $0x0  }
0x5e: {  	[sflag:s8] =	ssyncadd.s32 $0xFFFFFFB0  }
0x5f: {  	_ =	swait.ge [sflag:s8], $0x50  }
0x60: {  	[sflag:s8] =	ssyncset.done $0x0  }
0x61: {  	[sflag:s8] =	ssyncadd.s32 $0xFFFFFFB0  }
0x62: {  	[tilespmem:s12], [sflag:$0x2] =	stream.indirect.gather [hbm4b:s4+s10], $0x80, s30, s10, $0xb8;
	[tilespmem:$0x1E400] =	vst v63  }
0x63: {  	_ =	swait.ge [sflag:s8], $0x50  }
0x64: {  	[sflag:s8] =	ssyncset.done $0x0  }
0x65: {  	[sflag:s8] =	ssyncadd.s32 $0xFFFFFFB0  }
0x66: {  	_ =	swait.ge [sflag:s8], $0x50  }
0x67: {  	[sflag:s8] =	ssyncset.done $0x0  }
0x68: {  	[sflag:s8] =	ssyncadd.s32 $0xFFFFFFB0  }
0x69: {  	[tilespmem:s13], [sflag:$0x2] =	stream.indirect.gather [hbm4b:s4+s10], $0x80, s0, s10, $0xb8;
	[tilespmem:$0x1E400] =	vst v63  }
0x6a: {  	_ =	swait.ge [sflag:s8], $0x50  }
0x6b: {  	[sflag:s8] =	ssyncset.done $0x0  }
0x6c: {  	[sflag:s8] =	ssyncadd.s32 $0xFFFFFFB0  }
0x6d: {  	_ =	swait.ge [sflag:s8], $0x50  }
0x6e: {  	[sflag:s8] =	ssyncset.done $0x0  }
0x6f: {  	[sflag:s8] =	ssyncadd.s32 $0xFFFFFFB0  }
0x70: {  	[tilespmem:s14], [sflag:$0x2] =	stream.indirect.gather [hbm4b:s4+s10], $0x80, s1, s10, $0xb8;
	[tilespmem:$0x1E400] =	vst v63  }
0x71: {  	_ =	swait.ge [sflag:s15], $0x2800  }
0x72: {  	[sflag:s15] =	ssyncset.done $0x0  }
0x73: {  	[sflag:s15] =	ssyncadd.s32 $0xFFFFD800  }
0x74: {  	[spmem:s2] =	stream.indirect.scatter.add.f32 [tilespmem:s11], [sflag:$0x3], $0x80, s29, s10, $0xb8;
	[tilespmem:$0x1E400] =	vst v63  }
0x75: {  	_ =	swait.ge [sflag:s28], $0x2800  }
0x76: {  	s18 =	sshrl.u32 s26, $0x3;
	[sflag:s28] =	ssyncset.done $0x0  }
0x77: {  	s9 =	sadd.s32 s5, s18;
	[sflag:s28] =	ssyncadd.s32 $0xFFFFD800  }
0x78: {  	[tilespmem:s3], [sflag:$0x1] =	stream.linear.gather [hbm4b:s9+s3], $0x50, $0x38;
	[tilespmem:$0x1E400] =	vst v63  }
0x79: {  	s18 =	sadd.s32 s6, s18  }
0x7a: {  	[tilespmem:s29], [sflag:$0x1] =	stream.linear.gather [hbm4b:s18+s3], $0x50, $0x38;
	[tilespmem:$0x1E400] =	vst v63  }
0x7b: {  	_ =	swait.ge [sflag:s15], $0x2800  }
0x7c: {  	[sflag:s15] =	ssyncset.done $0x0  }
0x7d: {  	[sflag:s15] =	ssyncadd.s32 $0xFFFFD800  }
0x7e: {  	[spmem:s2] =	stream.indirect.scatter.add.f32 [tilespmem:s12], [sflag:$0x3], $0x80, s31, s10, $0xb8;
	[tilespmem:$0x1E400] =	vst v63  }
0x7f: {  	_ =	swait.ge [sflag:s28], $0x2800  }
0x80: {  	p0 =	seq.s32 s19, $0x4B0;
	[sflag:s28] =	ssyncset.done $0x0  }
0x81: {  	s9 =	simm.s32 @p0 $0x2;
	[sflag:s28] =	ssyncadd.s32 $0xFFFFD800  }
0x82: {  	_ =	swait.ge @p0 [sflag:s9], $0x2800  }
0x83: {  	s17 =	simm.s32 @p0 $0x5400;
	[sflag:s9] =	ssyncset.done @p0 $0x0  }
0x84: {  	s18 =	simm.s32 @p0 $0x300;
	[sflag:s9] =	ssyncadd.s32 @p0 $0xFFFFD800;
	s9 =	simm.s32 @p0 $0x50  }
0x85: {  	[spmem:s2] =	stream.indirect.scatter.add.f32 @p0 [tilespmem:s17], [sflag:$0x3], $0x80, s18, s9, $0xb8;
	[tilespmem:$0x1E400] =	vst v63  }
0x86: {  	s9 =	simm.s32 @p0 $0x3  }
0x87: {  	_ =	swait.ge @p0 [sflag:s9], $0x2800  }
0x88: {  	s17 =	simm.s32 @!p0 $0x0;
	[sflag:s9] =	ssyncset.done @p0 $0x0  }
0x89: {  	s18 =	simm.s32 @!p0 $0x80;
	[sflag:s9] =	ssyncadd.s32 @p0 $0xFFFFD800;
	s9 =	sadd.s32 @!p0 s19, s25  }
0x8a: {  	[tilespmem:s18], [sflag:$0x1] =	stream.linear.gather @!p0 [hbm4b:s9+s17], $0x50, $0x38;
	[tilespmem:$0x1E400] =	vst v63  }
0x8b: {  	s9 =	sadd.s32 @!p0 s19, s24;
	s18 =	simm.s32 @!p0 $0x280  }
0x8c: {  	[tilespmem:s18], [sflag:$0x1] =	stream.linear.gather @!p0 [hbm4b:s9+s17], $0x50, $0x38;
	[tilespmem:$0x1E400] =	vst v63  }
0x8d: {  	s9 =	simm.s32 @!p0 $0x2  }
0x8e: {  	_ =	swait.ge @!p0 [sflag:s9], $0x2800  }
0x8f: {  	s16 =	simm.s32 @!p0 $0x5400;
	[sflag:s9] =	ssyncset.done @!p0 $0x0  }
0x90: {  	s18 =	simm.s32 @!p0 $0x300;
	[sflag:s9] =	ssyncadd.s32 @!p0 $0xFFFFD800;
	s9 =	simm.s32 @!p0 $0x50  }
0x91: {  	[spmem:s2] =	stream.indirect.scatter.add.f32 @!p0 [tilespmem:s16], [sflag:$0x3], $0x80, s18, s9, $0xb8;
	[tilespmem:$0x1E400] =	vst v63  }
0x92: {  	s9 =	simm.s32 @!p0 $0x3  }
0x93: {  	_ =	swait.ge @!p0 [sflag:s9], $0x2800  }
0x94: {  	[sflag:s9] =	ssyncset.done @!p0 $0x0  }
0x95: {  	s16 =	simm.s32 @!p0 $0x100;
	[sflag:s9] =	ssyncadd.s32 @!p0 $0xFFFFD800;
	s9 =	sadd.s32 @!p0 s19, s23  }
0x96: {  	[tilespmem:s16], [sflag:$0x1] =	stream.linear.gather @!p0 [hbm4b:s9+s17], $0x50, $0x38;
	[tilespmem:$0x1E400] =	vst v63  }
0x97: {  	s9 =	sadd.s32 @!p0 s19, s22  }
0x98: {  	[tilespmem:s18], [sflag:$0x1] =	stream.linear.gather @!p0 [hbm4b:s9+s17], $0x50, $0x38;
	[tilespmem:$0x1E400] =	vst v63  }
0x99: {  	_ =	swait.ge [sflag:s15], $0x2800  }
0x9a: {  	[sflag:s15] =	ssyncset.done $0x0  }
.Ltmp2:
0x9b: {  	[sflag:s15] =	ssyncadd.s32 $0xFFFFD800;
	(pc) =	sbr.rel @p0 .LBB2_4-.Ltmp2, $4  }
0x9c: {  	[spmem:s2] =	stream.indirect.scatter.add.f32 [tilespmem:s14], [sflag:$0x3], $0x80, s7, s10, $0xb8;
	[tilespmem:$0x1E400] =	vst v63  }
0x9d: {  	_ =	swait.ge [sflag:s28], $0x2800  }
0x9e: {  	[sflag:s28] =	ssyncset.done $0x0  }
0x9f: {  	[sflag:s28] =	ssyncadd.s32 $0xFFFFD800  }
.Ltmp3:
0xa0: {  	(pc) =	sbr.rel .LBB2_2-.Ltmp3, $4  }
0xa1: {  	s9 =	sadd.s32 s19, s21  }
0xa2: {  	[tilespmem:s1], [sflag:$0x1] =	stream.linear.gather [hbm4b:s9+s3], $0x50, $0x38;
	[tilespmem:$0x1E400] =	vst v63  }
0xa3: {  	s18 =	sadd.s32 s19, s20;
	s19 =	sadd.s32 $0x28, s19;
	s26 =	sadd.s32 $0x140, s26  }
0xa4: {  	[tilespmem:s7], [sflag:$0x1] =	stream.linear.gather [hbm4b:s18+s3], $0x50, $0x38;
	[tilespmem:$0x1E400] =	vst v63  }
.LBB2_5:
0xa5: {  	_ =	sfence.sel $0x180000  }
0xa6: {  	[bflag:$0x0] =	sbarrier.arrive $0xFFFF  }
0xa7: {  	_ =	strace $0x9000004D  }
0xa8: {  	s0 =	stileid.u32;
	[bflag:$0x2] =	sbarrier.arrive $0xFFFF  }
0xa9: {  	p0 =	sne.s32 s0, $0x0;
	s0 =	rddreg [dreg:$0x2]  }
0xaa: {  	s0 =	sadd.s32 @!p0 $0x100000, s0  }
0xab: {  	[sflag:s0] =	ssyncadd.tile.s32 @!p0 $0x1;
	_ =	shalt  }
.Lfunc_end2:
_tile_overlayer_lowered:
.L_overlay_start_2:
0xac: {  	(tag) =	ssettag $0x2  }
0xad: {  	s0 =	rddreg [dreg:$0x0];
	s2 =	stileid.u32  }
0xae: {  	s1 =	rddreg [dreg:$0x1];
	p0 =	sne.s32 s2, $0x0  }
0xaf: {  	s3 =	rddreg [dreg:$0x2];
	[bflag:$0x3] =	sbarrier.arrive $0xFFFF;
	s2 =	simm.s32 @!p0 $0x1C03  }
0xb0: {  	[timem:s3], [sflag:s2] =	dma.local @!p0 [hbm:s0], s1  }
0xb1: {  	s0 =	simm.s32 @!p0 $0x3  }
0xb2: {  	_ =	swait.ge @!p0 [sflag:s0], s1  }
0xb3: {  	s1 =	ssub.s32 @!p0 $0x0, s1;
	[sflag:s0] =	ssyncset.done @!p0 $0x0  }
0xb4: {  	[sflag:s0] =	ssyncadd.s32 @!p0 s1  }
0xb5: {  	[bflag:$0x3] =	sbarrier.arrive $0xFFFF  }
0xb6: {  	_ =	shalt  }

// kernel: kernel.20.cloned.1.call-start
scs
__scs_entry_jumppad:
0x0: {  	(pc) =	sbr.rel $0x88, $3  }
0x1: {  	(tag) =	ssettag $0x0;
	lr =	simm.s32 $0x1  }
0x2: {  	[smem:$0x3F95] =	sst lr;
	_ =	strace $0xD0000000  }
0x3: {  	_ = 	snop  }
0x4: {  	_ = 	snop  }
0x5: {  	_ = 	snop  }
0x6: {  	_ = 	snop  }
0x7: {  	_ = 	snop  }
__scs_overlays_trampoline_lowered:
0x8: {  	[smem:$0x3FA4] =	sst s0  }
0x9: {  	[smem:$0x3FA5] =	sst s1  }
0xa: {  	[smem:$0x3FA6] =	sst s2  }
0xb: {  	[smem:$0x3FA7] =	sst s3  }
0xc: {  	[smem:$0x3FA8] =	sst s4  }
0xd: {  	[smem:$0x3FA9] =	sst s5  }
0xe: {  	[smem:$0x3FAA] =	sst s6  }
0xf: {  	[smem:$0x3FAB] =	sst s7  }
0x10: {  	[smem:$0x3FAC] =	sst s8  }
0x11: {  	[smem:$0x3FAD] =	sst s9;
	s0 =	simm.s32 @!p0 $0x0  }
0x12: {  	s1 =	sld [smem:$0x3F93];
	s0 =	simm.s32 @p0 $0x1  }
0x13: {  	[smem:$0x3FAE] =	sst s0;
	s0 =	simm.s32 @!p1 $0x0  }
0x14: {  	s2 =	sld [smem:$0x3F92];
	s0 =	simm.s32 @p1 $0x1  }
0x15: {  	[smem:$0x3FAF] =	sst s0;
	s0 =	simm.s32 @!p2 $0x0  }
0x16: {  	s3 =	sld [smem:$0x3FDB];
	s0 =	simm.s32 @p2 $0x1  }
0x17: {  	s4 =	simm.s32 $0x1BF5;
	[smem:$0x3FB1] =	sst s0  }
0x18: {  	s0 =	sld [smem:$0x3F94];
	_ =	swait.ge [sflag:s4], $0x0  }
0x19: {  	s7 =	sld [smem:$0x3F95]  }
0x1a: {  	s8 =	sadd.s32 $0xFFFFE003, lr  }
0x1b: {  	s9 =	sadd.s32 $0xFFFFFEF7, lr;
	s5 =	simm.s32 $0xFFFFFFFF;
	p2 =	slt.u32 s8, $0xFFFFF086  }
0x1c: {  	p1 =	slt.u32 s9, $0xF7A;
	s5 =	simm.s32 @!p2 $0x0  }
0x1d: {  	s5 =	simm.s32 @p1 $0x1;
	p0 =	seq.s32 s7, s2  }
0x1e: {  	s7 =	smul.u32 @!p0 $0xF7A, s2;
	p2 =	seq.s32 @!p0 s5, $0x0  }
0x1f: {  	s9 =	smul.u32 $0xF7A, s1;
	s8 =	simm.s32 @!p0 $0x1BF5;
	p2 =	por !p2, p0  }
0x20: {  	[sflag:s8] =	ssyncset.s32 @!p0 $0xFFFFF086;
	s6 =	sadd.s32 @!p0 s3, s7;
	s7 =	simm.s32 @!p0 $0x108  }
0x21: {  	s3 =	sadd.s32 s3, s9;
	s6 =	sadd.s32 @!p0 $0x88, s6;
	s7 =	simm.s32 @p2 $0x1082  }
0x22: {  	[simem:s7], [sflag:s8] =	dma.local @!p0 [hbm:s6], $0xF7A  }
0x23: {  	s9 =	sor.u32 $0xD0000000, s2;
	s6 =	simm.s32 $0x108;
	_ =	swait.ge @!p0 [sflag:s8], $0x0  }
0x24: {  	s3 =	sadd.s32 $0x88, s3;
	s6 =	simm.s32 @!p1 $0x1082;
	[sflag:s4] =	ssyncset.s32 $0xFFFFF086  }
0x25: {  	[simem:s6], [sflag:s4] =	dma.local [hbm:s3], $0xF7A  }
0x26: {  	[smem:$0x3F95] =	sst s1;
	(tag) =	ssettag s2;
	_ =	strace s9  }
0x27: {  	s1 =	sld [smem:$0x3FA5]  }
0x28: {  	s2 =	sld [smem:$0x3FA6]  }
0x29: {  	s4 =	sld [smem:$0x3FA8]  }
0x2a: {  	p0 =	seq.s32 s5, $0x0;
	s5 =	sld [smem:$0x3FA9]  }
0x2b: {  	s6 =	sld [smem:$0x3FAA]  }
0x2c: {  	s7 =	sld [smem:$0x3FAB]  }
0x2d: {  	s3 =	simm.s32 $0x108;
	s8 =	sld [smem:$0x3FAC]  }
0x2e: {  	s3 =	simm.s32 @!p0 $0x1082;
	s9 =	sld [smem:$0x3FAD]  }
0x2f: {  	lr =	sadd.s32 s0, s3;
	s0 =	sld [smem:$0x3FA4]  }
0x30: {  	s3 =	sld [smem:$0x3FA7]  }
0x31: {  	[smem:$0x3FB0] =	sst s10  }
0x32: {  	s10 =	sld [smem:$0x3FAE];
	_ =	sdelay $0x3  }
0x33: {  	p0 =	seq.s32 s10, $0x1;
	s10 =	sld [smem:$0x3FB0];
	_ =	sdelay $0x3  }
0x34: {  	[smem:$0x3FB0] =	sst s10  }
0x35: {  	s10 =	sld [smem:$0x3FAF];
	_ =	sdelay $0x3  }
0x36: {  	p1 =	seq.s32 s10, $0x1;
	s10 =	sld [smem:$0x3FB0];
	_ =	sdelay $0x3  }
0x37: {  	[smem:$0x3FB0] =	sst s10  }
0x38: {  	s10 =	sld [smem:$0x3FB1]  }
0x39: {  	_ = 	snop;
	(pc) =	sbr.ind lr, $3  }
0x3a: {  	_ = 	snop  }
0x3b: {  	_ = 	snop  }
0x3c: {  	p2 =	seq.s32 s10, $0x1;
	s10 =	sld [smem:$0x3FB0]  }
0x3d: {  	_ =	shalt  }
0x3e: {  	_ =	shalt  }
0x3f: {  	_ =	shalt  }
0x40: {  	_ =	shalt  }
0x41: {  	_ =	shalt  }
0x42: {  	_ =	shalt  }
0x43: {  	_ =	shalt  }
0x44: {  	_ =	shalt  }
0x45: {  	_ =	shalt  }
0x46: {  	_ =	shalt  }
0x47: {  	_ =	shalt  }
0x48: {  	_ =	shalt  }
0x49: {  	_ =	shalt  }
0x4a: {  	_ =	shalt  }
0x4b: {  	_ =	shalt  }
0x4c: {  	_ =	shalt  }
0x4d: {  	_ =	shalt  }
0x4e: {  	_ =	shalt  }
0x4f: {  	_ =	shalt  }
0x50: {  	_ =	shalt  }
0x51: {  	_ =	shalt  }
0x52: {  	_ =	shalt  }
0x53: {  	_ =	shalt  }
0x54: {  	_ =	shalt  }
0x55: {  	_ =	shalt  }
0x56: {  	_ =	shalt  }
0x57: {  	_ =	shalt  }
0x58: {  	_ =	shalt  }
0x59: {  	_ =	shalt  }
0x5a: {  	_ =	shalt  }
0x5b: {  	_ =	shalt  }
0x5c: {  	_ =	shalt  }
0x5d: {  	_ =	shalt  }
0x5e: {  	_ =	shalt  }
0x5f: {  	_ =	shalt  }
0x60: {  	_ =	shalt  }
0x61: {  	_ =	shalt  }
0x62: {  	_ =	shalt  }
0x63: {  	_ =	shalt  }
0x64: {  	_ =	shalt  }
0x65: {  	_ =	shalt  }
0x66: {  	_ =	shalt  }
0x67: {  	_ =	shalt  }
0x68: {  	_ =	shalt  }
0x69: {  	_ =	shalt  }
0x6a: {  	_ =	shalt  }
0x6b: {  	_ =	shalt  }
0x6c: {  	_ =	shalt  }
0x6d: {  	_ =	shalt  }
0x6e: {  	_ =	shalt  }
0x6f: {  	_ =	shalt  }
0x70: {  	_ =	shalt  }
0x71: {  	_ =	shalt  }
0x72: {  	_ =	shalt  }
0x73: {  	_ =	shalt  }
0x74: {  	_ =	shalt  }
0x75: {  	_ =	shalt  }
0x76: {  	_ =	shalt  }
0x77: {  	_ =	shalt  }
0x78: {  	_ =	shalt  }
0x79: {  	_ =	shalt  }
0x7a: {  	_ =	shalt  }
0x7b: {  	_ =	shalt  }
0x7c: {  	_ =	shalt  }
0x7d: {  	_ =	shalt  }
0x7e: {  	_ =	shalt  }
0x7f: {  	_ =	shalt  }
0x80: {  	_ =	shalt  }
0x81: {  	_ =	shalt  }
0x82: {  	_ =	shalt  }
0x83: {  	_ =	shalt  }
0x84: {  	_ =	shalt  }
0x85: {  	_ =	shalt  }
0x86: {  	_ =	shalt  }
0x87: {  	_ =	shalt  }
.Lfunc_end0:
.L_simem_size_0:
called_computation.3_lowered:
.L_overlay_start_0:
0x88: {  	s2 =	sld [smem:$0x3FD9]  }
0x89: {  	s3 =	sld [smem:$0x3FFE];
	_ =	sdelay $0x1  }
0x8a: {  	s1 =	srdreg.scid  }
0x8b: {  	s0 =	sand.u32 $0x1, s1  }
0x8c: {  	s16 =	sshll.u32 s0, $0xA;
	s2 =	sadd.s32 s3, s2  }
0x8d: {  	s2 =	sadd.s32 s2, s16  }
0x8e: {  	[smem:$0x3FBC] =	sst s2  }
0x8f: {  	_ = 	snop  }
0x90: {  	(tm) =	ssettm $0x1  }
0x91: {  	s17 =	sld [smem:$0x3FFB];
	_ =	sdelay $0x3  }
0x92: {  	_ =	strace s17  }
0x93: {  	s2 =	sld [smem:$0x3FFC];
	_ =	sdelay $0x3  }
0x94: {  	_ =	strace s2  }
0x95: {  	s2 =	sld [smem:$0x3FFD];
	_ =	sdelay $0x3  }
0x96: {  	_ =	strace s2  }
0x97: {  	_ =	strace $0x8FFFFFFF  }
0x98: {  	s18 =	sld [smem:$0x3FDB];
	_ =	sdelay $0x1  }
0x99: {  	s19 =	simm.s32 $_scs_section_size  }
0x9a: {  	s4 =	simm.s32 $_size__tile_overlayer_lowered;
	s5 =	simm.s32 $_tile_overlayer_lowered  }
0x9b: {  	s22 =	simm.s32 $0x1BFF;
	s21 =	sshll.u32 s5, $0x1;
	s2 =	sadd.s32 s19, s18  }
0x9c: {  	s6 =	simm.s32 $0x0;
	s20 =	sshll.u32 s4, $0x1;
	s4 =	sadd.s32 s21, s2  }
0x9d: {  	[timem:s6], [sflag:s22] =	dma.local [hbm:s4], s20  }
0x9e: {  	_ =	swait.ge [sflag:s22], s20  }
0x9f: {  	s3 =	ssub.s32 $0x0, s20;
	[sflag:s22] =	ssyncset.done $0x0  }
0xa0: {  	[sflag:s22] =	ssyncadd.s32 s3;
	_ =	sdelay $0x1  }
0xa1: {  	s23 =	simm.s32 $0x1B8B  }
0xa2: {  	_ =	swait.ge [sflag:s23], $0x1  }
0xa3: {  	[sflag:s23] =	ssyncset.done $0x0  }
0xa4: {  	s25 =	simm.s32 $0x1B8E;
	s24 =	sld [smem:$0x3FFE];
	[sflag:s23] =	ssyncadd.s32 $0xFFFFFFFF  }
0xa5: {  	s26 =	simm.s32 $execute0_lowered;
	[smem:$0x3FD2] =	sst s25  }
0xa6: {  	s4 =	sshll.u32 s26, $0x1;
	_ =	strace $0x8000004F;
	[dreg:$0x1] =	wrdreg $0xFFFFFFFF  }
0xa7: {  	s28 =	simm.s32 $_size_execute0_lowered;
	s2 =	sadd.s32 s2, s4;
	[dreg:$0x0] =	wrdreg $0x0  }
0xa8: {  	s4 =	sshll.u32 s28, $0x1;
	[dreg:$0x2] =	wrdreg s2  }
0xa9: {  	[dreg:$0x3] =	wrdreg s4  }
0xaa: {  	[dreg:$0x4] =	wrdreg $0xC0  }
0xab: {  	_ =	task [dreg:s6], $0x5FFFF  }
0xac: {  	[dreg:$0x1] =	wrdreg $0xFFFFFFFF  }
0xad: {  	[dreg:$0x0] =	wrdreg $0x60  }
0xae: {  	[dreg:$0x2] =	wrdreg s24  }
0xaf: {  	[dreg:$0x3] =	wrdreg $0xA4000  }
0xb0: {  	[dreg:$0x4] =	wrdreg $0x9  }
0xb1: {  	_ =	task.clear_ibuf [dreg:s6], $0x5FFFF;
	_ =	strace $0x9000004F  }
0xb2: {  	s29 =	simm.s32 $0x9;
	_ =	strace $0x80000051  }
0xb3: {  	_ =	swait.ge [sflag:s29], $0x1  }
0xb4: {  	[sflag:s29] =	ssyncadd.s32 $0xFFFFFFFF  }
0xb5: {  	_ =	strace $0x90000051  }
0xb6: {  	_ =	sfence  }
0xb7: {  	s30 =	sld [smem:$0x0];
	_ =	sdelay $0x2  }
0xb8: {  	s31 =	sshll.u32 s1, $0xD;
	s1 =	sshrl.u32 s1, $0x2  }
0xb9: {  	s3 =	sand.u32 $0x4000, s31;
	s1 =	sadd.s32 s1, s30  }
0xba: {  	s0 =	sor.u32 s3, s0;
	s1 =	sshll.u32 s1, $0x11  }
0xbb: {  	s0 =	sor.u32 s1, s0  }
0xbc: {  	s0 =	sadd.s32 $0x8F2B, s0  }
0xbd: {  	[sflag:s0] =	ssyncadd.remote.s32 $0x1  }
0xbe: {  	_ =	sfence.sel $0xFFFF  }
0xbf: {  	[dreg:$0x0] =	wrdreg $0xFFFFFFFF;
	(pc) =	sbr.abs _section_cstart, $3  }
0xc0: {  	[dreg:$0x1] =	wrdreg $0xFFFFFFFF  }
0xc1: {  	_ =	task.clear_ibuf [dreg:s6], $0x2FFFF;
	_ =	strace $0x9FFFFFFF  }
0xc2: {  	(tm) =	ssettm $0x7FFFFFFF  }
0xc3: {  	_ =	shalt  }
tec
execute0_lowered:
.L_overlay_start_1:
0x0: {  	(tag) =	ssettag $0x1  }
0x1: {  	s0 =	rddreg [dreg:$0x0]  }
0x2: {  	s2 =	rddreg [dreg:$0x1];
	s3 =	simm.s32 $0x0  }
0x3: {  	s12 =	stileid.u32;
	s1 =	srdreg.scid;
	s28 =	simm.s32 $0x3  }
0x4: {  	s29 =	simm.s32 $0x200;
	s30 =	simm.s32 $0x80;
	s31 =	simm.s32 $0x280  }
0x5: {  	[smem:$0x7FF] =	sst s3;
	s7 =	smul.u32 $0x14000, s12;
	s1 =	sand.u32 $0x1, s1  }
0x6: {  	s4 =	sadd.s32 $0x3F600, s0;
	s5 =	sadd.s32 $0xD800, s0;
	s6 =	sadd.s32 $0x3A00, s0  }
0x7: {  	s18 =	smul.u32 $0x50000, s12;
	s10 =	sshll.u32 s12, $0x1;
	s20 =	sshll.u32 s12, $0x6  }
0x8: {  	s24 =	smul.u32 $0x4E20, s12;
	s12 =	simm.s32 $0x2C00;
	_ =	strace $0x80000050  }
0x9: {  	s8 =	smul.u32 $0x140000, s1;
	s19 =	ssub.s32 $0x2, s1;
	s10 =	sor.u32 s1, s10  }
0xa: {  	s16 =	sor.u32 $0x1C03, s20;
	s1 =	smul.u32 $0x2710, s1;
	s9 =	sshrl.u32 s7, $0x3  }
0xb: {  	s11 =	sshrl.u32 s19, $0x1;
	s10 =	smul.u32 $0x2710, s10;
	[dreg:$0x5] =	wrdreg s16  }
0xc: {  	s9 =	sadd.s32 s9, s0;
	s7 =	sadd.s32 s7, s8;
	s8 =	sshrl.u32 s18, $0x2  }
0xd: {  	s1 =	sadd.s32 s1, s24;
	s7 =	sshrl.u32 s7, $0x3;
	s8 =	sadd.s32 s8, s2  }
0xe: {  	s9 =	sadd.s32 $0x17600, s9;
	s21 =	sshrl.u32 s10, $0x3;
	s10 =	simm.s32 $0x50  }
0xf: {  	s0 =	sadd.s32 s7, s0;
	s7 =	ssub.s32 s19, s11;
	[dreg:$0x3] =	wrdreg s8  }
0x10: {  	[dreg:$0x4] =	wrdreg s9;
	s22 =	sadd.s32 s5, s21;
	s23 =	sadd.s32 s6, s21  }
0x11: {  	s25 =	sadd.s32 $0xA, s21;
	s26 =	sadd.s32 $0x14, s21;
	[dreg:$0x6] =	wrdreg s22  }
0x12: {  	s8 =	sadd.s32 $0x1E, s21;
	[dreg:$0x7] =	wrdreg s23;
	s13 =	sadd.s32 s5, s25  }
0x13: {  	s19 =	sadd.s32 $0x230, s1;
	s14 =	sadd.s32 s6, s25;
	[dreg:$0x8] =	wrdreg s13  }
0x14: {  	s11 =	simm.s32 $0x400;
	s15 =	sadd.s32 s5, s26;
	[dreg:$0x9] =	wrdreg s14  }
0x15: {  	s17 =	sadd.s32 s6, s26;
	s18 =	sadd.s32 s5, s8;
	[dreg:$0xa] =	wrdreg s15  }
0x16: {  	s8 =	sadd.s32 s6, s8;
	s0 =	sadd.s32 $0xE5400, s0;
	[dreg:$0xb] =	wrdreg s17  }
0x17: {  	s20 =	smax.u32 s7, $0x1;
	s21 =	sshrl.u32 s19, $0x3;
	[dreg:$0xc] =	wrdreg s18  }
0x18: {  	s22 =	sadd.s32 $0x1E0, s1;
	s23 =	sadd.s32 $0x190, s1;
	[dreg:$0xd] =	wrdreg s8  }
0x19: {  	s26 =	sadd.s32 $0x140, s1;
	s1 =	simm.s32 $0x180;
	[dreg:$0xe] =	wrdreg s0  }
0x1a: {  	s7 =	simm.s32 $0x380;
	[dreg:$0xf] =	wrdreg s20;
	s20 =	sadd.s32 s21, s6  }
.Ltmp0:
0x1b: {  	s21 =	sadd.s32 s21, s5;
	s24 =	sshrl.u32 s22, $0x3;
	(pc) =	sbr.rel .LBB2_1-.Ltmp0, $4  }
0x1c: {  	s25 =	sshrl.u32 s23, $0x3;
	[dreg:$0x10] =	wrdreg s26;
	s0 =	simm.s32 $0x100  }
0x1d: {  	s8 =	simm.s32 $0x1;
	s13 =	simm.s32 $0x5400;
	s14 =	simm.s32 $0x7C00  }
0x1e: {  	s15 =	simm.s32 $0x2;
	s17 =	simm.s32 $0x0;
	s22 =	sadd.s32 s24, s6  }
0x1f: {  	s23 =	sadd.s32 s24, s5;
	s24 =	sadd.s32 s25, s6;
	s25 =	sadd.s32 s25, s5  }
.LBB2_4:
0x20: {  	_ =	swait.ge [sflag:s8], $0x50  }
0x21: {  	[sflag:s8] =	ssyncset.done $0x0  }
0x22: {  	[sflag:s8] =	ssyncadd.s32 $0xFFFFFFB0  }
0x23: {  	_ =	swait.ge [sflag:s8], $0x50  }
0x24: {  	[sflag:s8] =	ssyncset.done $0x0  }
0x25: {  	[sflag:s8] =	ssyncadd.s32 $0xFFFFFFB0  }
0x26: {  	[tilespmem:s11], [sflag:$0x2] =	stream.indirect.gather [hbm4b:s4+s10], $0x80, s3, s10, $0xb8;
	[tilespmem:$0x1E400] =	vst v63  }
0x27: {  	_ =	swait.ge [sflag:s15], $0x2800  }
0x28: {  	[sflag:s15] =	ssyncset.done $0x0  }
0x29: {  	[sflag:s15] =	ssyncadd.s32 $0xFFFFD800  }
0x2a: {  	[spmem:s2] =	stream.indirect.scatter.add.f32 [tilespmem:s11], [sflag:$0x3], $0x80, s29, s10, $0xb8;
	[tilespmem:$0x1E400] =	vst v63  }
0x2b: {  	_ =	swait.ge [sflag:s28], $0x2800  }
0x2c: {  	[sflag:s28] =	ssyncset.done $0x0  }
0x2d: {  	[sflag:s28] =	ssyncadd.s32 $0xFFFFD800  }
0x2e: {  	[bflag:$0x0] =	sbarrier.arrive $0xFFFF  }
0x2f: {  	s16 =	rddreg [dreg:$0x5]  }
0x30: {  	s9 =	rddreg [dreg:$0xe]  }
0x31: {  	s17 =	rddreg [dreg:$0x12]  }
0x32: {  	[hbm:s9], [sflag:s16] =	dma.local [spmem:s17], $0x2800  }
0x33: {  	_ =	swait.ge [sflag:s28], $0x2800  }
0x34: {  	s19 =	rddreg [dreg:$0x11]  }
0x35: {  	s26 =	rddreg [dreg:$0xf];
	s17 =	sadd.s32 $0x1, s19  }
0x36: {  	p0 =	sne.s32 s17, s26  }
.Ltmp1:
0x37: {  	_ = 	snop;
	(pc) =	sbr.rel @!p0 .LBB2_5-.Ltmp1, $3  }
0x38: {  	_ =	sdelay $0x1  }
0x39: {  	[sflag:s28] =	ssyncset.done $0x0  }
0x3a: {  	[sflag:s28] =	ssyncadd.s32 $0xFFFFD800  }
.LBB2_1:
0x3b: {  	[dreg:$0x11] =	wrdreg s17  }
0x3c: {  	s9 =	rddreg [dreg:$0x3]  }
0x3d: {  	s26 =	rddreg [dreg:$0x4];
	s19 =	sshrl.u32 s9, $0x3  }
0x3e: {  	[dreg:$0x12] =	wrdreg s19  }
0x3f: {  	[spmem:s19], [sflag:s16] =	dma.local [hbm:s26], $0x2800  }
0x40: {  	_ =	swait.ge [sflag:s28], $0x2800  }
0x41: {  	[sflag:s28] =	ssyncset.done $0x0  }
0x42: {  	[sflag:s28] =	ssyncadd.s32 $0xFFFFD800  }
0x43: {  	[bflag:$0x0] =	sbarrier.arrive $0xFFFF  }
0x44: {  	s17 =	rddreg [dreg:$0x6]  }
0x45: {  	[tilespmem:s3], [sflag:$0x1] =	stream.linear.gather [hbm4b:s17+s3], $0x50, $0x38;
	[tilespmem:$0x1E400] =	vst v63  }
0x46: {  	s18 =	rddreg [dreg:$0x7]  }
0x47: {  	[tilespmem:s29], [sflag:$0x1] =	stream.linear.gather [hbm4b:s18+s3], $0x50, $0x38;
	[tilespmem:$0x1E400] =	vst v63  }
0x48: {  	s19 =	rddreg [dreg:$0x8]  }
0x49: {  	[tilespmem:s30], [sflag:$0x1] =	stream.linear.gather [hbm4b:s19+s3], $0x50, $0x38;
	[tilespmem:$0x1E400] =	vst v63  }
0x4a: {  	s26 =	rddreg [dreg:$0x9]  }
0x4b: {  	[tilespmem:s31], [sflag:$0x1] =	stream.linear.gather [hbm4b:s26+s3], $0x50, $0x38;
	[tilespmem:$0x1E400] =	vst v63  }
0x4c: {  	s16 =	rddreg [dreg:$0xa]  }
0x4d: {  	[tilespmem:s0], [sflag:$0x1] =	stream.linear.gather [hbm4b:s16+s3], $0x50, $0x38;
	[tilespmem:$0x1E400] =	vst v63  }
0x4e: {  	s17 =	rddreg [dreg:$0xb];
	s18 =	simm.s32 $0x300  }
0x4f: {  	[tilespmem:s18], [sflag:$0x1] =	stream.linear.gather [hbm4b:s17+s3], $0x50, $0x38;
	[tilespmem:$0x1E400] =	vst v63  }
0x50: {  	s19 =	rddreg [dreg:$0xc]  }
0x51: {  	[tilespmem:s1], [sflag:$0x1] =	stream.linear.gather [hbm4b:s19+s3], $0x50, $0x38;
	[tilespmem:$0x1E400] =	vst v63  }
0x52: {  	s26 =	rddreg [dreg:$0xd]  }
0x53: {  	[tilespmem:s7], [sflag:$0x1] =	stream.linear.gather [hbm4b:s26+s3], $0x50, $0x38;
	[tilespmem:$0x1E400] =	vst v63  }
0x54: {  	s19 =	simm.s32 $0x0;
	s26 =	rddreg [dreg:$0x10]  }
.LBB2_2:
0x55: {  	_ =	swait.ge [sflag:s8], $0x50  }
0x56: {  	[sflag:s8] =	ssyncset.done $0x0  }
0x57: {  	[sflag:s8] =	ssyncadd.s32 $0xFFFFFFB0  }
0x58: {  	_ =	swait.ge [sflag:s8], $0x50  }
0x59: {  	[sflag:s8] =	ssyncset.done $0x0  }
0x5a: {  	[sflag:s8] =	ssyncadd.s32 $0xFFFFFFB0  }
0x5b: {  	[tilespmem:s11], [sflag:$0x2] =	stream.indirect.gather [hbm4b:s4+s10], $0x80, s3, s10, $0xb8;
	[tilespmem:$0x1E400] =	vst v63  }
0x5c: {  	_ =	swait.ge [sflag:s8], $0x50  }
0x5d: {  	[sflag:s8] =	ssyncset.done $0x0  }
0x5e: {  	[sflag:s8] =	ssyncadd.s32 $0xFFFFFFB0  }
0x5f: {  	_ =	swait.ge [sflag:s8], $0x50  }
0x60: {  	[sflag:s8] =	ssyncset.done $0x0  }
0x61: {  	[sflag:s8] =	ssyncadd.s32 $0xFFFFFFB0  }
0x62: {  	[tilespmem:s12], [sflag:$0x2] =	stream.indirect.gather [hbm4b:s4+s10], $0x80, s30, s10, $0xb8;
	[tilespmem:$0x1E400] =	vst v63  }
0x63: {  	_ =	swait.ge [sflag:s8], $0x50  }
0x64: {  	[sflag:s8] =	ssyncset.done $0x0  }
0x65: {  	[sflag:s8] =	ssyncadd.s32 $0xFFFFFFB0  }
0x66: {  	_ =	swait.ge [sflag:s8], $0x50  }
0x67: {  	[sflag:s8] =	ssyncset.done $0x0  }
0x68: {  	[sflag:s8] =	ssyncadd.s32 $0xFFFFFFB0  }
0x69: {  	[tilespmem:s13], [sflag:$0x2] =	stream.indirect.gather [hbm4b:s4+s10], $0x80, s0, s10, $0xb8;
	[tilespmem:$0x1E400] =	vst v63  }
0x6a: {  	_ =	swait.ge [sflag:s8], $0x50  }
0x6b: {  	[sflag:s8] =	ssyncset.done $0x0  }
0x6c: {  	[sflag:s8] =	ssyncadd.s32 $0xFFFFFFB0  }
0x6d: {  	_ =	swait.ge [sflag:s8], $0x50  }
0x6e: {  	[sflag:s8] =	ssyncset.done $0x0  }
0x6f: {  	[sflag:s8] =	ssyncadd.s32 $0xFFFFFFB0  }
0x70: {  	[tilespmem:s14], [sflag:$0x2] =	stream.indirect.gather [hbm4b:s4+s10], $0x80, s1, s10, $0xb8;
	[tilespmem:$0x1E400] =	vst v63  }
0x71: {  	_ =	swait.ge [sflag:s15], $0x2800  }
0x72: {  	[sflag:s15] =	ssyncset.done $0x0  }
0x73: {  	[sflag:s15] =	ssyncadd.s32 $0xFFFFD800  }
0x74: {  	[spmem:s2] =	stream.indirect.scatter.add.f32 [tilespmem:s11], [sflag:$0x3], $0x80, s29, s10, $0xb8;
	[tilespmem:$0x1E400] =	vst v63  }
0x75: {  	_ =	swait.ge [sflag:s28], $0x2800  }
0x76: {  	s18 =	sshrl.u32 s26, $0x3;
	[sflag:s28] =	ssyncset.done $0x0  }
0x77: {  	s9 =	sadd.s32 s5, s18;
	[sflag:s28] =	ssyncadd.s32 $0xFFFFD800  }
0x78: {  	[tilespmem:s3], [sflag:$0x1] =	stream.linear.gather [hbm4b:s9+s3], $0x50, $0x38;
	[tilespmem:$0x1E400] =	vst v63  }
0x79: {  	s18 =	sadd.s32 s6, s18  }
0x7a: {  	[tilespmem:s29], [sflag:$0x1] =	stream.linear.gather [hbm4b:s18+s3], $0x50, $0x38;
	[tilespmem:$0x1E400] =	vst v63  }
0x7b: {  	_ =	swait.ge [sflag:s15], $0x2800  }
0x7c: {  	[sflag:s15] =	ssyncset.done $0x0  }
0x7d: {  	[sflag:s15] =	ssyncadd.s32 $0xFFFFD800  }
0x7e: {  	[spmem:s2] =	stream.indirect.scatter.add.f32 [tilespmem:s12], [sflag:$0x3], $0x80, s31, s10, $0xb8;
	[tilespmem:$0x1E400] =	vst v63  }
0x7f: {  	_ =	swait.ge [sflag:s28], $0x2800  }
0x80: {  	p0 =	seq.s32 s19, $0x4B0;
	[sflag:s28] =	ssyncset.done $0x0  }
0x81: {  	s9 =	simm.s32 @p0 $0x2;
	[sflag:s28] =	ssyncadd.s32 $0xFFFFD800  }
0x82: {  	_ =	swait.ge @p0 [sflag:s9], $0x2800  }
0x83: {  	s17 =	simm.s32 @p0 $0x5400;
	[sflag:s9] =	ssyncset.done @p0 $0x0  }
0x84: {  	s18 =	simm.s32 @p0 $0x300;
	[sflag:s9] =	ssyncadd.s32 @p0 $0xFFFFD800;
	s9 =	simm.s32 @p0 $0x50  }
0x85: {  	[spmem:s2] =	stream.indirect.scatter.add.f32 @p0 [tilespmem:s17], [sflag:$0x3], $0x80, s18, s9, $0xb8;
	[tilespmem:$0x1E400] =	vst v63  }
0x86: {  	s9 =	simm.s32 @p0 $0x3  }
0x87: {  	_ =	swait.ge @p0 [sflag:s9], $0x2800  }
0x88: {  	s17 =	simm.s32 @!p0 $0x0;
	[sflag:s9] =	ssyncset.done @p0 $0x0  }
0x89: {  	s18 =	simm.s32 @!p0 $0x80;
	[sflag:s9] =	ssyncadd.s32 @p0 $0xFFFFD800;
	s9 =	sadd.s32 @!p0 s19, s25  }
0x8a: {  	[tilespmem:s18], [sflag:$0x1] =	stream.linear.gather @!p0 [hbm4b:s9+s17], $0x50, $0x38;
	[tilespmem:$0x1E400] =	vst v63  }
0x8b: {  	s9 =	sadd.s32 @!p0 s19, s24;
	s18 =	simm.s32 @!p0 $0x280  }
0x8c: {  	[tilespmem:s18], [sflag:$0x1] =	stream.linear.gather @!p0 [hbm4b:s9+s17], $0x50, $0x38;
	[tilespmem:$0x1E400] =	vst v63  }
0x8d: {  	s9 =	simm.s32 @!p0 $0x2  }
0x8e: {  	_ =	swait.ge @!p0 [sflag:s9], $0x2800  }
0x8f: {  	s16 =	simm.s32 @!p0 $0x5400;
	[sflag:s9] =	ssyncset.done @!p0 $0x0  }
0x90: {  	s18 =	simm.s32 @!p0 $0x300;
	[sflag:s9] =	ssyncadd.s32 @!p0 $0xFFFFD800;
	s9 =	simm.s32 @!p0 $0x50  }
0x91: {  	[spmem:s2] =	stream.indirect.scatter.add.f32 @!p0 [tilespmem:s16], [sflag:$0x3], $0x80, s18, s9, $0xb8;
	[tilespmem:$0x1E400] =	vst v63  }
0x92: {  	s9 =	simm.s32 @!p0 $0x3  }
0x93: {  	_ =	swait.ge @!p0 [sflag:s9], $0x2800  }
0x94: {  	[sflag:s9] =	ssyncset.done @!p0 $0x0  }
0x95: {  	s16 =	simm.s32 @!p0 $0x100;
	[sflag:s9] =	ssyncadd.s32 @!p0 $0xFFFFD800;
	s9 =	sadd.s32 @!p0 s19, s23  }
0x96: {  	[tilespmem:s16], [sflag:$0x1] =	stream.linear.gather @!p0 [hbm4b:s9+s17], $0x50, $0x38;
	[tilespmem:$0x1E400] =	vst v63  }
0x97: {  	s9 =	sadd.s32 @!p0 s19, s22  }
0x98: {  	[tilespmem:s18], [sflag:$0x1] =	stream.linear.gather @!p0 [hbm4b:s9+s17], $0x50, $0x38;
	[tilespmem:$0x1E400] =	vst v63  }
0x99: {  	_ =	swait.ge [sflag:s15], $0x2800  }
0x9a: {  	[sflag:s15] =	ssyncset.done $0x0  }
.Ltmp2:
0x9b: {  	[sflag:s15] =	ssyncadd.s32 $0xFFFFD800;
	(pc) =	sbr.rel @p0 .LBB2_4-.Ltmp2, $4  }
0x9c: {  	[spmem:s2] =	stream.indirect.scatter.add.f32 [tilespmem:s14], [sflag:$0x3], $0x80, s7, s10, $0xb8;
	[tilespmem:$0x1E400] =	vst v63  }
0x9d: {  	_ =	swait.ge [sflag:s28], $0x2800  }
0x9e: {  	[sflag:s28] =	ssyncset.done $0x0  }
0x9f: {  	[sflag:s28] =	ssyncadd.s32 $0xFFFFD800  }
.Ltmp3:
0xa0: {  	(pc) =	sbr.rel .LBB2_2-.Ltmp3, $4  }
0xa1: {  	s9 =	sadd.s32 s19, s21  }
0xa2: {  	[tilespmem:s1], [sflag:$0x1] =	stream.linear.gather [hbm4b:s9+s3], $0x50, $0x38;
	[tilespmem:$0x1E400] =	vst v63  }
0xa3: {  	s18 =	sadd.s32 s19, s20;
	s19 =	sadd.s32 $0x28, s19;
	s26 =	sadd.s32 $0x140, s26  }
0xa4: {  	[tilespmem:s7], [sflag:$0x1] =	stream.linear.gather [hbm4b:s18+s3], $0x50, $0x38;
	[tilespmem:$0x1E400] =	vst v63  }
.LBB2_5:
0xa5: {  	_ =	sfence.sel $0x180000  }
0xa6: {  	[bflag:$0x0] =	sbarrier.arrive $0xFFFF  }
0xa7: {  	_ =	strace $0x90000050  }
0xa8: {  	s0 =	stileid.u32;
	[bflag:$0x2] =	sbarrier.arrive $0xFFFF  }
0xa9: {  	p0 =	sne.s32 s0, $0x0;
	s0 =	rddreg [dreg:$0x2]  }
0xaa: {  	s0 =	sadd.s32 @!p0 $0x100000, s0  }
0xab: {  	[sflag:s0] =	ssyncadd.tile.s32 @!p0 $0x1;
	_ =	shalt  }
.Lfunc_end2:
_tile_overlayer_lowered:
.L_overlay_start_2:
0xac: {  	(tag) =	ssettag $0x2  }
0xad: {  	s0 =	rddreg [dreg:$0x0];
	s2 =	stileid.u32  }
0xae: {  	s1 =	rddreg [dreg:$0x1];
	p0 =	sne.s32 s2, $0x0  }
0xaf: {  	s3 =	rddreg [dreg:$0x2];
	[bflag:$0x3] =	sbarrier.arrive $0xFFFF;
	s2 =	simm.s32 @!p0 $0x1C03  }
0xb0: {  	[timem:s3], [sflag:s2] =	dma.local @!p0 [hbm:s0], s1  }
0xb1: {  	s0 =	simm.s32 @!p0 $0x3  }
0xb2: {  	_ =	swait.ge @!p0 [sflag:s0], s1  }
0xb3: {  	s1 =	ssub.s32 @!p0 $0x0, s1;
	[sflag:s0] =	ssyncset.done @!p0 $0x0  }
0xb4: {  	[sflag:s0] =	ssyncadd.s32 @!p0 s1  }
0xb5: {  	[bflag:$0x3] =	sbarrier.arrive $0xFFFF  }
0xb6: {  	_ =	shalt  }

</sc_bundles>
